<compile_context>
chip_gen: v7x
topology: tpu7x:2x2x1
jax: 0.10.2.dev20260603
libtpu: 0.0.44.dev20260713+nightly
codegen_flags: <defaults>
</compile_context>

<pallas_src>
import jax
import jax.numpy as jnp
import numpy as np
from jax import lax
from jax.experimental import pallas as pl
from jax.experimental.pallas import tpu as pltpu
from jax.experimental.pallas import tpu_sc as plsc

N_POINTS = 262144
NUM_CORES = 2
NUM_SUBCORES = 16
PER_TILE = N_POINTS // NUM_SUBCORES
N_PASSES = 4
PASS_PTS = PER_TILE // N_PASSES
LANES = 16
PASS_ITERS = PASS_PTS // LANES

SIZES = (np.float32(0.1), np.float32(0.2), np.float32(0.4))
GRIDS = (1024, 512, 256)
BASES = (0, 1024 * 1024, 1024 * 1024 + 512 * 512)
C = 1024 * 1024 + 512 * 512 + 256 * 256
C0 = BASES[1]
C1 = C - C0
SHIFT = np.float32(51.2)

CHUNK = 128
ROWS0 = PASS_PTS // CHUNK
ROWS1 = 2 * ROWS0
IPR = CHUNK // LANES
ZB = 2048
NZ0 = C0 // NUM_SUBCORES // ZB
NZ1 = C1 // NUM_SUBCORES // ZB
Z0 = C0 // NUM_SUBCORES
Z1 = C1 // NUM_SUBCORES


def _scatter_body(xs_hbm, ys_hbm, out_hbm, xv, yv, idxb, ones, zb, grid_sh,
                  sem_ld, sem_a, sem_b, sem_z):
    cid = lax.axis_index("c")
    sid = lax.axis_index("s")
    is0 = cid == 0
    tbase = sid * PER_TILE
    sems = (sem_a, sem_b)

    def load_pass(pp):
        k = pp % 2
        dx = pltpu.async_copy(
            xs_hbm.at[pl.ds(tbase + pp * PASS_PTS, PASS_PTS)], xv.at[k],
            sem_ld)
        dy = pltpu.async_copy(
            ys_hbm.at[pl.ds(tbase + pp * PASS_PTS, PASS_PTS)], yv.at[k],
            sem_ld)
        return dx, dy

    d0 = load_pass(0)

    @plsc.parallel_loop(0, ZB // LANES, unroll=8)
    def _fill_zb(i):
        zb[pl.ds(i * LANES, LANES)] = jnp.zeros((LANES,), jnp.float32)

    @plsc.parallel_loop(0, CHUNK // LANES, unroll=8)
    def _fill_ones(i):
        ones[pl.ds(i * LANES, LANES)] = jnp.ones((LANES,), jnp.float32)

    zbase = jnp.where(is0, sid * Z0, C0 + sid * Z1)
    nz = jnp.where(is0, NZ0, NZ1)

    def _zero_fire(j, _):
        pltpu.async_copy(zb, grid_sh.at[pl.ds(zbase + j * ZB, ZB)], sem_z)
        return 0

    lax.fori_loop(0, nz, _zero_fire, 0)

    nrows = jnp.where(is0, ROWS0, ROWS1)

    def quant_pass(pp):
        k = pp % 2

        def _q(i):
            x = xv[k, pl.ds(i * LANES, LANES)]
            y = yv[k, pl.ds(i * LANES, LANES)]
            cx = ((x + SHIFT) / SIZES[0]).astype(jnp.int32)
            cy = ((y + SHIFT) / SIZES[0]).astype(jnp.int32)
            cx = jnp.minimum(jnp.maximum(cx, 0), GRIDS[0] - 1)
            cy = jnp.minimum(jnp.maximum(cy, 0), GRIDS[0] - 1)
            row = i // IPR
            col = (i % IPR) * LANES

            @pl.when(is0)
            def _():
                idxb[k, row, pl.ds(col, LANES)] = cy * 1024 + cx

            @pl.when(jnp.logical_not(is0))
            def _():
                idxb[k, row, pl.ds(col, LANES)] = (
                    (cy >> 1) * 512 + (cx >> 1) + BASES[1])
                idxb[k, ROWS0 + row, pl.ds(col, LANES)] = (
                    (cy >> 2) * 256 + (cx >> 2) + BASES[2])

        plsc.parallel_loop(0, PASS_ITERS, unroll=4)(_q)

    def fire_pass(pp):
        k = pp % 2

        def _f(j, _):
            pltpu.async_copy(ones, grid_sh.at[idxb.at[k, j]], sems[k])
            return 0

        lax.fori_loop(0, nrows, _f, 0)

    def drain_pass(pp):
        k = pp % 2

        def _d(j, _):
            pltpu.make_async_copy(ones, grid_sh.at[idxb.at[k, j]],
                                  sems[k]).wait()
            return 0

        lax.fori_loop(0, nrows, _d, 0)

    d0[0].wait()
    d0[1].wait()
    d1 = load_pass(1)
    with jax.named_scope("ph_quant0"):
        quant_pass(0)

    with jax.named_scope("ph_zdrain"):
        def _zero_drain(j, _):
            pltpu.make_async_copy(
                zb, grid_sh.at[pl.ds(zbase + j * ZB, ZB)], sem_z).wait()
            return 0

        lax.fori_loop(0, nz, _zero_drain, 0)
        plsc.subcore_barrier()

    fire_pass(0)
    d1[0].wait()
    d1[1].wait()
    d2 = load_pass(2)
    with jax.named_scope("ph_quant1"):
        quant_pass(1)
    fire_pass(1)
    drain_pass(0)
    d2[0].wait()
    d2[1].wait()
    d3 = load_pass(3)
    with jax.named_scope("ph_quant2"):
        quant_pass(2)
    fire_pass(2)
    drain_pass(1)
    d3[0].wait()
    d3[1].wait()
    with jax.named_scope("ph_quant3"):
        quant_pass(3)
    fire_pass(3)
    with jax.named_scope("ph_sdrain"):
        drain_pass(2)
        drain_pass(3)
        plsc.subcore_barrier()

    with jax.named_scope("ph_wb"):
        zlen = jnp.where(is0, Z0, Z1)
        pltpu.sync_copy(grid_sh.at[pl.ds(zbase, zlen)],
                        out_hbm.at[pl.ds(zbase, zlen)])


_scatter_call = pl.kernel(
    _scatter_body,
    out_type=jax.ShapeDtypeStruct((C,), jnp.float32),
    mesh=plsc.VectorSubcoreMesh(core_axis_name="c", subcore_axis_name="s"),
    scratch_types=[
        pltpu.VMEM((2, PASS_PTS), jnp.float32),
        pltpu.VMEM((2, PASS_PTS), jnp.float32),
        pltpu.VMEM((2, ROWS1, CHUNK), jnp.int32),
        pltpu.VMEM((CHUNK,), jnp.float32),
        pltpu.VMEM((ZB,), jnp.float32),
        pltpu.VMEM_SHARED((C,), jnp.float32),
        pltpu.SemaphoreType.DMA,
        pltpu.SemaphoreType.DMA,
        pltpu.SemaphoreType.DMA,
        pltpu.SemaphoreType.DMA,
    ],
)

S0 = 32 * 1024
S1 = 32 * 512
S2 = 32 * 256


def _reduce_body(a0, b0, c0, o0_ref, o1_ref, o2_ref):
    b = pl.program_id(0)

    def occ(r, nrows):
        return (r[...].reshape(nrows, 1024) > 0.0).astype(jnp.float32)

    def put(ref, lane, val):
        li = lax.broadcasted_iota(jnp.int32, ref.shape, 2)
        ref[...] = jnp.where(li == lane, val.astype(jnp.int32), ref[...])

    oa = occ(a0, 256)
    for k in range(8):
        put(o0_ref, 8 * b + k, jnp.sum(oa[32 * k:32 * (k + 1)]))
    ob = occ(b0, 64)
    for k in range(4):
        put(o1_ref, 4 * b + k, jnp.sum(ob[16 * k:16 * (k + 1)]))
    oc = occ(c0, 16)
    for k in range(2):
        put(o2_ref, 2 * b + k, jnp.sum(oc[8 * k:8 * (k + 1)]))


_reduce_call = pl.pallas_call(
    _reduce_body,
    grid=(4,),
    in_specs=[
        pl.BlockSpec((8 * S0,), lambda b: (b,)),
        pl.BlockSpec((4 * S1,), lambda b: (BASES[1] // (4 * S1) + b,)),
        pl.BlockSpec((2 * S2,), lambda b: (BASES[2] // (2 * S2) + b,)),
    ],
    out_specs=[
        pl.BlockSpec((1, 1, 32), lambda b: (0, 0, 0)),
        pl.BlockSpec((1, 1, 16), lambda b: (0, 0, 0)),
        pl.BlockSpec((1, 1, 8), lambda b: (0, 0, 0)),
    ],
    out_shape=[
        jax.ShapeDtypeStruct((1, 1, 32), jnp.int32),
        jax.ShapeDtypeStruct((1, 1, 16), jnp.int32),
        jax.ShapeDtypeStruct((1, 1, 8), jnp.int32),
    ],
)


def kernel(points_xy):
    grid = _scatter_call(points_xy[:, 0], points_xy[:, 1])
    o0, o1, o2 = _reduce_call(grid, grid, grid)
    return (o0.reshape(1, 32), o1.reshape(1, 16), o2.reshape(1, 8))

# --- scband reference (transcript-rebuilt; emitter-appended) ---
"""Pipeline reference for scband-multi-pillar-counter-13099650252886 (READ-ONLY COPY).

The authoritative reference and input builder live on the scoring server;
editing this copy changes nothing except your own understanding.
"""

import jax, jax.numpy as jnp
import numpy as np

PILLAR_SIZES = np.array([[0.1, 0.1], [0.2, 0.2], [0.4, 0.4]], dtype=np.float32)
PC_RANGE = np.array([-51.2, -51.2, -5.0, 51.2, 51.2, 3.0], dtype=np.float32)
SLICE_SZ = 32
NUM_RES = PILLAR_SIZES.shape[0]
_xy_len = PC_RANGE[[3, 4]] - PC_RANGE[[0, 1]]
GRID_SIZES = np.round(_xy_len[None, :] / PILLAR_SIZES).astype(np.int64)  # [[1024,1024],[512,512],[256,256]]
NUM_SLICES = [int(GRID_SIZES[i, 0] // SLICE_SZ) for i in range(NUM_RES)]  # [32, 16, 8]


def setup_inputs(seed: int = 0) -> dict:
    key = jax.random.key(seed)
    n_points = 262144
    # lidar points uniformly distributed inside the point-cloud xy range
    points_xy = jax.random.uniform(key, (n_points, 2), dtype=jnp.float32,
                                   minval=float(PC_RANGE[0]), maxval=float(PC_RANGE[3]) - 1e-3)
    return {"points_xy": points_xy}


def _pillar_calc(batch_grid, ns0):
    # Faithful stand-in for PillarRes18BackBone8x_pillar_calc: counts occupied
    # pillars per slice of the grid for every resolution.
    B, R, H, W = batch_grid.shape
    slice_len = H // ns0
    counts = batch_grid.sum(axis=3).reshape(B, R, ns0, slice_len).sum(axis=3)  # [1, R, ns0]
    return counts


def reference(points_xy):
    pc_range_min = jnp.asarray(PC_RANGE[[0, 1]])
    pillar_sizes = jnp.asarray(PILLAR_SIZES)
    points_xy_s = points_xy - pc_range_min
    H, W = int(GRID_SIZES[0, 0]), int(GRID_SIZES[0, 1])
    n = points_xy.shape[0]
    expanded_pts = points_xy_s[:, None, :]  # [N, 1, 2] broadcast over resolutions
    batch_point_coords = (expanded_pts / pillar_sizes[None, :, :]).astype(jnp.int32)  # [N, R, 2]
    res_inds = jnp.tile(jnp.arange(NUM_RES, dtype=jnp.int32), n)  # matches expand+flatten
    ys = batch_point_coords[:, :, 1].reshape(-1)
    xs = batch_point_coords[:, :, 0].reshape(-1)
    batch_grid = jnp.zeros((1, NUM_RES, H, W), dtype=jnp.float32)
    batch_grid = batch_grid.at[0, res_inds, ys, xs].set(1.0)  # scatter-overwrite occupancy
    counts = _pillar_calc(batch_grid, NUM_SLICES[0])  # [1, R, ns0]
    pillar_counts = jnp.transpose(counts, (1, 0, 2)).astype(jnp.int32)  # permute(1,0,2) + int()
    pcl = tuple(pillar_counts[i][:, :NUM_SLICES[i]] for i in range(NUM_RES))
    return pcl

if __name__ == "__main__":
    import jax
    _d = setup_inputs()
    print(jax.jit(kernel)(*tuple(_d.values())))

</pallas_src>

<mosaic_0001>
#map = affine_map<(d0, d1) -> (0)>
module attributes {stable_mosaic.version = 14 : i64} {
  func.func @_scatter_body(%arg0: i32, %arg1: i32, %arg2: memref<262144xf32, #tpu.memory_space<hbm>>, %arg3: memref<262144xf32, #tpu.memory_space<hbm>>, %arg4: memref<1376256xf32, #tpu.memory_space<hbm>>, %arg5: memref<2x4096xf32, #tpu.memory_space<vmem>>, %arg6: memref<2x4096xf32, #tpu.memory_space<vmem>>, %arg7: memref<2x64x128xi32, #tpu.memory_space<vmem>>, %arg8: memref<128xf32, #tpu.memory_space<vmem>>, %arg9: memref<2048xf32, #tpu.memory_space<vmem>>, %arg10: memref<1376256xf32, #tpu.memory_space<vmem_shared>>, %arg11: memref<!tpu.dma_semaphore, #tpu.memory_space<semaphore_mem>>, %arg12: memref<!tpu.dma_semaphore, #tpu.memory_space<semaphore_mem>>, %arg13: memref<!tpu.dma_semaphore, #tpu.memory_space<semaphore_mem>>, %arg14: memref<!tpu.dma_semaphore, #tpu.memory_space<semaphore_mem>>) attributes {dimension_semantics = [#tpu.dimension_semantics<core_parallel>, #tpu.dimension_semantics<subcore_parallel>], iteration_bounds = array<i64: 2, 16>, scalar_prefetch = 0 : i64, scratch_operands = 10 : i64, tpu.core_type = #tpu.core_type<sc_vector_subcore>, window_params = [{transform_indices = #map}, {transform_indices = #map}, {transform_indices = #map}]} {
    %eq3A = arith.constant 0 : i32
    %eq3A_0 = arith.cmpi eq, %arg0, %eq3A : i32
    %mul3A = arith.constant 16384 : i32
    %mul3A_1 = arith.muli %arg1, %mul3A : i32
    %add3A = arith.constant 0 : i32
    %add3A_2 = arith.addi %mul3A_1, %add3A : i32
    %dma_start3A = arith.constant 0 : i32
    %dma_start3A_3 = arith.constant 0 : i32
    %dma_start3A_4 = tpu.memref_slice %arg5[%dma_start3A, %dma_start3A_3] : memref<2x4096xf32, #tpu.memory_space<vmem>> -> memref<1x4096xf32, #tpu.memory_space<vmem>>
    %dma_start3A_5 = tpu.memref_squeeze %dma_start3A_4 : memref<1x4096xf32, #tpu.memory_space<vmem>> -> memref<4096xf32, #tpu.memory_space<vmem>>
    %dma_start3A_6 = tpu.memref_slice %arg2[%add3A_2] : memref<262144xf32, #tpu.memory_space<hbm>> -> memref<4096xf32, #tpu.memory_space<hbm>>
    %dma_start3A_7 = arith.constant 0 : i32
    %dma_start3A_8 = tpu.memref_slice %arg5[%dma_start3A, %dma_start3A_7] : memref<2x4096xf32, #tpu.memory_space<vmem>> -> memref<1x4096xf32, #tpu.memory_space<vmem>>
    %dma_start3A_9 = tpu.memref_squeeze %dma_start3A_8 : memref<1x4096xf32, #tpu.memory_space<vmem>> -> memref<4096xf32, #tpu.memory_space<vmem>>
    %dma_start3A_10 = tpu.memref_slice %arg2[%add3A_2] : memref<262144xf32, #tpu.memory_space<hbm>> -> memref<4096xf32, #tpu.memory_space<hbm>>
    tpu.enqueue_dma source(%dma_start3A_10 : memref<4096xf32, #tpu.memory_space<hbm>>) target(%dma_start3A_9 : memref<4096xf32, #tpu.memory_space<vmem>>) target_semaphore(%arg11 : memref<!tpu.dma_semaphore, #tpu.memory_space<semaphore_mem>>)
    %add3A_11 = arith.constant 0 : i32
    %add3A_12 = arith.addi %mul3A_1, %add3A_11 : i32
    %dma_start3A_13 = arith.constant 0 : i32
    %dma_start3A_14 = arith.constant 0 : i32
    %dma_start3A_15 = tpu.memref_slice %arg6[%dma_start3A_13, %dma_start3A_14] : memref<2x4096xf32, #tpu.memory_space<vmem>> -> memref<1x4096xf32, #tpu.memory_space<vmem>>
    %dma_start3A_16 = tpu.memref_squeeze %dma_start3A_15 : memref<1x4096xf32, #tpu.memory_space<vmem>> -> memref<4096xf32, #tpu.memory_space<vmem>>
    %dma_start3A_17 = tpu.memref_slice %arg3[%add3A_12] : memref<262144xf32, #tpu.memory_space<hbm>> -> memref<4096xf32, #tpu.memory_space<hbm>>
    %dma_start3A_18 = arith.constant 0 : i32
    %dma_start3A_19 = tpu.memref_slice %arg6[%dma_start3A_13, %dma_start3A_18] : memref<2x4096xf32, #tpu.memory_space<vmem>> -> memref<1x4096xf32, #tpu.memory_space<vmem>>
    %dma_start3A_20 = tpu.memref_squeeze %dma_start3A_19 : memref<1x4096xf32, #tpu.memory_space<vmem>> -> memref<4096xf32, #tpu.memory_space<vmem>>
    %dma_start3A_21 = tpu.memref_slice %arg3[%add3A_12] : memref<262144xf32, #tpu.memory_space<hbm>> -> memref<4096xf32, #tpu.memory_space<hbm>>
    tpu.enqueue_dma source(%dma_start3A_21 : memref<4096xf32, #tpu.memory_space<hbm>>) target(%dma_start3A_20 : memref<4096xf32, #tpu.memory_space<vmem>>) target_semaphore(%arg11 : memref<!tpu.dma_semaphore, #tpu.memory_space<semaphore_mem>>)
    %parallel_loop3A = arith.constant 0 : i32
    %parallel_loop3A_22 = arith.constant 128 : i32
    %parallel_loop3A_23 = arith.constant 1 : i32
    scf.for %parallel_loop3A_310 = %parallel_loop3A to %parallel_loop3A_22 step %parallel_loop3A_23  : i32 {
      %parallel_loop3A_311 = arith.constant 0.000000e+00 : f32
      %parallel_loop3A_312 = vector.broadcast %parallel_loop3A_311 : f32 to vector<16xf32>
      %parallel_loop3A_313 = arith.constant 16 : i32
      %parallel_loop3A_314 = arith.muli %parallel_loop3A_310, %parallel_loop3A_313 : i32
      %parallel_loop3A_315 = arith.index_cast %parallel_loop3A_314 : i32 to index
      %parallel_loop3A_316 = tpu.vector_load %arg9[%parallel_loop3A_315] {strides = array<i32>} : memref<2048xf32, #tpu.memory_space<vmem>>, vector<16xf32>,
      %parallel_loop3A_317 = vector.shape_cast %parallel_loop3A_316 : vector<16xf32> to vector<16xf32>
      %parallel_loop3A_318 = vector.shape_cast %parallel_loop3A_312 : vector<16xf32> to vector<16xf32>
      tpu.vector_store %arg9[%parallel_loop3A_315], %parallel_loop3A_318 {strides = array<i32>} : memref<2048xf32, #tpu.memory_space<vmem>>, vector<16xf32>,
    } {sc.loop_unroll_factor = 8 : i64, sc.parallel_access}
    %parallel_loop3A_24 = arith.constant 0 : i32
    %parallel_loop3A_25 = arith.constant 8 : i32
    %parallel_loop3A_26 = arith.constant 1 : i32
    scf.for %parallel_loop3A_310 = %parallel_loop3A_24 to %parallel_loop3A_25 step %parallel_loop3A_26  : i32 {
      %parallel_loop3A_311 = arith.constant 1.000000e+00 : f32
      %parallel_loop3A_312 = vector.broadcast %parallel_loop3A_311 : f32 to vector<16xf32>
      %parallel_loop3A_313 = arith.constant 16 : i32
      %parallel_loop3A_314 = arith.muli %parallel_loop3A_310, %parallel_loop3A_313 : i32
      %parallel_loop3A_315 = arith.index_cast %parallel_loop3A_314 : i32 to index
      %parallel_loop3A_316 = tpu.vector_load %arg8[%parallel_loop3A_315] {strides = array<i32>} : memref<128xf32, #tpu.memory_space<vmem>>, vector<16xf32>,
      %parallel_loop3A_317 = vector.shape_cast %parallel_loop3A_316 : vector<16xf32> to vector<16xf32>
      %parallel_loop3A_318 = vector.shape_cast %parallel_loop3A_312 : vector<16xf32> to vector<16xf32>
      tpu.vector_store %arg8[%parallel_loop3A_315], %parallel_loop3A_318 {strides = array<i32>} : memref<128xf32, #tpu.memory_space<vmem>>, vector<16xf32>,
    } {sc.loop_unroll_factor = 8 : i64, sc.parallel_access}
    %mul3A_27 = arith.constant 65536 : i32
    %mul3A_28 = arith.muli %arg1, %mul3A_27 : i32
    %mul3A_29 = arith.constant 20480 : i32
    %mul3A_30 = arith.muli %arg1, %mul3A_29 : i32
    %add3A_31 = arith.constant 1048576 : i32
    %add3A_32 = arith.addi %add3A_31, %mul3A_30 : i32
    %select_n3A = arith.select %eq3A_0, %mul3A_28, %add3A_32 : i32
    %jit3A = arith.constant 32 : i32
    %jit3A_33 = arith.constant 10 : i32
    %select_n3A_34 = arith.select %eq3A_0, %jit3A, %jit3A_33 : i32
    %while3A = arith.constant 0 : i32
    %while3A_35 = arith.constant 0 : i32
    %while3A_36 = arith.subi %select_n3A_34, %while3A : i32
    %while3A_37 = arith.addi %while3A, %while3A_36 : i32
    %while3A_38 = arith.constant 1 : i32
    %while3A_39 = arith.divsi %while3A_36, %while3A_38 : i32
    %while3A_40 = arith.muli %while3A_39, %while3A_38 : i32
    %while3A_41 = arith.addi %while3A, %while3A_40 : i32
    %while3A_42 = arith.constant 1 : i32
    %while3A_43 = scf.for %while3A_310 = %while3A to %while3A_41 step %while3A_42 iter_args(%while3A_311 = %while3A_35) -> (i32)  : i32 {
      %mul3A_312 = arith.constant 2048 : i32
      %mul3A_313 = arith.muli %while3A_310, %mul3A_312 : i32
      %add3A_314 = arith.addi %select_n3A, %mul3A_313 : i32
      %dma_start3A_315 = tpu.memref_slice %arg10[%add3A_314] : memref<1376256xf32, #tpu.memory_space<vmem_shared>> -> memref<2048xf32, #tpu.memory_space<vmem_shared>>
      %dma_start3A_316 = tpu.memref_slice %arg10[%add3A_314] : memref<1376256xf32, #tpu.memory_space<vmem_shared>> -> memref<2048xf32, #tpu.memory_space<vmem_shared>>
      tpu.enqueue_dma source(%arg9 : memref<2048xf32, #tpu.memory_space<vmem>>) target(%dma_start3A_316 : memref<2048xf32, #tpu.memory_space<vmem_shared>>) target_semaphore(%arg14 : memref<!tpu.dma_semaphore, #tpu.memory_space<semaphore_mem>>)
      %while3A_317 = arith.constant 0 : i32
      scf.yield %while3A_317 : i32
    }
    %while3A_44 = arith.constant 1 : i32
    %while3A_45 = scf.for %while3A_310 = %while3A_41 to %while3A_37 step %while3A_44 iter_args(%while3A_311 = %while3A_43) -> (i32)  : i32 {
      %mul3A_312 = arith.constant 2048 : i32
      %mul3A_313 = arith.muli %while3A_310, %mul3A_312 : i32
      %add3A_314 = arith.addi %select_n3A, %mul3A_313 : i32
      %dma_start3A_315 = tpu.memref_slice %arg10[%add3A_314] : memref<1376256xf32, #tpu.memory_space<vmem_shared>> -> memref<2048xf32, #tpu.memory_space<vmem_shared>>
      %dma_start3A_316 = tpu.memref_slice %arg10[%add3A_314] : memref<1376256xf32, #tpu.memory_space<vmem_shared>> -> memref<2048xf32, #tpu.memory_space<vmem_shared>>
      tpu.enqueue_dma source(%arg9 : memref<2048xf32, #tpu.memory_space<vmem>>) target(%dma_start3A_316 : memref<2048xf32, #tpu.memory_space<vmem_shared>>) target_semaphore(%arg14 : memref<!tpu.dma_semaphore, #tpu.memory_space<semaphore_mem>>)
      %while3A_317 = arith.constant 0 : i32
      scf.yield %while3A_317 : i32
    }
    %jit3A_46 = arith.constant 32 : i32
    %jit3A_47 = arith.constant 64 : i32
    %select_n3A_48 = arith.select %eq3A_0, %jit3A_46, %jit3A_47 : i32
    %dma_wait3A = arith.constant 0 : i32
    %dma_wait3A_49 = arith.constant 0 : i32
    %dma_wait3A_50 = tpu.memref_slice %arg5[%dma_wait3A, %dma_wait3A_49] : memref<2x4096xf32, #tpu.memory_space<vmem>> -> memref<1x4096xf32, #tpu.memory_space<vmem>>
    %dma_wait3A_51 = tpu.memref_squeeze %dma_wait3A_50 : memref<1x4096xf32, #tpu.memory_space<vmem>> -> memref<4096xf32, #tpu.memory_space<vmem>>
    %dma_wait3A_52 = tpu.memref_slice %arg2[%add3A_2] : memref<262144xf32, #tpu.memory_space<hbm>> -> memref<4096xf32, #tpu.memory_space<hbm>>
    %dma_wait3A_53 = arith.constant 0 : i32
    %dma_wait3A_54 = tpu.memref_slice %arg5[%dma_wait3A, %dma_wait3A_53] : memref<2x4096xf32, #tpu.memory_space<vmem>> -> memref<1x4096xf32, #tpu.memory_space<vmem>>
    %dma_wait3A_55 = tpu.memref_squeeze %dma_wait3A_54 : memref<1x4096xf32, #tpu.memory_space<vmem>> -> memref<4096xf32, #tpu.memory_space<vmem>>
    %dma_wait3A_56 = tpu.memref_slice %arg2[%add3A_2] : memref<262144xf32, #tpu.memory_space<hbm>> -> memref<4096xf32, #tpu.memory_space<hbm>>
    tpu.wait_dma2 semaphore(%arg11 : memref<!tpu.dma_semaphore, #tpu.memory_space<semaphore_mem>>) src(%dma_wait3A_56 : memref<4096xf32, #tpu.memory_space<hbm>>) dst(%dma_wait3A_55 : memref<4096xf32, #tpu.memory_space<vmem>>)
    %dma_wait3A_57 = arith.constant 0 : i32
    %dma_wait3A_58 = arith.constant 0 : i32
    %dma_wait3A_59 = tpu.memref_slice %arg6[%dma_wait3A_57, %dma_wait3A_58] : memref<2x4096xf32, #tpu.memory_space<vmem>> -> memref<1x4096xf32, #tpu.memory_space<vmem>>
    %dma_wait3A_60 = tpu.memref_squeeze %dma_wait3A_59 : memref<1x4096xf32, #tpu.memory_space<vmem>> -> memref<4096xf32, #tpu.memory_space<vmem>>
    %dma_wait3A_61 = tpu.memref_slice %arg3[%add3A_12] : memref<262144xf32, #tpu.memory_space<hbm>> -> memref<4096xf32, #tpu.memory_space<hbm>>
    %dma_wait3A_62 = arith.constant 0 : i32
    %dma_wait3A_63 = tpu.memref_slice %arg6[%dma_wait3A_57, %dma_wait3A_62] : memref<2x4096xf32, #tpu.memory_space<vmem>> -> memref<1x4096xf32, #tpu.memory_space<vmem>>
    %dma_wait3A_64 = tpu.memref_squeeze %dma_wait3A_63 : memref<1x4096xf32, #tpu.memory_space<vmem>> -> memref<4096xf32, #tpu.memory_space<vmem>>
    %dma_wait3A_65 = tpu.memref_slice %arg3[%add3A_12] : memref<262144xf32, #tpu.memory_space<hbm>> -> memref<4096xf32, #tpu.memory_space<hbm>>
    tpu.wait_dma2 semaphore(%arg11 : memref<!tpu.dma_semaphore, #tpu.memory_space<semaphore_mem>>) src(%dma_wait3A_65 : memref<4096xf32, #tpu.memory_space<hbm>>) dst(%dma_wait3A_64 : memref<4096xf32, #tpu.memory_space<vmem>>)
    %add3A_66 = arith.constant 4096 : i32
    %add3A_67 = arith.addi %mul3A_1, %add3A_66 : i32
    %dma_start3A_68 = arith.constant 1 : i32
    %dma_start3A_69 = arith.constant 0 : i32
    %dma_start3A_70 = tpu.memref_slice %arg5[%dma_start3A_68, %dma_start3A_69] : memref<2x4096xf32, #tpu.memory_space<vmem>> -> memref<1x4096xf32, #tpu.memory_space<vmem>>
    %dma_start3A_71 = tpu.memref_squeeze %dma_start3A_70 : memref<1x4096xf32, #tpu.memory_space<vmem>> -> memref<4096xf32, #tpu.memory_space<vmem>>
    %dma_start3A_72 = tpu.memref_slice %arg2[%add3A_67] : memref<262144xf32, #tpu.memory_space<hbm>> -> memref<4096xf32, #tpu.memory_space<hbm>>
    %dma_start3A_73 = arith.constant 0 : i32
    %dma_start3A_74 = tpu.memref_slice %arg5[%dma_start3A_68, %dma_start3A_73] : memref<2x4096xf32, #tpu.memory_space<vmem>> -> memref<1x4096xf32, #tpu.memory_space<vmem>>
    %dma_start3A_75 = tpu.memref_squeeze %dma_start3A_74 : memref<1x4096xf32, #tpu.memory_space<vmem>> -> memref<4096xf32, #tpu.memory_space<vmem>>
    %dma_start3A_76 = tpu.memref_slice %arg2[%add3A_67] : memref<262144xf32, #tpu.memory_space<hbm>> -> memref<4096xf32, #tpu.memory_space<hbm>>
    tpu.enqueue_dma source(%dma_start3A_76 : memref<4096xf32, #tpu.memory_space<hbm>>) target(%dma_start3A_75 : memref<4096xf32, #tpu.memory_space<vmem>>) target_semaphore(%arg11 : memref<!tpu.dma_semaphore, #tpu.memory_space<semaphore_mem>>)
    %add3A_77 = arith.constant 4096 : i32
    %add3A_78 = arith.addi %mul3A_1, %add3A_77 : i32
    %dma_start3A_79 = arith.constant 1 : i32
    %dma_start3A_80 = arith.constant 0 : i32
    %dma_start3A_81 = tpu.memref_slice %arg6[%dma_start3A_79, %dma_start3A_80] : memref<2x4096xf32, #tpu.memory_space<vmem>> -> memref<1x4096xf32, #tpu.memory_space<vmem>>
    %dma_start3A_82 = tpu.memref_squeeze %dma_start3A_81 : memref<1x4096xf32, #tpu.memory_space<vmem>> -> memref<4096xf32, #tpu.memory_space<vmem>>
    %dma_start3A_83 = tpu.memref_slice %arg3[%add3A_78] : memref<262144xf32, #tpu.memory_space<hbm>> -> memref<4096xf32, #tpu.memory_space<hbm>>
    %dma_start3A_84 = arith.constant 0 : i32
    %dma_start3A_85 = tpu.memref_slice %arg6[%dma_start3A_79, %dma_start3A_84] : memref<2x4096xf32, #tpu.memory_space<vmem>> -> memref<1x4096xf32, #tpu.memory_space<vmem>>
    %dma_start3A_86 = tpu.memref_squeeze %dma_start3A_85 : memref<1x4096xf32, #tpu.memory_space<vmem>> -> memref<4096xf32, #tpu.memory_space<vmem>>
    %dma_start3A_87 = tpu.memref_slice %arg3[%add3A_78] : memref<262144xf32, #tpu.memory_space<hbm>> -> memref<4096xf32, #tpu.memory_space<hbm>>
    tpu.enqueue_dma source(%dma_start3A_87 : memref<4096xf32, #tpu.memory_space<hbm>>) target(%dma_start3A_86 : memref<4096xf32, #tpu.memory_space<vmem>>) target_semaphore(%arg11 : memref<!tpu.dma_semaphore, #tpu.memory_space<semaphore_mem>>)
    %parallel_loop3A_88 = arith.constant 0 : i32
    %parallel_loop3A_89 = arith.constant 256 : i32
    %parallel_loop3A_90 = arith.constant 1 : i32
    "tpu.trace_start"() <{level = 10 : i32, message = "ph_quant0"}> : () -> ()
    scf.for %parallel_loop3A_310 = %parallel_loop3A_88 to %parallel_loop3A_89 step %parallel_loop3A_90  : i32 {
      %parallel_loop3A_311 = arith.constant 16 : i32
      %parallel_loop3A_312 = arith.muli %parallel_loop3A_310, %parallel_loop3A_311 : i32
      %parallel_loop3A_313 = arith.constant 0 : i32
      %parallel_loop3A_314 = arith.index_cast %parallel_loop3A_313 : i32 to index
      %parallel_loop3A_315 = arith.index_cast %parallel_loop3A_312 : i32 to index
      %parallel_loop3A_316 = tpu.vector_load %arg5[%parallel_loop3A_314, %parallel_loop3A_315] {strides = array<i32>} : memref<2x4096xf32, #tpu.memory_space<vmem>>, vector<1x16xf32>,
      %parallel_loop3A_317 = vector.shape_cast %parallel_loop3A_316 : vector<1x16xf32> to vector<16xf32>
      %parallel_loop3A_318 = arith.constant 16 : i32
      %parallel_loop3A_319 = arith.muli %parallel_loop3A_310, %parallel_loop3A_318 : i32
      %parallel_loop3A_320 = arith.constant 0 : i32
      %parallel_loop3A_321 = arith.index_cast %parallel_loop3A_320 : i32 to index
      %parallel_loop3A_322 = arith.index_cast %parallel_loop3A_319 : i32 to index
      %parallel_loop3A_323 = tpu.vector_load %arg6[%parallel_loop3A_321, %parallel_loop3A_322] {strides = array<i32>} : memref<2x4096xf32, #tpu.memory_space<vmem>>, vector<1x16xf32>,
      %parallel_loop3A_324 = vector.shape_cast %parallel_loop3A_323 : vector<1x16xf32> to vector<16xf32>
      %parallel_loop3A_325 = arith.constant 5.120000e+01 : f32
      %parallel_loop3A_326 = vector.broadcast %parallel_loop3A_325 : f32 to vector<16xf32>
      %parallel_loop3A_327 = arith.addf %parallel_loop3A_317, %parallel_loop3A_326 : vector<16xf32>
      %parallel_loop3A_328 = arith.constant 1.000000e-01 : f32
      %parallel_loop3A_329 = vector.broadcast %parallel_loop3A_328 : f32 to vector<16xf32>
      %parallel_loop3A_330 = arith.divf %parallel_loop3A_327, %parallel_loop3A_329 : vector<16xf32>
      %parallel_loop3A_331 = arith.fptosi %parallel_loop3A_330 : vector<16xf32> to vector<16xi32>
      %parallel_loop3A_332 = arith.constant 5.120000e+01 : f32
      %parallel_loop3A_333 = vector.broadcast %parallel_loop3A_332 : f32 to vector<16xf32>
      %parallel_loop3A_334 = arith.addf %parallel_loop3A_324, %parallel_loop3A_333 : vector<16xf32>
      %parallel_loop3A_335 = arith.constant 1.000000e-01 : f32
      %parallel_loop3A_336 = vector.broadcast %parallel_loop3A_335 : f32 to vector<16xf32>
      %parallel_loop3A_337 = arith.divf %parallel_loop3A_334, %parallel_loop3A_336 : vector<16xf32>
      %parallel_loop3A_338 = arith.fptosi %parallel_loop3A_337 : vector<16xf32> to vector<16xi32>
      %parallel_loop3A_339 = arith.constant 0 : i32
      %parallel_loop3A_340 = vector.broadcast %parallel_loop3A_339 : i32 to vector<16xi32>
      %parallel_loop3A_341 = arith.maxsi %parallel_loop3A_331, %parallel_loop3A_340 : vector<16xi32>
      %parallel_loop3A_342 = arith.constant 1023 : i32
      %parallel_loop3A_343 = vector.broadcast %parallel_loop3A_342 : i32 to vector<16xi32>
      %parallel_loop3A_344 = arith.minsi %parallel_loop3A_341, %parallel_loop3A_343 : vector<16xi32>
      %parallel_loop3A_345 = arith.constant 0 : i32
      %parallel_loop3A_346 = vector.broadcast %parallel_loop3A_345 : i32 to vector<16xi32>
      %parallel_loop3A_347 = arith.maxsi %parallel_loop3A_338, %parallel_loop3A_346 : vector<16xi32>
      %parallel_loop3A_348 = arith.constant 1023 : i32
      %parallel_loop3A_349 = vector.broadcast %parallel_loop3A_348 : i32 to vector<16xi32>
      %parallel_loop3A_350 = arith.minsi %parallel_loop3A_347, %parallel_loop3A_349 : vector<16xi32>
      %parallel_loop3A_351 = arith.constant 8 : i32
      %parallel_loop3A_352 = arith.divsi %parallel_loop3A_310, %parallel_loop3A_351 : i32
      %parallel_loop3A_353 = arith.constant 0 : i32
      %parallel_loop3A_354 = arith.cmpi sgt, %parallel_loop3A_310, %parallel_loop3A_353 : i32
      %parallel_loop3A_355 = arith.extui %parallel_loop3A_354 : i1 to i32
      %parallel_loop3A_356 = arith.constant 0 : i32
      %parallel_loop3A_357 = arith.cmpi slt, %parallel_loop3A_310, %parallel_loop3A_356 : i32
      %parallel_loop3A_358 = arith.extui %parallel_loop3A_357 : i1 to i32
      %parallel_loop3A_359 = arith.subi %parallel_loop3A_355, %parallel_loop3A_358 : i32
      %parallel_loop3A_360 = arith.constant 0 : i32
      %parallel_loop3A_361 = arith.cmpi sgt, %parallel_loop3A_351, %parallel_loop3A_360 : i32
      %parallel_loop3A_362 = arith.extui %parallel_loop3A_361 : i1 to i32
      %parallel_loop3A_363 = arith.constant 0 : i32
      %parallel_loop3A_364 = arith.cmpi slt, %parallel_loop3A_351, %parallel_loop3A_363 : i32
      %parallel_loop3A_365 = arith.extui %parallel_loop3A_364 : i1 to i32
      %parallel_loop3A_366 = arith.subi %parallel_loop3A_362, %parallel_loop3A_365 : i32
      %parallel_loop3A_367 = arith.cmpi ne, %parallel_loop3A_359, %parallel_loop3A_366 : i32
      %parallel_loop3A_368 = arith.remsi %parallel_loop3A_310, %parallel_loop3A_351 : i32
      %parallel_loop3A_369 = arith.constant 0 : i32
      %parallel_loop3A_370 = arith.cmpi ne, %parallel_loop3A_368, %parallel_loop3A_369 : i32
      %parallel_loop3A_371 = arith.andi %parallel_loop3A_367, %parallel_loop3A_370 : i1
      %parallel_loop3A_372 = arith.constant 1 : i32
      %parallel_loop3A_373 = arith.subi %parallel_loop3A_352, %parallel_loop3A_372 : i32
      %parallel_loop3A_374 = arith.select %parallel_loop3A_371, %parallel_loop3A_373, %parallel_loop3A_352 : i32
      %parallel_loop3A_375 = arith.constant 8 : i32
      %parallel_loop3A_376 = arith.constant 0 : i32
      %parallel_loop3A_377 = arith.cmpi eq, %parallel_loop3A_375, %parallel_loop3A_376 : i32
      %parallel_loop3A_378 = arith.constant 1 : i32
      %parallel_loop3A_379 = arith.select %parallel_loop3A_377, %parallel_loop3A_378, %parallel_loop3A_375 : i32
      %parallel_loop3A_380 = arith.remsi %parallel_loop3A_310, %parallel_loop3A_379 : i32
      %parallel_loop3A_381 = arith.constant 0 : i32
      %parallel_loop3A_382 = arith.cmpi ne, %parallel_loop3A_380, %parallel_loop3A_381 : i32
      %parallel_loop3A_383 = arith.constant 0 : i32
      %parallel_loop3A_384 = arith.cmpi slt, %parallel_loop3A_380, %parallel_loop3A_383 : i32
      %parallel_loop3A_385 = arith.constant 0 : i32
      %parallel_loop3A_386 = arith.cmpi slt, %parallel_loop3A_379, %parallel_loop3A_385 : i32
      %parallel_loop3A_387 = arith.xori %parallel_loop3A_384, %parallel_loop3A_386 : i1
      %parallel_loop3A_388 = arith.andi %parallel_loop3A_387, %parallel_loop3A_382 : i1
      %parallel_loop3A_389 = arith.addi %parallel_loop3A_380, %parallel_loop3A_379 : i32
      %parallel_loop3A_390 = arith.select %parallel_loop3A_388, %parallel_loop3A_389, %parallel_loop3A_380 : i32
      %parallel_loop3A_391 = arith.constant 16 : i32
      %parallel_loop3A_392 = arith.muli %parallel_loop3A_390, %parallel_loop3A_391 : i32
      %parallel_loop3A_393 = arith.extui %eq3A_0 : i1 to i32
      %parallel_loop3A_394 = arith.constant 0 : i32
      %parallel_loop3A_395 = arith.cmpi ne, %parallel_loop3A_393, %parallel_loop3A_394 : i32
      scf.if %parallel_loop3A_395 {
        %parallel_loop3A_401 = arith.constant 1024 : i32
        %parallel_loop3A_402 = vector.broadcast %parallel_loop3A_401 : i32 to vector<16xi32>
        %parallel_loop3A_403 = arith.muli %parallel_loop3A_350, %parallel_loop3A_402 : vector<16xi32>
        %parallel_loop3A_404 = arith.addi %parallel_loop3A_403, %parallel_loop3A_344 : vector<16xi32>
        %parallel_loop3A_405 = arith.constant 0 : i32
        %parallel_loop3A_406 = arith.index_cast %parallel_loop3A_405 : i32 to index
        %parallel_loop3A_407 = arith.index_cast %parallel_loop3A_374 : i32 to index
        %parallel_loop3A_408 = arith.index_cast %parallel_loop3A_392 : i32 to index
        %parallel_loop3A_409 = tpu.vector_load %arg7[%parallel_loop3A_406, %parallel_loop3A_407, %parallel_loop3A_408] {strides = array<i32>} : memref<2x64x128xi32, #tpu.memory_space<vmem>>, vector<1x1x16xi32>,
        %parallel_loop3A_410 = vector.shape_cast %parallel_loop3A_409 : vector<1x1x16xi32> to vector<16xi32>
        %parallel_loop3A_411 = vector.shape_cast %parallel_loop3A_404 : vector<16xi32> to vector<1x1x16xi32>
        tpu.vector_store %arg7[%parallel_loop3A_406, %parallel_loop3A_407, %parallel_loop3A_408], %parallel_loop3A_411 {strides = array<i32>} : memref<2x64x128xi32, #tpu.memory_space<vmem>>, vector<1x1x16xi32>,
      } else {
      }
      %parallel_loop3A_396 = arith.constant true
      %parallel_loop3A_397 = arith.xori %eq3A_0, %parallel_loop3A_396 : i1
      %parallel_loop3A_398 = arith.extui %parallel_loop3A_397 : i1 to i32
      %parallel_loop3A_399 = arith.constant 0 : i32
      %parallel_loop3A_400 = arith.cmpi ne, %parallel_loop3A_398, %parallel_loop3A_399 : i32
      scf.if %parallel_loop3A_400 {
        %parallel_loop3A_401 = arith.constant 1 : i32
        %parallel_loop3A_402 = vector.broadcast %parallel_loop3A_401 : i32 to vector<16xi32>
        %parallel_loop3A_403 = arith.shrsi %parallel_loop3A_350, %parallel_loop3A_402 : vector<16xi32>
        %parallel_loop3A_404 = arith.constant 512 : i32
        %parallel_loop3A_405 = vector.broadcast %parallel_loop3A_404 : i32 to vector<16xi32>
        %parallel_loop3A_406 = arith.muli %parallel_loop3A_403, %parallel_loop3A_405 : vector<16xi32>
        %parallel_loop3A_407 = arith.constant 1 : i32
        %parallel_loop3A_408 = vector.broadcast %parallel_loop3A_407 : i32 to vector<16xi32>
        %parallel_loop3A_409 = arith.shrsi %parallel_loop3A_344, %parallel_loop3A_408 : vector<16xi32>
        %parallel_loop3A_410 = arith.addi %parallel_loop3A_406, %parallel_loop3A_409 : vector<16xi32>
        %parallel_loop3A_411 = arith.constant 1048576 : i32
        %parallel_loop3A_412 = vector.broadcast %parallel_loop3A_411 : i32 to vector<16xi32>
        %parallel_loop3A_413 = arith.addi %parallel_loop3A_410, %parallel_loop3A_412 : vector<16xi32>
        %parallel_loop3A_414 = arith.constant 0 : i32
        %parallel_loop3A_415 = arith.index_cast %parallel_loop3A_414 : i32 to index
        %parallel_loop3A_416 = arith.index_cast %parallel_loop3A_374 : i32 to index
        %parallel_loop3A_417 = arith.index_cast %parallel_loop3A_392 : i32 to index
        %parallel_loop3A_418 = tpu.vector_load %arg7[%parallel_loop3A_415, %parallel_loop3A_416, %parallel_loop3A_417] {strides = array<i32>} : memref<2x64x128xi32, #tpu.memory_space<vmem>>, vector<1x1x16xi32>,
        %parallel_loop3A_419 = vector.shape_cast %parallel_loop3A_418 : vector<1x1x16xi32> to vector<16xi32>
        %parallel_loop3A_420 = vector.shape_cast %parallel_loop3A_413 : vector<16xi32> to vector<1x1x16xi32>
        tpu.vector_store %arg7[%parallel_loop3A_415, %parallel_loop3A_416, %parallel_loop3A_417], %parallel_loop3A_420 {strides = array<i32>} : memref<2x64x128xi32, #tpu.memory_space<vmem>>, vector<1x1x16xi32>,
        %parallel_loop3A_421 = arith.constant 2 : i32
        %parallel_loop3A_422 = vector.broadcast %parallel_loop3A_421 : i32 to vector<16xi32>
        %parallel_loop3A_423 = arith.shrsi %parallel_loop3A_350, %parallel_loop3A_422 : vector<16xi32>
        %parallel_loop3A_424 = arith.constant 256 : i32
        %parallel_loop3A_425 = vector.broadcast %parallel_loop3A_424 : i32 to vector<16xi32>
        %parallel_loop3A_426 = arith.muli %parallel_loop3A_423, %parallel_loop3A_425 : vector<16xi32>
        %parallel_loop3A_427 = arith.constant 2 : i32
        %parallel_loop3A_428 = vector.broadcast %parallel_loop3A_427 : i32 to vector<16xi32>
        %parallel_loop3A_429 = arith.shrsi %parallel_loop3A_344, %parallel_loop3A_428 : vector<16xi32>
        %parallel_loop3A_430 = arith.addi %parallel_loop3A_426, %parallel_loop3A_429 : vector<16xi32>
        %parallel_loop3A_431 = arith.constant 1310720 : i32
        %parallel_loop3A_432 = vector.broadcast %parallel_loop3A_431 : i32 to vector<16xi32>
        %parallel_loop3A_433 = arith.addi %parallel_loop3A_430, %parallel_loop3A_432 : vector<16xi32>
        %parallel_loop3A_434 = arith.constant 32 : i32
        %parallel_loop3A_435 = arith.addi %parallel_loop3A_434, %parallel_loop3A_374 : i32
        %parallel_loop3A_436 = arith.constant 0 : i32
        %parallel_loop3A_437 = arith.index_cast %parallel_loop3A_436 : i32 to index
        %parallel_loop3A_438 = arith.index_cast %parallel_loop3A_435 : i32 to index
        %parallel_loop3A_439 = arith.index_cast %parallel_loop3A_392 : i32 to index
        %parallel_loop3A_440 = tpu.vector_load %arg7[%parallel_loop3A_437, %parallel_loop3A_438, %parallel_loop3A_439] {strides = array<i32>} : memref<2x64x128xi32, #tpu.memory_space<vmem>>, vector<1x1x16xi32>,
        %parallel_loop3A_441 = vector.shape_cast %parallel_loop3A_440 : vector<1x1x16xi32> to vector<16xi32>
        %parallel_loop3A_442 = vector.shape_cast %parallel_loop3A_433 : vector<16xi32> to vector<1x1x16xi32>
        tpu.vector_store %arg7[%parallel_loop3A_437, %parallel_loop3A_438, %parallel_loop3A_439], %parallel_loop3A_442 {strides = array<i32>} : memref<2x64x128xi32, #tpu.memory_space<vmem>>, vector<1x1x16xi32>,
      } else {
      }
    } {sc.loop_unroll_factor = 4 : i64, sc.parallel_access}
    %while3A_91 = arith.constant 0 : i32
    %while3A_92 = arith.constant 0 : i32
    "tpu.trace_stop"() : () -> ()
    "tpu.trace_start"() <{level = 10 : i32, message = "ph_zdrain"}> : () -> ()
    %while3A_93 = arith.subi %select_n3A_34, %while3A_91 : i32
    %while3A_94 = arith.addi %while3A_91, %while3A_93 : i32
    %while3A_95 = arith.constant 1 : i32
    %while3A_96 = arith.divsi %while3A_93, %while3A_95 : i32
    %while3A_97 = arith.muli %while3A_96, %while3A_95 : i32
    %while3A_98 = arith.addi %while3A_91, %while3A_97 : i32
    %while3A_99 = arith.constant 1 : i32
    %while3A_100 = scf.for %while3A_310 = %while3A_91 to %while3A_98 step %while3A_99 iter_args(%while3A_311 = %while3A_92) -> (i32)  : i32 {
      %mul3A_312 = arith.constant 2048 : i32
      %mul3A_313 = arith.muli %while3A_310, %mul3A_312 : i32
      %add3A_314 = arith.addi %select_n3A, %mul3A_313 : i32
      %dma_wait3A_315 = tpu.memref_slice %arg10[%add3A_314] : memref<1376256xf32, #tpu.memory_space<vmem_shared>> -> memref<2048xf32, #tpu.memory_space<vmem_shared>>
      %dma_wait3A_316 = tpu.memref_slice %arg10[%add3A_314] : memref<1376256xf32, #tpu.memory_space<vmem_shared>> -> memref<2048xf32, #tpu.memory_space<vmem_shared>>
      tpu.wait_dma2 semaphore(%arg14 : memref<!tpu.dma_semaphore, #tpu.memory_space<semaphore_mem>>) src(%arg9 : memref<2048xf32, #tpu.memory_space<vmem>>) dst(%dma_wait3A_316 : memref<2048xf32, #tpu.memory_space<vmem_shared>>)
      %while3A_317 = arith.constant 0 : i32
      scf.yield %while3A_317 : i32
    }
    %while3A_101 = arith.constant 1 : i32
    %while3A_102 = scf.for %while3A_310 = %while3A_98 to %while3A_94 step %while3A_101 iter_args(%while3A_311 = %while3A_100) -> (i32)  : i32 {
      %mul3A_312 = arith.constant 2048 : i32
      %mul3A_313 = arith.muli %while3A_310, %mul3A_312 : i32
      %add3A_314 = arith.addi %select_n3A, %mul3A_313 : i32
      %dma_wait3A_315 = tpu.memref_slice %arg10[%add3A_314] : memref<1376256xf32, #tpu.memory_space<vmem_shared>> -> memref<2048xf32, #tpu.memory_space<vmem_shared>>
      %dma_wait3A_316 = tpu.memref_slice %arg10[%add3A_314] : memref<1376256xf32, #tpu.memory_space<vmem_shared>> -> memref<2048xf32, #tpu.memory_space<vmem_shared>>
      tpu.wait_dma2 semaphore(%arg14 : memref<!tpu.dma_semaphore, #tpu.memory_space<semaphore_mem>>) src(%arg9 : memref<2048xf32, #tpu.memory_space<vmem>>) dst(%dma_wait3A_316 : memref<2048xf32, #tpu.memory_space<vmem_shared>>)
      %while3A_317 = arith.constant 0 : i32
      scf.yield %while3A_317 : i32
    }
    %barrier3A = arith.constant 0 : index
    tpu.barrier barrier_id(%barrier3A)
    %while3A_103 = arith.constant 0 : i32
    %while3A_104 = arith.constant 0 : i32
    "tpu.trace_stop"() : () -> ()
    %while3A_105 = arith.subi %select_n3A_48, %while3A_103 : i32
    %while3A_106 = arith.addi %while3A_103, %while3A_105 : i32
    %while3A_107 = arith.constant 1 : i32
    %while3A_108 = arith.divsi %while3A_105, %while3A_107 : i32
    %while3A_109 = arith.muli %while3A_108, %while3A_107 : i32
    %while3A_110 = arith.addi %while3A_103, %while3A_109 : i32
    %while3A_111 = arith.constant 1 : i32
    %while3A_112 = scf.for %while3A_310 = %while3A_103 to %while3A_110 step %while3A_111 iter_args(%while3A_311 = %while3A_104) -> (i32)  : i32 {
      %dma_start3A_312 = arith.constant 0 : i32
      %dma_start3A_313 = arith.constant 0 : i32
      %dma_start3A_314 = tpu.memref_slice %arg7[%dma_start3A_312, %while3A_310, %dma_start3A_313] : memref<2x64x128xi32, #tpu.memory_space<vmem>> -> memref<1x1x128xi32, #tpu.memory_space<vmem>>
      %dma_start3A_315 = tpu.memref_squeeze %dma_start3A_314 : memref<1x1x128xi32, #tpu.memory_space<vmem>> -> memref<128xi32, #tpu.memory_space<vmem>>
      %dma_start3A_316 = arith.constant 0 : i32
      %dma_start3A_317 = tpu.memref_slice %arg10[%dma_start3A_316] : memref<1376256xf32, #tpu.memory_space<vmem_shared>> -> memref<1376256xf32, #tpu.memory_space<vmem_shared>>
      tpu.enqueue_indirect_dma source(%arg8 : memref<128xf32, #tpu.memory_space<vmem>>) target(%dma_start3A_317 : memref<1376256xf32, #tpu.memory_space<vmem_shared>>) offsets(%dma_start3A_315 : memref<128xi32, #tpu.memory_space<vmem>>) semaphore(%arg12 : memref<!tpu.dma_semaphore, #tpu.memory_space<semaphore_mem>>)
      %while3A_318 = arith.constant 0 : i32
      scf.yield %while3A_318 : i32
    }
    %while3A_113 = arith.constant 1 : i32
    %while3A_114 = scf.for %while3A_310 = %while3A_110 to %while3A_106 step %while3A_113 iter_args(%while3A_311 = %while3A_112) -> (i32)  : i32 {
      %dma_start3A_312 = arith.constant 0 : i32
      %dma_start3A_313 = arith.constant 0 : i32
      %dma_start3A_314 = tpu.memref_slice %arg7[%dma_start3A_312, %while3A_310, %dma_start3A_313] : memref<2x64x128xi32, #tpu.memory_space<vmem>> -> memref<1x1x128xi32, #tpu.memory_space<vmem>>
      %dma_start3A_315 = tpu.memref_squeeze %dma_start3A_314 : memref<1x1x128xi32, #tpu.memory_space<vmem>> -> memref<128xi32, #tpu.memory_space<vmem>>
      %dma_start3A_316 = arith.constant 0 : i32
      %dma_start3A_317 = tpu.memref_slice %arg10[%dma_start3A_316] : memref<1376256xf32, #tpu.memory_space<vmem_shared>> -> memref<1376256xf32, #tpu.memory_space<vmem_shared>>
      tpu.enqueue_indirect_dma source(%arg8 : memref<128xf32, #tpu.memory_space<vmem>>) target(%dma_start3A_317 : memref<1376256xf32, #tpu.memory_space<vmem_shared>>) offsets(%dma_start3A_315 : memref<128xi32, #tpu.memory_space<vmem>>) semaphore(%arg12 : memref<!tpu.dma_semaphore, #tpu.memory_space<semaphore_mem>>)
      %while3A_318 = arith.constant 0 : i32
      scf.yield %while3A_318 : i32
    }
    %dma_wait3A_115 = arith.constant 1 : i32
    %dma_wait3A_116 = arith.constant 0 : i32
    %dma_wait3A_117 = tpu.memref_slice %arg5[%dma_wait3A_115, %dma_wait3A_116] : memref<2x4096xf32, #tpu.memory_space<vmem>> -> memref<1x4096xf32, #tpu.memory_space<vmem>>
    %dma_wait3A_118 = tpu.memref_squeeze %dma_wait3A_117 : memref<1x4096xf32, #tpu.memory_space<vmem>> -> memref<4096xf32, #tpu.memory_space<vmem>>
    %dma_wait3A_119 = tpu.memref_slice %arg2[%add3A_67] : memref<262144xf32, #tpu.memory_space<hbm>> -> memref<4096xf32, #tpu.memory_space<hbm>>
    %dma_wait3A_120 = arith.constant 0 : i32
    %dma_wait3A_121 = tpu.memref_slice %arg5[%dma_wait3A_115, %dma_wait3A_120] : memref<2x4096xf32, #tpu.memory_space<vmem>> -> memref<1x4096xf32, #tpu.memory_space<vmem>>
    %dma_wait3A_122 = tpu.memref_squeeze %dma_wait3A_121 : memref<1x4096xf32, #tpu.memory_space<vmem>> -> memref<4096xf32, #tpu.memory_space<vmem>>
    %dma_wait3A_123 = tpu.memref_slice %arg2[%add3A_67] : memref<262144xf32, #tpu.memory_space<hbm>> -> memref<4096xf32, #tpu.memory_space<hbm>>
    tpu.wait_dma2 semaphore(%arg11 : memref<!tpu.dma_semaphore, #tpu.memory_space<semaphore_mem>>) src(%dma_wait3A_123 : memref<4096xf32, #tpu.memory_space<hbm>>) dst(%dma_wait3A_122 : memref<4096xf32, #tpu.memory_space<vmem>>)
    %dma_wait3A_124 = arith.constant 1 : i32
    %dma_wait3A_125 = arith.constant 0 : i32
    %dma_wait3A_126 = tpu.memref_slice %arg6[%dma_wait3A_124, %dma_wait3A_125] : memref<2x4096xf32, #tpu.memory_space<vmem>> -> memref<1x4096xf32, #tpu.memory_space<vmem>>
    %dma_wait3A_127 = tpu.memref_squeeze %dma_wait3A_126 : memref<1x4096xf32, #tpu.memory_space<vmem>> -> memref<4096xf32, #tpu.memory_space<vmem>>
    %dma_wait3A_128 = tpu.memref_slice %arg3[%add3A_78] : memref<262144xf32, #tpu.memory_space<hbm>> -> memref<4096xf32, #tpu.memory_space<hbm>>
    %dma_wait3A_129 = arith.constant 0 : i32
    %dma_wait3A_130 = tpu.memref_slice %arg6[%dma_wait3A_124, %dma_wait3A_129] : memref<2x4096xf32, #tpu.memory_space<vmem>> -> memref<1x4096xf32, #tpu.memory_space<vmem>>
    %dma_wait3A_131 = tpu.memref_squeeze %dma_wait3A_130 : memref<1x4096xf32, #tpu.memory_space<vmem>> -> memref<4096xf32, #tpu.memory_space<vmem>>
    %dma_wait3A_132 = tpu.memref_slice %arg3[%add3A_78] : memref<262144xf32, #tpu.memory_space<hbm>> -> memref<4096xf32, #tpu.memory_space<hbm>>
    tpu.wait_dma2 semaphore(%arg11 : memref<!tpu.dma_semaphore, #tpu.memory_space<semaphore_mem>>) src(%dma_wait3A_132 : memref<4096xf32, #tpu.memory_space<hbm>>) dst(%dma_wait3A_131 : memref<4096xf32, #tpu.memory_space<vmem>>)
    %add3A_133 = arith.constant 8192 : i32
    %add3A_134 = arith.addi %mul3A_1, %add3A_133 : i32
    %dma_start3A_135 = arith.constant 0 : i32
    %dma_start3A_136 = arith.constant 0 : i32
    %dma_start3A_137 = tpu.memref_slice %arg5[%dma_start3A_135, %dma_start3A_136] : memref<2x4096xf32, #tpu.memory_space<vmem>> -> memref<1x4096xf32, #tpu.memory_space<vmem>>
    %dma_start3A_138 = tpu.memref_squeeze %dma_start3A_137 : memref<1x4096xf32, #tpu.memory_space<vmem>> -> memref<4096xf32, #tpu.memory_space<vmem>>
    %dma_start3A_139 = tpu.memref_slice %arg2[%add3A_134] : memref<262144xf32, #tpu.memory_space<hbm>> -> memref<4096xf32, #tpu.memory_space<hbm>>
    %dma_start3A_140 = arith.constant 0 : i32
    %dma_start3A_141 = tpu.memref_slice %arg5[%dma_start3A_135, %dma_start3A_140] : memref<2x4096xf32, #tpu.memory_space<vmem>> -> memref<1x4096xf32, #tpu.memory_space<vmem>>
    %dma_start3A_142 = tpu.memref_squeeze %dma_start3A_141 : memref<1x4096xf32, #tpu.memory_space<vmem>> -> memref<4096xf32, #tpu.memory_space<vmem>>
    %dma_start3A_143 = tpu.memref_slice %arg2[%add3A_134] : memref<262144xf32, #tpu.memory_space<hbm>> -> memref<4096xf32, #tpu.memory_space<hbm>>
    tpu.enqueue_dma source(%dma_start3A_143 : memref<4096xf32, #tpu.memory_space<hbm>>) target(%dma_start3A_142 : memref<4096xf32, #tpu.memory_space<vmem>>) target_semaphore(%arg11 : memref<!tpu.dma_semaphore, #tpu.memory_space<semaphore_mem>>)
    %add3A_144 = arith.constant 8192 : i32
    %add3A_145 = arith.addi %mul3A_1, %add3A_144 : i32
    %dma_start3A_146 = arith.constant 0 : i32
    %dma_start3A_147 = arith.constant 0 : i32
    %dma_start3A_148 = tpu.memref_slice %arg6[%dma_start3A_146, %dma_start3A_147] : memref<2x4096xf32, #tpu.memory_space<vmem>> -> memref<1x4096xf32, #tpu.memory_space<vmem>>
    %dma_start3A_149 = tpu.memref_squeeze %dma_start3A_148 : memref<1x4096xf32, #tpu.memory_space<vmem>> -> memref<4096xf32, #tpu.memory_space<vmem>>
    %dma_start3A_150 = tpu.memref_slice %arg3[%add3A_145] : memref<262144xf32, #tpu.memory_space<hbm>> -> memref<4096xf32, #tpu.memory_space<hbm>>
    %dma_start3A_151 = arith.constant 0 : i32
    %dma_start3A_152 = tpu.memref_slice %arg6[%dma_start3A_146, %dma_start3A_151] : memref<2x4096xf32, #tpu.memory_space<vmem>> -> memref<1x4096xf32, #tpu.memory_space<vmem>>
    %dma_start3A_153 = tpu.memref_squeeze %dma_start3A_152 : memref<1x4096xf32, #tpu.memory_space<vmem>> -> memref<4096xf32, #tpu.memory_space<vmem>>
    %dma_start3A_154 = tpu.memref_slice %arg3[%add3A_145] : memref<262144xf32, #tpu.memory_space<hbm>> -> memref<4096xf32, #tpu.memory_space<hbm>>
    tpu.enqueue_dma source(%dma_start3A_154 : memref<4096xf32, #tpu.memory_space<hbm>>) target(%dma_start3A_153 : memref<4096xf32, #tpu.memory_space<vmem>>) target_semaphore(%arg11 : memref<!tpu.dma_semaphore, #tpu.memory_space<semaphore_mem>>)
    %parallel_loop3A_155 = arith.constant 0 : i32
    %parallel_loop3A_156 = arith.constant 256 : i32
    %parallel_loop3A_157 = arith.constant 1 : i32
    "tpu.trace_start"() <{level = 10 : i32, message = "ph_quant1"}> : () -> ()
    scf.for %parallel_loop3A_310 = %parallel_loop3A_155 to %parallel_loop3A_156 step %parallel_loop3A_157  : i32 {
      %parallel_loop3A_311 = arith.constant 16 : i32
      %parallel_loop3A_312 = arith.muli %parallel_loop3A_310, %parallel_loop3A_311 : i32
      %parallel_loop3A_313 = arith.constant 1 : i32
      %parallel_loop3A_314 = arith.index_cast %parallel_loop3A_313 : i32 to index
      %parallel_loop3A_315 = arith.index_cast %parallel_loop3A_312 : i32 to index
      %parallel_loop3A_316 = tpu.vector_load %arg5[%parallel_loop3A_314, %parallel_loop3A_315] {strides = array<i32>} : memref<2x4096xf32, #tpu.memory_space<vmem>>, vector<1x16xf32>,
      %parallel_loop3A_317 = vector.shape_cast %parallel_loop3A_316 : vector<1x16xf32> to vector<16xf32>
      %parallel_loop3A_318 = arith.constant 16 : i32
      %parallel_loop3A_319 = arith.muli %parallel_loop3A_310, %parallel_loop3A_318 : i32
      %parallel_loop3A_320 = arith.constant 1 : i32
      %parallel_loop3A_321 = arith.index_cast %parallel_loop3A_320 : i32 to index
      %parallel_loop3A_322 = arith.index_cast %parallel_loop3A_319 : i32 to index
      %parallel_loop3A_323 = tpu.vector_load %arg6[%parallel_loop3A_321, %parallel_loop3A_322] {strides = array<i32>} : memref<2x4096xf32, #tpu.memory_space<vmem>>, vector<1x16xf32>,
      %parallel_loop3A_324 = vector.shape_cast %parallel_loop3A_323 : vector<1x16xf32> to vector<16xf32>
      %parallel_loop3A_325 = arith.constant 5.120000e+01 : f32
      %parallel_loop3A_326 = vector.broadcast %parallel_loop3A_325 : f32 to vector<16xf32>
      %parallel_loop3A_327 = arith.addf %parallel_loop3A_317, %parallel_loop3A_326 : vector<16xf32>
      %parallel_loop3A_328 = arith.constant 1.000000e-01 : f32
      %parallel_loop3A_329 = vector.broadcast %parallel_loop3A_328 : f32 to vector<16xf32>
      %parallel_loop3A_330 = arith.divf %parallel_loop3A_327, %parallel_loop3A_329 : vector<16xf32>
      %parallel_loop3A_331 = arith.fptosi %parallel_loop3A_330 : vector<16xf32> to vector<16xi32>
      %parallel_loop3A_332 = arith.constant 5.120000e+01 : f32
      %parallel_loop3A_333 = vector.broadcast %parallel_loop3A_332 : f32 to vector<16xf32>
      %parallel_loop3A_334 = arith.addf %parallel_loop3A_324, %parallel_loop3A_333 : vector<16xf32>
      %parallel_loop3A_335 = arith.constant 1.000000e-01 : f32
      %parallel_loop3A_336 = vector.broadcast %parallel_loop3A_335 : f32 to vector<16xf32>
      %parallel_loop3A_337 = arith.divf %parallel_loop3A_334, %parallel_loop3A_336 : vector<16xf32>
      %parallel_loop3A_338 = arith.fptosi %parallel_loop3A_337 : vector<16xf32> to vector<16xi32>
      %parallel_loop3A_339 = arith.constant 0 : i32
      %parallel_loop3A_340 = vector.broadcast %parallel_loop3A_339 : i32 to vector<16xi32>
      %parallel_loop3A_341 = arith.maxsi %parallel_loop3A_331, %parallel_loop3A_340 : vector<16xi32>
      %parallel_loop3A_342 = arith.constant 1023 : i32
      %parallel_loop3A_343 = vector.broadcast %parallel_loop3A_342 : i32 to vector<16xi32>
      %parallel_loop3A_344 = arith.minsi %parallel_loop3A_341, %parallel_loop3A_343 : vector<16xi32>
      %parallel_loop3A_345 = arith.constant 0 : i32
      %parallel_loop3A_346 = vector.broadcast %parallel_loop3A_345 : i32 to vector<16xi32>
      %parallel_loop3A_347 = arith.maxsi %parallel_loop3A_338, %parallel_loop3A_346 : vector<16xi32>
      %parallel_loop3A_348 = arith.constant 1023 : i32
      %parallel_loop3A_349 = vector.broadcast %parallel_loop3A_348 : i32 to vector<16xi32>
      %parallel_loop3A_350 = arith.minsi %parallel_loop3A_347, %parallel_loop3A_349 : vector<16xi32>
      %parallel_loop3A_351 = arith.constant 8 : i32
      %parallel_loop3A_352 = arith.divsi %parallel_loop3A_310, %parallel_loop3A_351 : i32
      %parallel_loop3A_353 = arith.constant 0 : i32
      %parallel_loop3A_354 = arith.cmpi sgt, %parallel_loop3A_310, %parallel_loop3A_353 : i32
      %parallel_loop3A_355 = arith.extui %parallel_loop3A_354 : i1 to i32
      %parallel_loop3A_356 = arith.constant 0 : i32
      %parallel_loop3A_357 = arith.cmpi slt, %parallel_loop3A_310, %parallel_loop3A_356 : i32
      %parallel_loop3A_358 = arith.extui %parallel_loop3A_357 : i1 to i32
      %parallel_loop3A_359 = arith.subi %parallel_loop3A_355, %parallel_loop3A_358 : i32
      %parallel_loop3A_360 = arith.constant 0 : i32
      %parallel_loop3A_361 = arith.cmpi sgt, %parallel_loop3A_351, %parallel_loop3A_360 : i32
      %parallel_loop3A_362 = arith.extui %parallel_loop3A_361 : i1 to i32
      %parallel_loop3A_363 = arith.constant 0 : i32
      %parallel_loop3A_364 = arith.cmpi slt, %parallel_loop3A_351, %parallel_loop3A_363 : i32
      %parallel_loop3A_365 = arith.extui %parallel_loop3A_364 : i1 to i32
      %parallel_loop3A_366 = arith.subi %parallel_loop3A_362, %parallel_loop3A_365 : i32
      %parallel_loop3A_367 = arith.cmpi ne, %parallel_loop3A_359, %parallel_loop3A_366 : i32
      %parallel_loop3A_368 = arith.remsi %parallel_loop3A_310, %parallel_loop3A_351 : i32
      %parallel_loop3A_369 = arith.constant 0 : i32
      %parallel_loop3A_370 = arith.cmpi ne, %parallel_loop3A_368, %parallel_loop3A_369 : i32
      %parallel_loop3A_371 = arith.andi %parallel_loop3A_367, %parallel_loop3A_370 : i1
      %parallel_loop3A_372 = arith.constant 1 : i32
      %parallel_loop3A_373 = arith.subi %parallel_loop3A_352, %parallel_loop3A_372 : i32
      %parallel_loop3A_374 = arith.select %parallel_loop3A_371, %parallel_loop3A_373, %parallel_loop3A_352 : i32
      %parallel_loop3A_375 = arith.constant 8 : i32
      %parallel_loop3A_376 = arith.constant 0 : i32
      %parallel_loop3A_377 = arith.cmpi eq, %parallel_loop3A_375, %parallel_loop3A_376 : i32
      %parallel_loop3A_378 = arith.constant 1 : i32
      %parallel_loop3A_379 = arith.select %parallel_loop3A_377, %parallel_loop3A_378, %parallel_loop3A_375 : i32
      %parallel_loop3A_380 = arith.remsi %parallel_loop3A_310, %parallel_loop3A_379 : i32
      %parallel_loop3A_381 = arith.constant 0 : i32
      %parallel_loop3A_382 = arith.cmpi ne, %parallel_loop3A_380, %parallel_loop3A_381 : i32
      %parallel_loop3A_383 = arith.constant 0 : i32
      %parallel_loop3A_384 = arith.cmpi slt, %parallel_loop3A_380, %parallel_loop3A_383 : i32
      %parallel_loop3A_385 = arith.constant 0 : i32
      %parallel_loop3A_386 = arith.cmpi slt, %parallel_loop3A_379, %parallel_loop3A_385 : i32
      %parallel_loop3A_387 = arith.xori %parallel_loop3A_384, %parallel_loop3A_386 : i1
      %parallel_loop3A_388 = arith.andi %parallel_loop3A_387, %parallel_loop3A_382 : i1
      %parallel_loop3A_389 = arith.addi %parallel_loop3A_380, %parallel_loop3A_379 : i32
      %parallel_loop3A_390 = arith.select %parallel_loop3A_388, %parallel_loop3A_389, %parallel_loop3A_380 : i32
      %parallel_loop3A_391 = arith.constant 16 : i32
      %parallel_loop3A_392 = arith.muli %parallel_loop3A_390, %parallel_loop3A_391 : i32
      %parallel_loop3A_393 = arith.extui %eq3A_0 : i1 to i32
      %parallel_loop3A_394 = arith.constant 0 : i32
      %parallel_loop3A_395 = arith.cmpi ne, %parallel_loop3A_393, %parallel_loop3A_394 : i32
      scf.if %parallel_loop3A_395 {
        %parallel_loop3A_401 = arith.constant 1024 : i32
        %parallel_loop3A_402 = vector.broadcast %parallel_loop3A_401 : i32 to vector<16xi32>
        %parallel_loop3A_403 = arith.muli %parallel_loop3A_350, %parallel_loop3A_402 : vector<16xi32>
        %parallel_loop3A_404 = arith.addi %parallel_loop3A_403, %parallel_loop3A_344 : vector<16xi32>
        %parallel_loop3A_405 = arith.constant 1 : i32
        %parallel_loop3A_406 = arith.index_cast %parallel_loop3A_405 : i32 to index
        %parallel_loop3A_407 = arith.index_cast %parallel_loop3A_374 : i32 to index
        %parallel_loop3A_408 = arith.index_cast %parallel_loop3A_392 : i32 to index
        %parallel_loop3A_409 = tpu.vector_load %arg7[%parallel_loop3A_406, %parallel_loop3A_407, %parallel_loop3A_408] {strides = array<i32>} : memref<2x64x128xi32, #tpu.memory_space<vmem>>, vector<1x1x16xi32>,
        %parallel_loop3A_410 = vector.shape_cast %parallel_loop3A_409 : vector<1x1x16xi32> to vector<16xi32>
        %parallel_loop3A_411 = vector.shape_cast %parallel_loop3A_404 : vector<16xi32> to vector<1x1x16xi32>
        tpu.vector_store %arg7[%parallel_loop3A_406, %parallel_loop3A_407, %parallel_loop3A_408], %parallel_loop3A_411 {strides = array<i32>} : memref<2x64x128xi32, #tpu.memory_space<vmem>>, vector<1x1x16xi32>,
      } else {
      }
      %parallel_loop3A_396 = arith.constant true
      %parallel_loop3A_397 = arith.xori %eq3A_0, %parallel_loop3A_396 : i1
      %parallel_loop3A_398 = arith.extui %parallel_loop3A_397 : i1 to i32
      %parallel_loop3A_399 = arith.constant 0 : i32
      %parallel_loop3A_400 = arith.cmpi ne, %parallel_loop3A_398, %parallel_loop3A_399 : i32
      scf.if %parallel_loop3A_400 {
        %parallel_loop3A_401 = arith.constant 1 : i32
        %parallel_loop3A_402 = vector.broadcast %parallel_loop3A_401 : i32 to vector<16xi32>
        %parallel_loop3A_403 = arith.shrsi %parallel_loop3A_350, %parallel_loop3A_402 : vector<16xi32>
        %parallel_loop3A_404 = arith.constant 512 : i32
        %parallel_loop3A_405 = vector.broadcast %parallel_loop3A_404 : i32 to vector<16xi32>
        %parallel_loop3A_406 = arith.muli %parallel_loop3A_403, %parallel_loop3A_405 : vector<16xi32>
        %parallel_loop3A_407 = arith.constant 1 : i32
        %parallel_loop3A_408 = vector.broadcast %parallel_loop3A_407 : i32 to vector<16xi32>
        %parallel_loop3A_409 = arith.shrsi %parallel_loop3A_344, %parallel_loop3A_408 : vector<16xi32>
        %parallel_loop3A_410 = arith.addi %parallel_loop3A_406, %parallel_loop3A_409 : vector<16xi32>
        %parallel_loop3A_411 = arith.constant 1048576 : i32
        %parallel_loop3A_412 = vector.broadcast %parallel_loop3A_411 : i32 to vector<16xi32>
        %parallel_loop3A_413 = arith.addi %parallel_loop3A_410, %parallel_loop3A_412 : vector<16xi32>
        %parallel_loop3A_414 = arith.constant 1 : i32
        %parallel_loop3A_415 = arith.index_cast %parallel_loop3A_414 : i32 to index
        %parallel_loop3A_416 = arith.index_cast %parallel_loop3A_374 : i32 to index
        %parallel_loop3A_417 = arith.index_cast %parallel_loop3A_392 : i32 to index
        %parallel_loop3A_418 = tpu.vector_load %arg7[%parallel_loop3A_415, %parallel_loop3A_416, %parallel_loop3A_417] {strides = array<i32>} : memref<2x64x128xi32, #tpu.memory_space<vmem>>, vector<1x1x16xi32>,
        %parallel_loop3A_419 = vector.shape_cast %parallel_loop3A_418 : vector<1x1x16xi32> to vector<16xi32>
        %parallel_loop3A_420 = vector.shape_cast %parallel_loop3A_413 : vector<16xi32> to vector<1x1x16xi32>
        tpu.vector_store %arg7[%parallel_loop3A_415, %parallel_loop3A_416, %parallel_loop3A_417], %parallel_loop3A_420 {strides = array<i32>} : memref<2x64x128xi32, #tpu.memory_space<vmem>>, vector<1x1x16xi32>,
        %parallel_loop3A_421 = arith.constant 2 : i32
        %parallel_loop3A_422 = vector.broadcast %parallel_loop3A_421 : i32 to vector<16xi32>
        %parallel_loop3A_423 = arith.shrsi %parallel_loop3A_350, %parallel_loop3A_422 : vector<16xi32>
        %parallel_loop3A_424 = arith.constant 256 : i32
        %parallel_loop3A_425 = vector.broadcast %parallel_loop3A_424 : i32 to vector<16xi32>
        %parallel_loop3A_426 = arith.muli %parallel_loop3A_423, %parallel_loop3A_425 : vector<16xi32>
        %parallel_loop3A_427 = arith.constant 2 : i32
        %parallel_loop3A_428 = vector.broadcast %parallel_loop3A_427 : i32 to vector<16xi32>
        %parallel_loop3A_429 = arith.shrsi %parallel_loop3A_344, %parallel_loop3A_428 : vector<16xi32>
        %parallel_loop3A_430 = arith.addi %parallel_loop3A_426, %parallel_loop3A_429 : vector<16xi32>
        %parallel_loop3A_431 = arith.constant 1310720 : i32
        %parallel_loop3A_432 = vector.broadcast %parallel_loop3A_431 : i32 to vector<16xi32>
        %parallel_loop3A_433 = arith.addi %parallel_loop3A_430, %parallel_loop3A_432 : vector<16xi32>
        %parallel_loop3A_434 = arith.constant 32 : i32
        %parallel_loop3A_435 = arith.addi %parallel_loop3A_434, %parallel_loop3A_374 : i32
        %parallel_loop3A_436 = arith.constant 1 : i32
        %parallel_loop3A_437 = arith.index_cast %parallel_loop3A_436 : i32 to index
        %parallel_loop3A_438 = arith.index_cast %parallel_loop3A_435 : i32 to index
        %parallel_loop3A_439 = arith.index_cast %parallel_loop3A_392 : i32 to index
        %parallel_loop3A_440 = tpu.vector_load %arg7[%parallel_loop3A_437, %parallel_loop3A_438, %parallel_loop3A_439] {strides = array<i32>} : memref<2x64x128xi32, #tpu.memory_space<vmem>>, vector<1x1x16xi32>,
        %parallel_loop3A_441 = vector.shape_cast %parallel_loop3A_440 : vector<1x1x16xi32> to vector<16xi32>
        %parallel_loop3A_442 = vector.shape_cast %parallel_loop3A_433 : vector<16xi32> to vector<1x1x16xi32>
        tpu.vector_store %arg7[%parallel_loop3A_437, %parallel_loop3A_438, %parallel_loop3A_439], %parallel_loop3A_442 {strides = array<i32>} : memref<2x64x128xi32, #tpu.memory_space<vmem>>, vector<1x1x16xi32>,
      } else {
      }
    } {sc.loop_unroll_factor = 4 : i64, sc.parallel_access}
    %while3A_158 = arith.constant 0 : i32
    %while3A_159 = arith.constant 0 : i32
    "tpu.trace_stop"() : () -> ()
    %while3A_160 = arith.subi %select_n3A_48, %while3A_158 : i32
    %while3A_161 = arith.addi %while3A_158, %while3A_160 : i32
    %while3A_162 = arith.constant 1 : i32
    %while3A_163 = arith.divsi %while3A_160, %while3A_162 : i32
    %while3A_164 = arith.muli %while3A_163, %while3A_162 : i32
    %while3A_165 = arith.addi %while3A_158, %while3A_164 : i32
    %while3A_166 = arith.constant 1 : i32
    %while3A_167 = scf.for %while3A_310 = %while3A_158 to %while3A_165 step %while3A_166 iter_args(%while3A_311 = %while3A_159) -> (i32)  : i32 {
      %dma_start3A_312 = arith.constant 1 : i32
      %dma_start3A_313 = arith.constant 0 : i32
      %dma_start3A_314 = tpu.memref_slice %arg7[%dma_start3A_312, %while3A_310, %dma_start3A_313] : memref<2x64x128xi32, #tpu.memory_space<vmem>> -> memref<1x1x128xi32, #tpu.memory_space<vmem>>
      %dma_start3A_315 = tpu.memref_squeeze %dma_start3A_314 : memref<1x1x128xi32, #tpu.memory_space<vmem>> -> memref<128xi32, #tpu.memory_space<vmem>>
      %dma_start3A_316 = arith.constant 0 : i32
      %dma_start3A_317 = tpu.memref_slice %arg10[%dma_start3A_316] : memref<1376256xf32, #tpu.memory_space<vmem_shared>> -> memref<1376256xf32, #tpu.memory_space<vmem_shared>>
      tpu.enqueue_indirect_dma source(%arg8 : memref<128xf32, #tpu.memory_space<vmem>>) target(%dma_start3A_317 : memref<1376256xf32, #tpu.memory_space<vmem_shared>>) offsets(%dma_start3A_315 : memref<128xi32, #tpu.memory_space<vmem>>) semaphore(%arg13 : memref<!tpu.dma_semaphore, #tpu.memory_space<semaphore_mem>>)
      %while3A_318 = arith.constant 0 : i32
      scf.yield %while3A_318 : i32
    }
    %while3A_168 = arith.constant 1 : i32
    %while3A_169 = scf.for %while3A_310 = %while3A_165 to %while3A_161 step %while3A_168 iter_args(%while3A_311 = %while3A_167) -> (i32)  : i32 {
      %dma_start3A_312 = arith.constant 1 : i32
      %dma_start3A_313 = arith.constant 0 : i32
      %dma_start3A_314 = tpu.memref_slice %arg7[%dma_start3A_312, %while3A_310, %dma_start3A_313] : memref<2x64x128xi32, #tpu.memory_space<vmem>> -> memref<1x1x128xi32, #tpu.memory_space<vmem>>
      %dma_start3A_315 = tpu.memref_squeeze %dma_start3A_314 : memref<1x1x128xi32, #tpu.memory_space<vmem>> -> memref<128xi32, #tpu.memory_space<vmem>>
      %dma_start3A_316 = arith.constant 0 : i32
      %dma_start3A_317 = tpu.memref_slice %arg10[%dma_start3A_316] : memref<1376256xf32, #tpu.memory_space<vmem_shared>> -> memref<1376256xf32, #tpu.memory_space<vmem_shared>>
      tpu.enqueue_indirect_dma source(%arg8 : memref<128xf32, #tpu.memory_space<vmem>>) target(%dma_start3A_317 : memref<1376256xf32, #tpu.memory_space<vmem_shared>>) offsets(%dma_start3A_315 : memref<128xi32, #tpu.memory_space<vmem>>) semaphore(%arg13 : memref<!tpu.dma_semaphore, #tpu.memory_space<semaphore_mem>>)
      %while3A_318 = arith.constant 0 : i32
      scf.yield %while3A_318 : i32
    }
    %while3A_170 = arith.constant 0 : i32
    %while3A_171 = arith.constant 0 : i32
    %while3A_172 = arith.subi %select_n3A_48, %while3A_170 : i32
    %while3A_173 = arith.addi %while3A_170, %while3A_172 : i32
    %while3A_174 = arith.constant 1 : i32
    %while3A_175 = arith.divsi %while3A_172, %while3A_174 : i32
    %while3A_176 = arith.muli %while3A_175, %while3A_174 : i32
    %while3A_177 = arith.addi %while3A_170, %while3A_176 : i32
    %while3A_178 = arith.constant 1 : i32
    %while3A_179 = scf.for %while3A_310 = %while3A_170 to %while3A_177 step %while3A_178 iter_args(%while3A_311 = %while3A_171) -> (i32)  : i32 {
      %dma_wait3A_312 = arith.constant 0 : i32
      %dma_wait3A_313 = arith.constant 0 : i32
      %dma_wait3A_314 = tpu.memref_slice %arg7[%dma_wait3A_312, %while3A_310, %dma_wait3A_313] : memref<2x64x128xi32, #tpu.memory_space<vmem>> -> memref<1x1x128xi32, #tpu.memory_space<vmem>>
      %dma_wait3A_315 = tpu.memref_squeeze %dma_wait3A_314 : memref<1x1x128xi32, #tpu.memory_space<vmem>> -> memref<128xi32, #tpu.memory_space<vmem>>
      %dma_wait3A_316 = arith.constant 0 : i32
      %dma_wait3A_317 = tpu.memref_slice %arg10[%dma_wait3A_316] : memref<1376256xf32, #tpu.memory_space<vmem_shared>> -> memref<1376256xf32, #tpu.memory_space<vmem_shared>>
      tpu.wait_indirect_dma semaphore(%arg12 : memref<!tpu.dma_semaphore, #tpu.memory_space<semaphore_mem>>) src(%arg8 : memref<128xf32, #tpu.memory_space<vmem>>) dst(%dma_wait3A_317 : memref<1376256xf32, #tpu.memory_space<vmem_shared>>)
      %while3A_318 = arith.constant 0 : i32
      scf.yield %while3A_318 : i32
    }
    %while3A_180 = arith.constant 1 : i32
    %while3A_181 = scf.for %while3A_310 = %while3A_177 to %while3A_173 step %while3A_180 iter_args(%while3A_311 = %while3A_179) -> (i32)  : i32 {
      %dma_wait3A_312 = arith.constant 0 : i32
      %dma_wait3A_313 = arith.constant 0 : i32
      %dma_wait3A_314 = tpu.memref_slice %arg7[%dma_wait3A_312, %while3A_310, %dma_wait3A_313] : memref<2x64x128xi32, #tpu.memory_space<vmem>> -> memref<1x1x128xi32, #tpu.memory_space<vmem>>
      %dma_wait3A_315 = tpu.memref_squeeze %dma_wait3A_314 : memref<1x1x128xi32, #tpu.memory_space<vmem>> -> memref<128xi32, #tpu.memory_space<vmem>>
      %dma_wait3A_316 = arith.constant 0 : i32
      %dma_wait3A_317 = tpu.memref_slice %arg10[%dma_wait3A_316] : memref<1376256xf32, #tpu.memory_space<vmem_shared>> -> memref<1376256xf32, #tpu.memory_space<vmem_shared>>
      tpu.wait_indirect_dma semaphore(%arg12 : memref<!tpu.dma_semaphore, #tpu.memory_space<semaphore_mem>>) src(%arg8 : memref<128xf32, #tpu.memory_space<vmem>>) dst(%dma_wait3A_317 : memref<1376256xf32, #tpu.memory_space<vmem_shared>>)
      %while3A_318 = arith.constant 0 : i32
      scf.yield %while3A_318 : i32
    }
    %dma_wait3A_182 = arith.constant 0 : i32
    %dma_wait3A_183 = arith.constant 0 : i32
    %dma_wait3A_184 = tpu.memref_slice %arg5[%dma_wait3A_182, %dma_wait3A_183] : memref<2x4096xf32, #tpu.memory_space<vmem>> -> memref<1x4096xf32, #tpu.memory_space<vmem>>
    %dma_wait3A_185 = tpu.memref_squeeze %dma_wait3A_184 : memref<1x4096xf32, #tpu.memory_space<vmem>> -> memref<4096xf32, #tpu.memory_space<vmem>>
    %dma_wait3A_186 = tpu.memref_slice %arg2[%add3A_134] : memref<262144xf32, #tpu.memory_space<hbm>> -> memref<4096xf32, #tpu.memory_space<hbm>>
    %dma_wait3A_187 = arith.constant 0 : i32
    %dma_wait3A_188 = tpu.memref_slice %arg5[%dma_wait3A_182, %dma_wait3A_187] : memref<2x4096xf32, #tpu.memory_space<vmem>> -> memref<1x4096xf32, #tpu.memory_space<vmem>>
    %dma_wait3A_189 = tpu.memref_squeeze %dma_wait3A_188 : memref<1x4096xf32, #tpu.memory_space<vmem>> -> memref<4096xf32, #tpu.memory_space<vmem>>
    %dma_wait3A_190 = tpu.memref_slice %arg2[%add3A_134] : memref<262144xf32, #tpu.memory_space<hbm>> -> memref<4096xf32, #tpu.memory_space<hbm>>
    tpu.wait_dma2 semaphore(%arg11 : memref<!tpu.dma_semaphore, #tpu.memory_space<semaphore_mem>>) src(%dma_wait3A_190 : memref<4096xf32, #tpu.memory_space<hbm>>) dst(%dma_wait3A_189 : memref<4096xf32, #tpu.memory_space<vmem>>)
    %dma_wait3A_191 = arith.constant 0 : i32
    %dma_wait3A_192 = arith.constant 0 : i32
    %dma_wait3A_193 = tpu.memref_slice %arg6[%dma_wait3A_191, %dma_wait3A_192] : memref<2x4096xf32, #tpu.memory_space<vmem>> -> memref<1x4096xf32, #tpu.memory_space<vmem>>
    %dma_wait3A_194 = tpu.memref_squeeze %dma_wait3A_193 : memref<1x4096xf32, #tpu.memory_space<vmem>> -> memref<4096xf32, #tpu.memory_space<vmem>>
    %dma_wait3A_195 = tpu.memref_slice %arg3[%add3A_145] : memref<262144xf32, #tpu.memory_space<hbm>> -> memref<4096xf32, #tpu.memory_space<hbm>>
    %dma_wait3A_196 = arith.constant 0 : i32
    %dma_wait3A_197 = tpu.memref_slice %arg6[%dma_wait3A_191, %dma_wait3A_196] : memref<2x4096xf32, #tpu.memory_space<vmem>> -> memref<1x4096xf32, #tpu.memory_space<vmem>>
    %dma_wait3A_198 = tpu.memref_squeeze %dma_wait3A_197 : memref<1x4096xf32, #tpu.memory_space<vmem>> -> memref<4096xf32, #tpu.memory_space<vmem>>
    %dma_wait3A_199 = tpu.memref_slice %arg3[%add3A_145] : memref<262144xf32, #tpu.memory_space<hbm>> -> memref<4096xf32, #tpu.memory_space<hbm>>
    tpu.wait_dma2 semaphore(%arg11 : memref<!tpu.dma_semaphore, #tpu.memory_space<semaphore_mem>>) src(%dma_wait3A_199 : memref<4096xf32, #tpu.memory_space<hbm>>) dst(%dma_wait3A_198 : memref<4096xf32, #tpu.memory_space<vmem>>)
    %add3A_200 = arith.constant 12288 : i32
    %add3A_201 = arith.addi %mul3A_1, %add3A_200 : i32
    %dma_start3A_202 = arith.constant 1 : i32
    %dma_start3A_203 = arith.constant 0 : i32
    %dma_start3A_204 = tpu.memref_slice %arg5[%dma_start3A_202, %dma_start3A_203] : memref<2x4096xf32, #tpu.memory_space<vmem>> -> memref<1x4096xf32, #tpu.memory_space<vmem>>
    %dma_start3A_205 = tpu.memref_squeeze %dma_start3A_204 : memref<1x4096xf32, #tpu.memory_space<vmem>> -> memref<4096xf32, #tpu.memory_space<vmem>>
    %dma_start3A_206 = tpu.memref_slice %arg2[%add3A_201] : memref<262144xf32, #tpu.memory_space<hbm>> -> memref<4096xf32, #tpu.memory_space<hbm>>
    %dma_start3A_207 = arith.constant 0 : i32
    %dma_start3A_208 = tpu.memref_slice %arg5[%dma_start3A_202, %dma_start3A_207] : memref<2x4096xf32, #tpu.memory_space<vmem>> -> memref<1x4096xf32, #tpu.memory_space<vmem>>
    %dma_start3A_209 = tpu.memref_squeeze %dma_start3A_208 : memref<1x4096xf32, #tpu.memory_space<vmem>> -> memref<4096xf32, #tpu.memory_space<vmem>>
    %dma_start3A_210 = tpu.memref_slice %arg2[%add3A_201] : memref<262144xf32, #tpu.memory_space<hbm>> -> memref<4096xf32, #tpu.memory_space<hbm>>
    tpu.enqueue_dma source(%dma_start3A_210 : memref<4096xf32, #tpu.memory_space<hbm>>) target(%dma_start3A_209 : memref<4096xf32, #tpu.memory_space<vmem>>) target_semaphore(%arg11 : memref<!tpu.dma_semaphore, #tpu.memory_space<semaphore_mem>>)
    %add3A_211 = arith.constant 12288 : i32
    %add3A_212 = arith.addi %mul3A_1, %add3A_211 : i32
    %dma_start3A_213 = arith.constant 1 : i32
    %dma_start3A_214 = arith.constant 0 : i32
    %dma_start3A_215 = tpu.memref_slice %arg6[%dma_start3A_213, %dma_start3A_214] : memref<2x4096xf32, #tpu.memory_space<vmem>> -> memref<1x4096xf32, #tpu.memory_space<vmem>>
    %dma_start3A_216 = tpu.memref_squeeze %dma_start3A_215 : memref<1x4096xf32, #tpu.memory_space<vmem>> -> memref<4096xf32, #tpu.memory_space<vmem>>
    %dma_start3A_217 = tpu.memref_slice %arg3[%add3A_212] : memref<262144xf32, #tpu.memory_space<hbm>> -> memref<4096xf32, #tpu.memory_space<hbm>>
    %dma_start3A_218 = arith.constant 0 : i32
    %dma_start3A_219 = tpu.memref_slice %arg6[%dma_start3A_213, %dma_start3A_218] : memref<2x4096xf32, #tpu.memory_space<vmem>> -> memref<1x4096xf32, #tpu.memory_space<vmem>>
    %dma_start3A_220 = tpu.memref_squeeze %dma_start3A_219 : memref<1x4096xf32, #tpu.memory_space<vmem>> -> memref<4096xf32, #tpu.memory_space<vmem>>
    %dma_start3A_221 = tpu.memref_slice %arg3[%add3A_212] : memref<262144xf32, #tpu.memory_space<hbm>> -> memref<4096xf32, #tpu.memory_space<hbm>>
    tpu.enqueue_dma source(%dma_start3A_221 : memref<4096xf32, #tpu.memory_space<hbm>>) target(%dma_start3A_220 : memref<4096xf32, #tpu.memory_space<vmem>>) target_semaphore(%arg11 : memref<!tpu.dma_semaphore, #tpu.memory_space<semaphore_mem>>)
    %parallel_loop3A_222 = arith.constant 0 : i32
    %parallel_loop3A_223 = arith.constant 256 : i32
    %parallel_loop3A_224 = arith.constant 1 : i32
    "tpu.trace_start"() <{level = 10 : i32, message = "ph_quant2"}> : () -> ()
    scf.for %parallel_loop3A_310 = %parallel_loop3A_222 to %parallel_loop3A_223 step %parallel_loop3A_224  : i32 {
      %parallel_loop3A_311 = arith.constant 16 : i32
      %parallel_loop3A_312 = arith.muli %parallel_loop3A_310, %parallel_loop3A_311 : i32
      %parallel_loop3A_313 = arith.constant 0 : i32
      %parallel_loop3A_314 = arith.index_cast %parallel_loop3A_313 : i32 to index
      %parallel_loop3A_315 = arith.index_cast %parallel_loop3A_312 : i32 to index
      %parallel_loop3A_316 = tpu.vector_load %arg5[%parallel_loop3A_314, %parallel_loop3A_315] {strides = array<i32>} : memref<2x4096xf32, #tpu.memory_space<vmem>>, vector<1x16xf32>,
      %parallel_loop3A_317 = vector.shape_cast %parallel_loop3A_316 : vector<1x16xf32> to vector<16xf32>
      %parallel_loop3A_318 = arith.constant 16 : i32
      %parallel_loop3A_319 = arith.muli %parallel_loop3A_310, %parallel_loop3A_318 : i32
      %parallel_loop3A_320 = arith.constant 0 : i32
      %parallel_loop3A_321 = arith.index_cast %parallel_loop3A_320 : i32 to index
      %parallel_loop3A_322 = arith.index_cast %parallel_loop3A_319 : i32 to index
      %parallel_loop3A_323 = tpu.vector_load %arg6[%parallel_loop3A_321, %parallel_loop3A_322] {strides = array<i32>} : memref<2x4096xf32, #tpu.memory_space<vmem>>, vector<1x16xf32>,
      %parallel_loop3A_324 = vector.shape_cast %parallel_loop3A_323 : vector<1x16xf32> to vector<16xf32>
      %parallel_loop3A_325 = arith.constant 5.120000e+01 : f32
      %parallel_loop3A_326 = vector.broadcast %parallel_loop3A_325 : f32 to vector<16xf32>
      %parallel_loop3A_327 = arith.addf %parallel_loop3A_317, %parallel_loop3A_326 : vector<16xf32>
      %parallel_loop3A_328 = arith.constant 1.000000e-01 : f32
      %parallel_loop3A_329 = vector.broadcast %parallel_loop3A_328 : f32 to vector<16xf32>
      %parallel_loop3A_330 = arith.divf %parallel_loop3A_327, %parallel_loop3A_329 : vector<16xf32>
      %parallel_loop3A_331 = arith.fptosi %parallel_loop3A_330 : vector<16xf32> to vector<16xi32>
      %parallel_loop3A_332 = arith.constant 5.120000e+01 : f32
      %parallel_loop3A_333 = vector.broadcast %parallel_loop3A_332 : f32 to vector<16xf32>
      %parallel_loop3A_334 = arith.addf %parallel_loop3A_324, %parallel_loop3A_333 : vector<16xf32>
      %parallel_loop3A_335 = arith.constant 1.000000e-01 : f32
      %parallel_loop3A_336 = vector.broadcast %parallel_loop3A_335 : f32 to vector<16xf32>
      %parallel_loop3A_337 = arith.divf %parallel_loop3A_334, %parallel_loop3A_336 : vector<16xf32>
      %parallel_loop3A_338 = arith.fptosi %parallel_loop3A_337 : vector<16xf32> to vector<16xi32>
      %parallel_loop3A_339 = arith.constant 0 : i32
      %parallel_loop3A_340 = vector.broadcast %parallel_loop3A_339 : i32 to vector<16xi32>
      %parallel_loop3A_341 = arith.maxsi %parallel_loop3A_331, %parallel_loop3A_340 : vector<16xi32>
      %parallel_loop3A_342 = arith.constant 1023 : i32
      %parallel_loop3A_343 = vector.broadcast %parallel_loop3A_342 : i32 to vector<16xi32>
      %parallel_loop3A_344 = arith.minsi %parallel_loop3A_341, %parallel_loop3A_343 : vector<16xi32>
      %parallel_loop3A_345 = arith.constant 0 : i32
      %parallel_loop3A_346 = vector.broadcast %parallel_loop3A_345 : i32 to vector<16xi32>
      %parallel_loop3A_347 = arith.maxsi %parallel_loop3A_338, %parallel_loop3A_346 : vector<16xi32>
      %parallel_loop3A_348 = arith.constant 1023 : i32
      %parallel_loop3A_349 = vector.broadcast %parallel_loop3A_348 : i32 to vector<16xi32>
      %parallel_loop3A_350 = arith.minsi %parallel_loop3A_347, %parallel_loop3A_349 : vector<16xi32>
      %parallel_loop3A_351 = arith.constant 8 : i32
      %parallel_loop3A_352 = arith.divsi %parallel_loop3A_310, %parallel_loop3A_351 : i32
      %parallel_loop3A_353 = arith.constant 0 : i32
      %parallel_loop3A_354 = arith.cmpi sgt, %parallel_loop3A_310, %parallel_loop3A_353 : i32
      %parallel_loop3A_355 = arith.extui %parallel_loop3A_354 : i1 to i32
      %parallel_loop3A_356 = arith.constant 0 : i32
      %parallel_loop3A_357 = arith.cmpi slt, %parallel_loop3A_310, %parallel_loop3A_356 : i32
      %parallel_loop3A_358 = arith.extui %parallel_loop3A_357 : i1 to i32
      %parallel_loop3A_359 = arith.subi %parallel_loop3A_355, %parallel_loop3A_358 : i32
      %parallel_loop3A_360 = arith.constant 0 : i32
      %parallel_loop3A_361 = arith.cmpi sgt, %parallel_loop3A_351, %parallel_loop3A_360 : i32
      %parallel_loop3A_362 = arith.extui %parallel_loop3A_361 : i1 to i32
      %parallel_loop3A_363 = arith.constant 0 : i32
      %parallel_loop3A_364 = arith.cmpi slt, %parallel_loop3A_351, %parallel_loop3A_363 : i32
      %parallel_loop3A_365 = arith.extui %parallel_loop3A_364 : i1 to i32
      %parallel_loop3A_366 = arith.subi %parallel_loop3A_362, %parallel_loop3A_365 : i32
      %parallel_loop3A_367 = arith.cmpi ne, %parallel_loop3A_359, %parallel_loop3A_366 : i32
      %parallel_loop3A_368 = arith.remsi %parallel_loop3A_310, %parallel_loop3A_351 : i32
      %parallel_loop3A_369 = arith.constant 0 : i32
      %parallel_loop3A_370 = arith.cmpi ne, %parallel_loop3A_368, %parallel_loop3A_369 : i32
      %parallel_loop3A_371 = arith.andi %parallel_loop3A_367, %parallel_loop3A_370 : i1
      %parallel_loop3A_372 = arith.constant 1 : i32
      %parallel_loop3A_373 = arith.subi %parallel_loop3A_352, %parallel_loop3A_372 : i32
      %parallel_loop3A_374 = arith.select %parallel_loop3A_371, %parallel_loop3A_373, %parallel_loop3A_352 : i32
      %parallel_loop3A_375 = arith.constant 8 : i32
      %parallel_loop3A_376 = arith.constant 0 : i32
      %parallel_loop3A_377 = arith.cmpi eq, %parallel_loop3A_375, %parallel_loop3A_376 : i32
      %parallel_loop3A_378 = arith.constant 1 : i32
      %parallel_loop3A_379 = arith.select %parallel_loop3A_377, %parallel_loop3A_378, %parallel_loop3A_375 : i32
      %parallel_loop3A_380 = arith.remsi %parallel_loop3A_310, %parallel_loop3A_379 : i32
      %parallel_loop3A_381 = arith.constant 0 : i32
      %parallel_loop3A_382 = arith.cmpi ne, %parallel_loop3A_380, %parallel_loop3A_381 : i32
      %parallel_loop3A_383 = arith.constant 0 : i32
      %parallel_loop3A_384 = arith.cmpi slt, %parallel_loop3A_380, %parallel_loop3A_383 : i32
      %parallel_loop3A_385 = arith.constant 0 : i32
      %parallel_loop3A_386 = arith.cmpi slt, %parallel_loop3A_379, %parallel_loop3A_385 : i32
      %parallel_loop3A_387 = arith.xori %parallel_loop3A_384, %parallel_loop3A_386 : i1
      %parallel_loop3A_388 = arith.andi %parallel_loop3A_387, %parallel_loop3A_382 : i1
      %parallel_loop3A_389 = arith.addi %parallel_loop3A_380, %parallel_loop3A_379 : i32
      %parallel_loop3A_390 = arith.select %parallel_loop3A_388, %parallel_loop3A_389, %parallel_loop3A_380 : i32
      %parallel_loop3A_391 = arith.constant 16 : i32
      %parallel_loop3A_392 = arith.muli %parallel_loop3A_390, %parallel_loop3A_391 : i32
      %parallel_loop3A_393 = arith.extui %eq3A_0 : i1 to i32
      %parallel_loop3A_394 = arith.constant 0 : i32
      %parallel_loop3A_395 = arith.cmpi ne, %parallel_loop3A_393, %parallel_loop3A_394 : i32
      scf.if %parallel_loop3A_395 {
        %parallel_loop3A_401 = arith.constant 1024 : i32
        %parallel_loop3A_402 = vector.broadcast %parallel_loop3A_401 : i32 to vector<16xi32>
        %parallel_loop3A_403 = arith.muli %parallel_loop3A_350, %parallel_loop3A_402 : vector<16xi32>
        %parallel_loop3A_404 = arith.addi %parallel_loop3A_403, %parallel_loop3A_344 : vector<16xi32>
        %parallel_loop3A_405 = arith.constant 0 : i32
        %parallel_loop3A_406 = arith.index_cast %parallel_loop3A_405 : i32 to index
        %parallel_loop3A_407 = arith.index_cast %parallel_loop3A_374 : i32 to index
        %parallel_loop3A_408 = arith.index_cast %parallel_loop3A_392 : i32 to index
        %parallel_loop3A_409 = tpu.vector_load %arg7[%parallel_loop3A_406, %parallel_loop3A_407, %parallel_loop3A_408] {strides = array<i32>} : memref<2x64x128xi32, #tpu.memory_space<vmem>>, vector<1x1x16xi32>,
        %parallel_loop3A_410 = vector.shape_cast %parallel_loop3A_409 : vector<1x1x16xi32> to vector<16xi32>
        %parallel_loop3A_411 = vector.shape_cast %parallel_loop3A_404 : vector<16xi32> to vector<1x1x16xi32>
        tpu.vector_store %arg7[%parallel_loop3A_406, %parallel_loop3A_407, %parallel_loop3A_408], %parallel_loop3A_411 {strides = array<i32>} : memref<2x64x128xi32, #tpu.memory_space<vmem>>, vector<1x1x16xi32>,
      } else {
      }
      %parallel_loop3A_396 = arith.constant true
      %parallel_loop3A_397 = arith.xori %eq3A_0, %parallel_loop3A_396 : i1
      %parallel_loop3A_398 = arith.extui %parallel_loop3A_397 : i1 to i32
      %parallel_loop3A_399 = arith.constant 0 : i32
      %parallel_loop3A_400 = arith.cmpi ne, %parallel_loop3A_398, %parallel_loop3A_399 : i32
      scf.if %parallel_loop3A_400 {
        %parallel_loop3A_401 = arith.constant 1 : i32
        %parallel_loop3A_402 = vector.broadcast %parallel_loop3A_401 : i32 to vector<16xi32>
        %parallel_loop3A_403 = arith.shrsi %parallel_loop3A_350, %parallel_loop3A_402 : vector<16xi32>
        %parallel_loop3A_404 = arith.constant 512 : i32
        %parallel_loop3A_405 = vector.broadcast %parallel_loop3A_404 : i32 to vector<16xi32>
        %parallel_loop3A_406 = arith.muli %parallel_loop3A_403, %parallel_loop3A_405 : vector<16xi32>
        %parallel_loop3A_407 = arith.constant 1 : i32
        %parallel_loop3A_408 = vector.broadcast %parallel_loop3A_407 : i32 to vector<16xi32>
        %parallel_loop3A_409 = arith.shrsi %parallel_loop3A_344, %parallel_loop3A_408 : vector<16xi32>
        %parallel_loop3A_410 = arith.addi %parallel_loop3A_406, %parallel_loop3A_409 : vector<16xi32>
        %parallel_loop3A_411 = arith.constant 1048576 : i32
        %parallel_loop3A_412 = vector.broadcast %parallel_loop3A_411 : i32 to vector<16xi32>
        %parallel_loop3A_413 = arith.addi %parallel_loop3A_410, %parallel_loop3A_412 : vector<16xi32>
        %parallel_loop3A_414 = arith.constant 0 : i32
        %parallel_loop3A_415 = arith.index_cast %parallel_loop3A_414 : i32 to index
        %parallel_loop3A_416 = arith.index_cast %parallel_loop3A_374 : i32 to index
        %parallel_loop3A_417 = arith.index_cast %parallel_loop3A_392 : i32 to index
        %parallel_loop3A_418 = tpu.vector_load %arg7[%parallel_loop3A_415, %parallel_loop3A_416, %parallel_loop3A_417] {strides = array<i32>} : memref<2x64x128xi32, #tpu.memory_space<vmem>>, vector<1x1x16xi32>,
        %parallel_loop3A_419 = vector.shape_cast %parallel_loop3A_418 : vector<1x1x16xi32> to vector<16xi32>
        %parallel_loop3A_420 = vector.shape_cast %parallel_loop3A_413 : vector<16xi32> to vector<1x1x16xi32>
        tpu.vector_store %arg7[%parallel_loop3A_415, %parallel_loop3A_416, %parallel_loop3A_417], %parallel_loop3A_420 {strides = array<i32>} : memref<2x64x128xi32, #tpu.memory_space<vmem>>, vector<1x1x16xi32>,
        %parallel_loop3A_421 = arith.constant 2 : i32
        %parallel_loop3A_422 = vector.broadcast %parallel_loop3A_421 : i32 to vector<16xi32>
        %parallel_loop3A_423 = arith.shrsi %parallel_loop3A_350, %parallel_loop3A_422 : vector<16xi32>
        %parallel_loop3A_424 = arith.constant 256 : i32
        %parallel_loop3A_425 = vector.broadcast %parallel_loop3A_424 : i32 to vector<16xi32>
        %parallel_loop3A_426 = arith.muli %parallel_loop3A_423, %parallel_loop3A_425 : vector<16xi32>
        %parallel_loop3A_427 = arith.constant 2 : i32
        %parallel_loop3A_428 = vector.broadcast %parallel_loop3A_427 : i32 to vector<16xi32>
        %parallel_loop3A_429 = arith.shrsi %parallel_loop3A_344, %parallel_loop3A_428 : vector<16xi32>
        %parallel_loop3A_430 = arith.addi %parallel_loop3A_426, %parallel_loop3A_429 : vector<16xi32>
        %parallel_loop3A_431 = arith.constant 1310720 : i32
        %parallel_loop3A_432 = vector.broadcast %parallel_loop3A_431 : i32 to vector<16xi32>
        %parallel_loop3A_433 = arith.addi %parallel_loop3A_430, %parallel_loop3A_432 : vector<16xi32>
        %parallel_loop3A_434 = arith.constant 32 : i32
        %parallel_loop3A_435 = arith.addi %parallel_loop3A_434, %parallel_loop3A_374 : i32
        %parallel_loop3A_436 = arith.constant 0 : i32
        %parallel_loop3A_437 = arith.index_cast %parallel_loop3A_436 : i32 to index
        %parallel_loop3A_438 = arith.index_cast %parallel_loop3A_435 : i32 to index
        %parallel_loop3A_439 = arith.index_cast %parallel_loop3A_392 : i32 to index
        %parallel_loop3A_440 = tpu.vector_load %arg7[%parallel_loop3A_437, %parallel_loop3A_438, %parallel_loop3A_439] {strides = array<i32>} : memref<2x64x128xi32, #tpu.memory_space<vmem>>, vector<1x1x16xi32>,
        %parallel_loop3A_441 = vector.shape_cast %parallel_loop3A_440 : vector<1x1x16xi32> to vector<16xi32>
        %parallel_loop3A_442 = vector.shape_cast %parallel_loop3A_433 : vector<16xi32> to vector<1x1x16xi32>
        tpu.vector_store %arg7[%parallel_loop3A_437, %parallel_loop3A_438, %parallel_loop3A_439], %parallel_loop3A_442 {strides = array<i32>} : memref<2x64x128xi32, #tpu.memory_space<vmem>>, vector<1x1x16xi32>,
      } else {
      }
    } {sc.loop_unroll_factor = 4 : i64, sc.parallel_access}
    %while3A_225 = arith.constant 0 : i32
    %while3A_226 = arith.constant 0 : i32
    "tpu.trace_stop"() : () -> ()
    %while3A_227 = arith.subi %select_n3A_48, %while3A_225 : i32
    %while3A_228 = arith.addi %while3A_225, %while3A_227 : i32
    %while3A_229 = arith.constant 1 : i32
    %while3A_230 = arith.divsi %while3A_227, %while3A_229 : i32
    %while3A_231 = arith.muli %while3A_230, %while3A_229 : i32
    %while3A_232 = arith.addi %while3A_225, %while3A_231 : i32
    %while3A_233 = arith.constant 1 : i32
    %while3A_234 = scf.for %while3A_310 = %while3A_225 to %while3A_232 step %while3A_233 iter_args(%while3A_311 = %while3A_226) -> (i32)  : i32 {
      %dma_start3A_312 = arith.constant 0 : i32
      %dma_start3A_313 = arith.constant 0 : i32
      %dma_start3A_314 = tpu.memref_slice %arg7[%dma_start3A_312, %while3A_310, %dma_start3A_313] : memref<2x64x128xi32, #tpu.memory_space<vmem>> -> memref<1x1x128xi32, #tpu.memory_space<vmem>>
      %dma_start3A_315 = tpu.memref_squeeze %dma_start3A_314 : memref<1x1x128xi32, #tpu.memory_space<vmem>> -> memref<128xi32, #tpu.memory_space<vmem>>
      %dma_start3A_316 = arith.constant 0 : i32
      %dma_start3A_317 = tpu.memref_slice %arg10[%dma_start3A_316] : memref<1376256xf32, #tpu.memory_space<vmem_shared>> -> memref<1376256xf32, #tpu.memory_space<vmem_shared>>
      tpu.enqueue_indirect_dma source(%arg8 : memref<128xf32, #tpu.memory_space<vmem>>) target(%dma_start3A_317 : memref<1376256xf32, #tpu.memory_space<vmem_shared>>) offsets(%dma_start3A_315 : memref<128xi32, #tpu.memory_space<vmem>>) semaphore(%arg12 : memref<!tpu.dma_semaphore, #tpu.memory_space<semaphore_mem>>)
      %while3A_318 = arith.constant 0 : i32
      scf.yield %while3A_318 : i32
    }
    %while3A_235 = arith.constant 1 : i32
    %while3A_236 = scf.for %while3A_310 = %while3A_232 to %while3A_228 step %while3A_235 iter_args(%while3A_311 = %while3A_234) -> (i32)  : i32 {
      %dma_start3A_312 = arith.constant 0 : i32
      %dma_start3A_313 = arith.constant 0 : i32
      %dma_start3A_314 = tpu.memref_slice %arg7[%dma_start3A_312, %while3A_310, %dma_start3A_313] : memref<2x64x128xi32, #tpu.memory_space<vmem>> -> memref<1x1x128xi32, #tpu.memory_space<vmem>>
      %dma_start3A_315 = tpu.memref_squeeze %dma_start3A_314 : memref<1x1x128xi32, #tpu.memory_space<vmem>> -> memref<128xi32, #tpu.memory_space<vmem>>
      %dma_start3A_316 = arith.constant 0 : i32
      %dma_start3A_317 = tpu.memref_slice %arg10[%dma_start3A_316] : memref<1376256xf32, #tpu.memory_space<vmem_shared>> -> memref<1376256xf32, #tpu.memory_space<vmem_shared>>
      tpu.enqueue_indirect_dma source(%arg8 : memref<128xf32, #tpu.memory_space<vmem>>) target(%dma_start3A_317 : memref<1376256xf32, #tpu.memory_space<vmem_shared>>) offsets(%dma_start3A_315 : memref<128xi32, #tpu.memory_space<vmem>>) semaphore(%arg12 : memref<!tpu.dma_semaphore, #tpu.memory_space<semaphore_mem>>)
      %while3A_318 = arith.constant 0 : i32
      scf.yield %while3A_318 : i32
    }
    %while3A_237 = arith.constant 0 : i32
    %while3A_238 = arith.constant 0 : i32
    %while3A_239 = arith.subi %select_n3A_48, %while3A_237 : i32
    %while3A_240 = arith.addi %while3A_237, %while3A_239 : i32
    %while3A_241 = arith.constant 1 : i32
    %while3A_242 = arith.divsi %while3A_239, %while3A_241 : i32
    %while3A_243 = arith.muli %while3A_242, %while3A_241 : i32
    %while3A_244 = arith.addi %while3A_237, %while3A_243 : i32
    %while3A_245 = arith.constant 1 : i32
    %while3A_246 = scf.for %while3A_310 = %while3A_237 to %while3A_244 step %while3A_245 iter_args(%while3A_311 = %while3A_238) -> (i32)  : i32 {
      %dma_wait3A_312 = arith.constant 1 : i32
      %dma_wait3A_313 = arith.constant 0 : i32
      %dma_wait3A_314 = tpu.memref_slice %arg7[%dma_wait3A_312, %while3A_310, %dma_wait3A_313] : memref<2x64x128xi32, #tpu.memory_space<vmem>> -> memref<1x1x128xi32, #tpu.memory_space<vmem>>
      %dma_wait3A_315 = tpu.memref_squeeze %dma_wait3A_314 : memref<1x1x128xi32, #tpu.memory_space<vmem>> -> memref<128xi32, #tpu.memory_space<vmem>>
      %dma_wait3A_316 = arith.constant 0 : i32
      %dma_wait3A_317 = tpu.memref_slice %arg10[%dma_wait3A_316] : memref<1376256xf32, #tpu.memory_space<vmem_shared>> -> memref<1376256xf32, #tpu.memory_space<vmem_shared>>
      tpu.wait_indirect_dma semaphore(%arg13 : memref<!tpu.dma_semaphore, #tpu.memory_space<semaphore_mem>>) src(%arg8 : memref<128xf32, #tpu.memory_space<vmem>>) dst(%dma_wait3A_317 : memref<1376256xf32, #tpu.memory_space<vmem_shared>>)
      %while3A_318 = arith.constant 0 : i32
      scf.yield %while3A_318 : i32
    }
    %while3A_247 = arith.constant 1 : i32
    %while3A_248 = scf.for %while3A_310 = %while3A_244 to %while3A_240 step %while3A_247 iter_args(%while3A_311 = %while3A_246) -> (i32)  : i32 {
      %dma_wait3A_312 = arith.constant 1 : i32
      %dma_wait3A_313 = arith.constant 0 : i32
      %dma_wait3A_314 = tpu.memref_slice %arg7[%dma_wait3A_312, %while3A_310, %dma_wait3A_313] : memref<2x64x128xi32, #tpu.memory_space<vmem>> -> memref<1x1x128xi32, #tpu.memory_space<vmem>>
      %dma_wait3A_315 = tpu.memref_squeeze %dma_wait3A_314 : memref<1x1x128xi32, #tpu.memory_space<vmem>> -> memref<128xi32, #tpu.memory_space<vmem>>
      %dma_wait3A_316 = arith.constant 0 : i32
      %dma_wait3A_317 = tpu.memref_slice %arg10[%dma_wait3A_316] : memref<1376256xf32, #tpu.memory_space<vmem_shared>> -> memref<1376256xf32, #tpu.memory_space<vmem_shared>>
      tpu.wait_indirect_dma semaphore(%arg13 : memref<!tpu.dma_semaphore, #tpu.memory_space<semaphore_mem>>) src(%arg8 : memref<128xf32, #tpu.memory_space<vmem>>) dst(%dma_wait3A_317 : memref<1376256xf32, #tpu.memory_space<vmem_shared>>)
      %while3A_318 = arith.constant 0 : i32
      scf.yield %while3A_318 : i32
    }
    %dma_wait3A_249 = arith.constant 1 : i32
    %dma_wait3A_250 = arith.constant 0 : i32
    %dma_wait3A_251 = tpu.memref_slice %arg5[%dma_wait3A_249, %dma_wait3A_250] : memref<2x4096xf32, #tpu.memory_space<vmem>> -> memref<1x4096xf32, #tpu.memory_space<vmem>>
    %dma_wait3A_252 = tpu.memref_squeeze %dma_wait3A_251 : memref<1x4096xf32, #tpu.memory_space<vmem>> -> memref<4096xf32, #tpu.memory_space<vmem>>
    %dma_wait3A_253 = tpu.memref_slice %arg2[%add3A_201] : memref<262144xf32, #tpu.memory_space<hbm>> -> memref<4096xf32, #tpu.memory_space<hbm>>
    %dma_wait3A_254 = arith.constant 0 : i32
    %dma_wait3A_255 = tpu.memref_slice %arg5[%dma_wait3A_249, %dma_wait3A_254] : memref<2x4096xf32, #tpu.memory_space<vmem>> -> memref<1x4096xf32, #tpu.memory_space<vmem>>
    %dma_wait3A_256 = tpu.memref_squeeze %dma_wait3A_255 : memref<1x4096xf32, #tpu.memory_space<vmem>> -> memref<4096xf32, #tpu.memory_space<vmem>>
    %dma_wait3A_257 = tpu.memref_slice %arg2[%add3A_201] : memref<262144xf32, #tpu.memory_space<hbm>> -> memref<4096xf32, #tpu.memory_space<hbm>>
    tpu.wait_dma2 semaphore(%arg11 : memref<!tpu.dma_semaphore, #tpu.memory_space<semaphore_mem>>) src(%dma_wait3A_257 : memref<4096xf32, #tpu.memory_space<hbm>>) dst(%dma_wait3A_256 : memref<4096xf32, #tpu.memory_space<vmem>>)
    %dma_wait3A_258 = arith.constant 1 : i32
    %dma_wait3A_259 = arith.constant 0 : i32
    %dma_wait3A_260 = tpu.memref_slice %arg6[%dma_wait3A_258, %dma_wait3A_259] : memref<2x4096xf32, #tpu.memory_space<vmem>> -> memref<1x4096xf32, #tpu.memory_space<vmem>>
    %dma_wait3A_261 = tpu.memref_squeeze %dma_wait3A_260 : memref<1x4096xf32, #tpu.memory_space<vmem>> -> memref<4096xf32, #tpu.memory_space<vmem>>
    %dma_wait3A_262 = tpu.memref_slice %arg3[%add3A_212] : memref<262144xf32, #tpu.memory_space<hbm>> -> memref<4096xf32, #tpu.memory_space<hbm>>
    %dma_wait3A_263 = arith.constant 0 : i32
    %dma_wait3A_264 = tpu.memref_slice %arg6[%dma_wait3A_258, %dma_wait3A_263] : memref<2x4096xf32, #tpu.memory_space<vmem>> -> memref<1x4096xf32, #tpu.memory_space<vmem>>
    %dma_wait3A_265 = tpu.memref_squeeze %dma_wait3A_264 : memref<1x4096xf32, #tpu.memory_space<vmem>> -> memref<4096xf32, #tpu.memory_space<vmem>>
    %dma_wait3A_266 = tpu.memref_slice %arg3[%add3A_212] : memref<262144xf32, #tpu.memory_space<hbm>> -> memref<4096xf32, #tpu.memory_space<hbm>>
    tpu.wait_dma2 semaphore(%arg11 : memref<!tpu.dma_semaphore, #tpu.memory_space<semaphore_mem>>) src(%dma_wait3A_266 : memref<4096xf32, #tpu.memory_space<hbm>>) dst(%dma_wait3A_265 : memref<4096xf32, #tpu.memory_space<vmem>>)
    %parallel_loop3A_267 = arith.constant 0 : i32
    %parallel_loop3A_268 = arith.constant 256 : i32
    %parallel_loop3A_269 = arith.constant 1 : i32
    "tpu.trace_start"() <{level = 10 : i32, message = "ph_quant3"}> : () -> ()
    scf.for %parallel_loop3A_310 = %parallel_loop3A_267 to %parallel_loop3A_268 step %parallel_loop3A_269  : i32 {
      %parallel_loop3A_311 = arith.constant 16 : i32
      %parallel_loop3A_312 = arith.muli %parallel_loop3A_310, %parallel_loop3A_311 : i32
      %parallel_loop3A_313 = arith.constant 1 : i32
      %parallel_loop3A_314 = arith.index_cast %parallel_loop3A_313 : i32 to index
      %parallel_loop3A_315 = arith.index_cast %parallel_loop3A_312 : i32 to index
      %parallel_loop3A_316 = tpu.vector_load %arg5[%parallel_loop3A_314, %parallel_loop3A_315] {strides = array<i32>} : memref<2x4096xf32, #tpu.memory_space<vmem>>, vector<1x16xf32>,
      %parallel_loop3A_317 = vector.shape_cast %parallel_loop3A_316 : vector<1x16xf32> to vector<16xf32>
      %parallel_loop3A_318 = arith.constant 16 : i32
      %parallel_loop3A_319 = arith.muli %parallel_loop3A_310, %parallel_loop3A_318 : i32
      %parallel_loop3A_320 = arith.constant 1 : i32
      %parallel_loop3A_321 = arith.index_cast %parallel_loop3A_320 : i32 to index
      %parallel_loop3A_322 = arith.index_cast %parallel_loop3A_319 : i32 to index
      %parallel_loop3A_323 = tpu.vector_load %arg6[%parallel_loop3A_321, %parallel_loop3A_322] {strides = array<i32>} : memref<2x4096xf32, #tpu.memory_space<vmem>>, vector<1x16xf32>,
      %parallel_loop3A_324 = vector.shape_cast %parallel_loop3A_323 : vector<1x16xf32> to vector<16xf32>
      %parallel_loop3A_325 = arith.constant 5.120000e+01 : f32
      %parallel_loop3A_326 = vector.broadcast %parallel_loop3A_325 : f32 to vector<16xf32>
      %parallel_loop3A_327 = arith.addf %parallel_loop3A_317, %parallel_loop3A_326 : vector<16xf32>
      %parallel_loop3A_328 = arith.constant 1.000000e-01 : f32
      %parallel_loop3A_329 = vector.broadcast %parallel_loop3A_328 : f32 to vector<16xf32>
      %parallel_loop3A_330 = arith.divf %parallel_loop3A_327, %parallel_loop3A_329 : vector<16xf32>
      %parallel_loop3A_331 = arith.fptosi %parallel_loop3A_330 : vector<16xf32> to vector<16xi32>
      %parallel_loop3A_332 = arith.constant 5.120000e+01 : f32
      %parallel_loop3A_333 = vector.broadcast %parallel_loop3A_332 : f32 to vector<16xf32>
      %parallel_loop3A_334 = arith.addf %parallel_loop3A_324, %parallel_loop3A_333 : vector<16xf32>
      %parallel_loop3A_335 = arith.constant 1.000000e-01 : f32
      %parallel_loop3A_336 = vector.broadcast %parallel_loop3A_335 : f32 to vector<16xf32>
      %parallel_loop3A_337 = arith.divf %parallel_loop3A_334, %parallel_loop3A_336 : vector<16xf32>
      %parallel_loop3A_338 = arith.fptosi %parallel_loop3A_337 : vector<16xf32> to vector<16xi32>
      %parallel_loop3A_339 = arith.constant 0 : i32
      %parallel_loop3A_340 = vector.broadcast %parallel_loop3A_339 : i32 to vector<16xi32>
      %parallel_loop3A_341 = arith.maxsi %parallel_loop3A_331, %parallel_loop3A_340 : vector<16xi32>
      %parallel_loop3A_342 = arith.constant 1023 : i32
      %parallel_loop3A_343 = vector.broadcast %parallel_loop3A_342 : i32 to vector<16xi32>
      %parallel_loop3A_344 = arith.minsi %parallel_loop3A_341, %parallel_loop3A_343 : vector<16xi32>
      %parallel_loop3A_345 = arith.constant 0 : i32
      %parallel_loop3A_346 = vector.broadcast %parallel_loop3A_345 : i32 to vector<16xi32>
      %parallel_loop3A_347 = arith.maxsi %parallel_loop3A_338, %parallel_loop3A_346 : vector<16xi32>
      %parallel_loop3A_348 = arith.constant 1023 : i32
      %parallel_loop3A_349 = vector.broadcast %parallel_loop3A_348 : i32 to vector<16xi32>
      %parallel_loop3A_350 = arith.minsi %parallel_loop3A_347, %parallel_loop3A_349 : vector<16xi32>
      %parallel_loop3A_351 = arith.constant 8 : i32
      %parallel_loop3A_352 = arith.divsi %parallel_loop3A_310, %parallel_loop3A_351 : i32
      %parallel_loop3A_353 = arith.constant 0 : i32
      %parallel_loop3A_354 = arith.cmpi sgt, %parallel_loop3A_310, %parallel_loop3A_353 : i32
      %parallel_loop3A_355 = arith.extui %parallel_loop3A_354 : i1 to i32
      %parallel_loop3A_356 = arith.constant 0 : i32
      %parallel_loop3A_357 = arith.cmpi slt, %parallel_loop3A_310, %parallel_loop3A_356 : i32
      %parallel_loop3A_358 = arith.extui %parallel_loop3A_357 : i1 to i32
      %parallel_loop3A_359 = arith.subi %parallel_loop3A_355, %parallel_loop3A_358 : i32
      %parallel_loop3A_360 = arith.constant 0 : i32
      %parallel_loop3A_361 = arith.cmpi sgt, %parallel_loop3A_351, %parallel_loop3A_360 : i32
      %parallel_loop3A_362 = arith.extui %parallel_loop3A_361 : i1 to i32
      %parallel_loop3A_363 = arith.constant 0 : i32
      %parallel_loop3A_364 = arith.cmpi slt, %parallel_loop3A_351, %parallel_loop3A_363 : i32
      %parallel_loop3A_365 = arith.extui %parallel_loop3A_364 : i1 to i32
      %parallel_loop3A_366 = arith.subi %parallel_loop3A_362, %parallel_loop3A_365 : i32
      %parallel_loop3A_367 = arith.cmpi ne, %parallel_loop3A_359, %parallel_loop3A_366 : i32
      %parallel_loop3A_368 = arith.remsi %parallel_loop3A_310, %parallel_loop3A_351 : i32
      %parallel_loop3A_369 = arith.constant 0 : i32
      %parallel_loop3A_370 = arith.cmpi ne, %parallel_loop3A_368, %parallel_loop3A_369 : i32
      %parallel_loop3A_371 = arith.andi %parallel_loop3A_367, %parallel_loop3A_370 : i1
      %parallel_loop3A_372 = arith.constant 1 : i32
      %parallel_loop3A_373 = arith.subi %parallel_loop3A_352, %parallel_loop3A_372 : i32
      %parallel_loop3A_374 = arith.select %parallel_loop3A_371, %parallel_loop3A_373, %parallel_loop3A_352 : i32
      %parallel_loop3A_375 = arith.constant 8 : i32
      %parallel_loop3A_376 = arith.constant 0 : i32
      %parallel_loop3A_377 = arith.cmpi eq, %parallel_loop3A_375, %parallel_loop3A_376 : i32
      %parallel_loop3A_378 = arith.constant 1 : i32
      %parallel_loop3A_379 = arith.select %parallel_loop3A_377, %parallel_loop3A_378, %parallel_loop3A_375 : i32
      %parallel_loop3A_380 = arith.remsi %parallel_loop3A_310, %parallel_loop3A_379 : i32
      %parallel_loop3A_381 = arith.constant 0 : i32
      %parallel_loop3A_382 = arith.cmpi ne, %parallel_loop3A_380, %parallel_loop3A_381 : i32
      %parallel_loop3A_383 = arith.constant 0 : i32
      %parallel_loop3A_384 = arith.cmpi slt, %parallel_loop3A_380, %parallel_loop3A_383 : i32
      %parallel_loop3A_385 = arith.constant 0 : i32
      %parallel_loop3A_386 = arith.cmpi slt, %parallel_loop3A_379, %parallel_loop3A_385 : i32
      %parallel_loop3A_387 = arith.xori %parallel_loop3A_384, %parallel_loop3A_386 : i1
      %parallel_loop3A_388 = arith.andi %parallel_loop3A_387, %parallel_loop3A_382 : i1
      %parallel_loop3A_389 = arith.addi %parallel_loop3A_380, %parallel_loop3A_379 : i32
      %parallel_loop3A_390 = arith.select %parallel_loop3A_388, %parallel_loop3A_389, %parallel_loop3A_380 : i32
      %parallel_loop3A_391 = arith.constant 16 : i32
      %parallel_loop3A_392 = arith.muli %parallel_loop3A_390, %parallel_loop3A_391 : i32
      %parallel_loop3A_393 = arith.extui %eq3A_0 : i1 to i32
      %parallel_loop3A_394 = arith.constant 0 : i32
      %parallel_loop3A_395 = arith.cmpi ne, %parallel_loop3A_393, %parallel_loop3A_394 : i32
      scf.if %parallel_loop3A_395 {
        %parallel_loop3A_401 = arith.constant 1024 : i32
        %parallel_loop3A_402 = vector.broadcast %parallel_loop3A_401 : i32 to vector<16xi32>
        %parallel_loop3A_403 = arith.muli %parallel_loop3A_350, %parallel_loop3A_402 : vector<16xi32>
        %parallel_loop3A_404 = arith.addi %parallel_loop3A_403, %parallel_loop3A_344 : vector<16xi32>
        %parallel_loop3A_405 = arith.constant 1 : i32
        %parallel_loop3A_406 = arith.index_cast %parallel_loop3A_405 : i32 to index
        %parallel_loop3A_407 = arith.index_cast %parallel_loop3A_374 : i32 to index
        %parallel_loop3A_408 = arith.index_cast %parallel_loop3A_392 : i32 to index
        %parallel_loop3A_409 = tpu.vector_load %arg7[%parallel_loop3A_406, %parallel_loop3A_407, %parallel_loop3A_408] {strides = array<i32>} : memref<2x64x128xi32, #tpu.memory_space<vmem>>, vector<1x1x16xi32>,
        %parallel_loop3A_410 = vector.shape_cast %parallel_loop3A_409 : vector<1x1x16xi32> to vector<16xi32>
        %parallel_loop3A_411 = vector.shape_cast %parallel_loop3A_404 : vector<16xi32> to vector<1x1x16xi32>
        tpu.vector_store %arg7[%parallel_loop3A_406, %parallel_loop3A_407, %parallel_loop3A_408], %parallel_loop3A_411 {strides = array<i32>} : memref<2x64x128xi32, #tpu.memory_space<vmem>>, vector<1x1x16xi32>,
      } else {
      }
      %parallel_loop3A_396 = arith.constant true
      %parallel_loop3A_397 = arith.xori %eq3A_0, %parallel_loop3A_396 : i1
      %parallel_loop3A_398 = arith.extui %parallel_loop3A_397 : i1 to i32
      %parallel_loop3A_399 = arith.constant 0 : i32
      %parallel_loop3A_400 = arith.cmpi ne, %parallel_loop3A_398, %parallel_loop3A_399 : i32
      scf.if %parallel_loop3A_400 {
        %parallel_loop3A_401 = arith.constant 1 : i32
        %parallel_loop3A_402 = vector.broadcast %parallel_loop3A_401 : i32 to vector<16xi32>
        %parallel_loop3A_403 = arith.shrsi %parallel_loop3A_350, %parallel_loop3A_402 : vector<16xi32>
        %parallel_loop3A_404 = arith.constant 512 : i32
        %parallel_loop3A_405 = vector.broadcast %parallel_loop3A_404 : i32 to vector<16xi32>
        %parallel_loop3A_406 = arith.muli %parallel_loop3A_403, %parallel_loop3A_405 : vector<16xi32>
        %parallel_loop3A_407 = arith.constant 1 : i32
        %parallel_loop3A_408 = vector.broadcast %parallel_loop3A_407 : i32 to vector<16xi32>
        %parallel_loop3A_409 = arith.shrsi %parallel_loop3A_344, %parallel_loop3A_408 : vector<16xi32>
        %parallel_loop3A_410 = arith.addi %parallel_loop3A_406, %parallel_loop3A_409 : vector<16xi32>
        %parallel_loop3A_411 = arith.constant 1048576 : i32
        %parallel_loop3A_412 = vector.broadcast %parallel_loop3A_411 : i32 to vector<16xi32>
        %parallel_loop3A_413 = arith.addi %parallel_loop3A_410, %parallel_loop3A_412 : vector<16xi32>
        %parallel_loop3A_414 = arith.constant 1 : i32
        %parallel_loop3A_415 = arith.index_cast %parallel_loop3A_414 : i32 to index
        %parallel_loop3A_416 = arith.index_cast %parallel_loop3A_374 : i32 to index
        %parallel_loop3A_417 = arith.index_cast %parallel_loop3A_392 : i32 to index
        %parallel_loop3A_418 = tpu.vector_load %arg7[%parallel_loop3A_415, %parallel_loop3A_416, %parallel_loop3A_417] {strides = array<i32>} : memref<2x64x128xi32, #tpu.memory_space<vmem>>, vector<1x1x16xi32>,
        %parallel_loop3A_419 = vector.shape_cast %parallel_loop3A_418 : vector<1x1x16xi32> to vector<16xi32>
        %parallel_loop3A_420 = vector.shape_cast %parallel_loop3A_413 : vector<16xi32> to vector<1x1x16xi32>
        tpu.vector_store %arg7[%parallel_loop3A_415, %parallel_loop3A_416, %parallel_loop3A_417], %parallel_loop3A_420 {strides = array<i32>} : memref<2x64x128xi32, #tpu.memory_space<vmem>>, vector<1x1x16xi32>,
        %parallel_loop3A_421 = arith.constant 2 : i32
        %parallel_loop3A_422 = vector.broadcast %parallel_loop3A_421 : i32 to vector<16xi32>
        %parallel_loop3A_423 = arith.shrsi %parallel_loop3A_350, %parallel_loop3A_422 : vector<16xi32>
        %parallel_loop3A_424 = arith.constant 256 : i32
        %parallel_loop3A_425 = vector.broadcast %parallel_loop3A_424 : i32 to vector<16xi32>
        %parallel_loop3A_426 = arith.muli %parallel_loop3A_423, %parallel_loop3A_425 : vector<16xi32>
        %parallel_loop3A_427 = arith.constant 2 : i32
        %parallel_loop3A_428 = vector.broadcast %parallel_loop3A_427 : i32 to vector<16xi32>
        %parallel_loop3A_429 = arith.shrsi %parallel_loop3A_344, %parallel_loop3A_428 : vector<16xi32>
        %parallel_loop3A_430 = arith.addi %parallel_loop3A_426, %parallel_loop3A_429 : vector<16xi32>
        %parallel_loop3A_431 = arith.constant 1310720 : i32
        %parallel_loop3A_432 = vector.broadcast %parallel_loop3A_431 : i32 to vector<16xi32>
        %parallel_loop3A_433 = arith.addi %parallel_loop3A_430, %parallel_loop3A_432 : vector<16xi32>
        %parallel_loop3A_434 = arith.constant 32 : i32
        %parallel_loop3A_435 = arith.addi %parallel_loop3A_434, %parallel_loop3A_374 : i32
        %parallel_loop3A_436 = arith.constant 1 : i32
        %parallel_loop3A_437 = arith.index_cast %parallel_loop3A_436 : i32 to index
        %parallel_loop3A_438 = arith.index_cast %parallel_loop3A_435 : i32 to index
        %parallel_loop3A_439 = arith.index_cast %parallel_loop3A_392 : i32 to index
        %parallel_loop3A_440 = tpu.vector_load %arg7[%parallel_loop3A_437, %parallel_loop3A_438, %parallel_loop3A_439] {strides = array<i32>} : memref<2x64x128xi32, #tpu.memory_space<vmem>>, vector<1x1x16xi32>,
        %parallel_loop3A_441 = vector.shape_cast %parallel_loop3A_440 : vector<1x1x16xi32> to vector<16xi32>
        %parallel_loop3A_442 = vector.shape_cast %parallel_loop3A_433 : vector<16xi32> to vector<1x1x16xi32>
        tpu.vector_store %arg7[%parallel_loop3A_437, %parallel_loop3A_438, %parallel_loop3A_439], %parallel_loop3A_442 {strides = array<i32>} : memref<2x64x128xi32, #tpu.memory_space<vmem>>, vector<1x1x16xi32>,
      } else {
      }
    } {sc.loop_unroll_factor = 4 : i64, sc.parallel_access}
    %while3A_270 = arith.constant 0 : i32
    %while3A_271 = arith.constant 0 : i32
    "tpu.trace_stop"() : () -> ()
    %while3A_272 = arith.subi %select_n3A_48, %while3A_270 : i32
    %while3A_273 = arith.addi %while3A_270, %while3A_272 : i32
    %while3A_274 = arith.constant 1 : i32
    %while3A_275 = arith.divsi %while3A_272, %while3A_274 : i32
    %while3A_276 = arith.muli %while3A_275, %while3A_274 : i32
    %while3A_277 = arith.addi %while3A_270, %while3A_276 : i32
    %while3A_278 = arith.constant 1 : i32
    %while3A_279 = scf.for %while3A_310 = %while3A_270 to %while3A_277 step %while3A_278 iter_args(%while3A_311 = %while3A_271) -> (i32)  : i32 {
      %dma_start3A_312 = arith.constant 1 : i32
      %dma_start3A_313 = arith.constant 0 : i32
      %dma_start3A_314 = tpu.memref_slice %arg7[%dma_start3A_312, %while3A_310, %dma_start3A_313] : memref<2x64x128xi32, #tpu.memory_space<vmem>> -> memref<1x1x128xi32, #tpu.memory_space<vmem>>
      %dma_start3A_315 = tpu.memref_squeeze %dma_start3A_314 : memref<1x1x128xi32, #tpu.memory_space<vmem>> -> memref<128xi32, #tpu.memory_space<vmem>>
      %dma_start3A_316 = arith.constant 0 : i32
      %dma_start3A_317 = tpu.memref_slice %arg10[%dma_start3A_316] : memref<1376256xf32, #tpu.memory_space<vmem_shared>> -> memref<1376256xf32, #tpu.memory_space<vmem_shared>>
      tpu.enqueue_indirect_dma source(%arg8 : memref<128xf32, #tpu.memory_space<vmem>>) target(%dma_start3A_317 : memref<1376256xf32, #tpu.memory_space<vmem_shared>>) offsets(%dma_start3A_315 : memref<128xi32, #tpu.memory_space<vmem>>) semaphore(%arg13 : memref<!tpu.dma_semaphore, #tpu.memory_space<semaphore_mem>>)
      %while3A_318 = arith.constant 0 : i32
      scf.yield %while3A_318 : i32
    }
    %while3A_280 = arith.constant 1 : i32
    %while3A_281 = scf.for %while3A_310 = %while3A_277 to %while3A_273 step %while3A_280 iter_args(%while3A_311 = %while3A_279) -> (i32)  : i32 {
      %dma_start3A_312 = arith.constant 1 : i32
      %dma_start3A_313 = arith.constant 0 : i32
      %dma_start3A_314 = tpu.memref_slice %arg7[%dma_start3A_312, %while3A_310, %dma_start3A_313] : memref<2x64x128xi32, #tpu.memory_space<vmem>> -> memref<1x1x128xi32, #tpu.memory_space<vmem>>
      %dma_start3A_315 = tpu.memref_squeeze %dma_start3A_314 : memref<1x1x128xi32, #tpu.memory_space<vmem>> -> memref<128xi32, #tpu.memory_space<vmem>>
      %dma_start3A_316 = arith.constant 0 : i32
      %dma_start3A_317 = tpu.memref_slice %arg10[%dma_start3A_316] : memref<1376256xf32, #tpu.memory_space<vmem_shared>> -> memref<1376256xf32, #tpu.memory_space<vmem_shared>>
      tpu.enqueue_indirect_dma source(%arg8 : memref<128xf32, #tpu.memory_space<vmem>>) target(%dma_start3A_317 : memref<1376256xf32, #tpu.memory_space<vmem_shared>>) offsets(%dma_start3A_315 : memref<128xi32, #tpu.memory_space<vmem>>) semaphore(%arg13 : memref<!tpu.dma_semaphore, #tpu.memory_space<semaphore_mem>>)
      %while3A_318 = arith.constant 0 : i32
      scf.yield %while3A_318 : i32
    }
    %while3A_282 = arith.constant 0 : i32
    %while3A_283 = arith.constant 0 : i32
    "tpu.trace_start"() <{level = 10 : i32, message = "ph_sdrain"}> : () -> ()
    %while3A_284 = arith.subi %select_n3A_48, %while3A_282 : i32
    %while3A_285 = arith.addi %while3A_282, %while3A_284 : i32
    %while3A_286 = arith.constant 1 : i32
    %while3A_287 = arith.divsi %while3A_284, %while3A_286 : i32
    %while3A_288 = arith.muli %while3A_287, %while3A_286 : i32
    %while3A_289 = arith.addi %while3A_282, %while3A_288 : i32
    %while3A_290 = arith.constant 1 : i32
    %while3A_291 = scf.for %while3A_310 = %while3A_282 to %while3A_289 step %while3A_290 iter_args(%while3A_311 = %while3A_283) -> (i32)  : i32 {
      %dma_wait3A_312 = arith.constant 0 : i32
      %dma_wait3A_313 = arith.constant 0 : i32
      %dma_wait3A_314 = tpu.memref_slice %arg7[%dma_wait3A_312, %while3A_310, %dma_wait3A_313] : memref<2x64x128xi32, #tpu.memory_space<vmem>> -> memref<1x1x128xi32, #tpu.memory_space<vmem>>
      %dma_wait3A_315 = tpu.memref_squeeze %dma_wait3A_314 : memref<1x1x128xi32, #tpu.memory_space<vmem>> -> memref<128xi32, #tpu.memory_space<vmem>>
      %dma_wait3A_316 = arith.constant 0 : i32
      %dma_wait3A_317 = tpu.memref_slice %arg10[%dma_wait3A_316] : memref<1376256xf32, #tpu.memory_space<vmem_shared>> -> memref<1376256xf32, #tpu.memory_space<vmem_shared>>
      tpu.wait_indirect_dma semaphore(%arg12 : memref<!tpu.dma_semaphore, #tpu.memory_space<semaphore_mem>>) src(%arg8 : memref<128xf32, #tpu.memory_space<vmem>>) dst(%dma_wait3A_317 : memref<1376256xf32, #tpu.memory_space<vmem_shared>>)
      %while3A_318 = arith.constant 0 : i32
      scf.yield %while3A_318 : i32
    }
    %while3A_292 = arith.constant 1 : i32
    %while3A_293 = scf.for %while3A_310 = %while3A_289 to %while3A_285 step %while3A_292 iter_args(%while3A_311 = %while3A_291) -> (i32)  : i32 {
      %dma_wait3A_312 = arith.constant 0 : i32
      %dma_wait3A_313 = arith.constant 0 : i32
      %dma_wait3A_314 = tpu.memref_slice %arg7[%dma_wait3A_312, %while3A_310, %dma_wait3A_313] : memref<2x64x128xi32, #tpu.memory_space<vmem>> -> memref<1x1x128xi32, #tpu.memory_space<vmem>>
      %dma_wait3A_315 = tpu.memref_squeeze %dma_wait3A_314 : memref<1x1x128xi32, #tpu.memory_space<vmem>> -> memref<128xi32, #tpu.memory_space<vmem>>
      %dma_wait3A_316 = arith.constant 0 : i32
      %dma_wait3A_317 = tpu.memref_slice %arg10[%dma_wait3A_316] : memref<1376256xf32, #tpu.memory_space<vmem_shared>> -> memref<1376256xf32, #tpu.memory_space<vmem_shared>>
      tpu.wait_indirect_dma semaphore(%arg12 : memref<!tpu.dma_semaphore, #tpu.memory_space<semaphore_mem>>) src(%arg8 : memref<128xf32, #tpu.memory_space<vmem>>) dst(%dma_wait3A_317 : memref<1376256xf32, #tpu.memory_space<vmem_shared>>)
      %while3A_318 = arith.constant 0 : i32
      scf.yield %while3A_318 : i32
    }
    %while3A_294 = arith.constant 0 : i32
    %while3A_295 = arith.constant 0 : i32
    %while3A_296 = arith.subi %select_n3A_48, %while3A_294 : i32
    %while3A_297 = arith.addi %while3A_294, %while3A_296 : i32
    %while3A_298 = arith.constant 1 : i32
    %while3A_299 = arith.divsi %while3A_296, %while3A_298 : i32
    %while3A_300 = arith.muli %while3A_299, %while3A_298 : i32
    %while3A_301 = arith.addi %while3A_294, %while3A_300 : i32
    %while3A_302 = arith.constant 1 : i32
    %while3A_303 = scf.for %while3A_310 = %while3A_294 to %while3A_301 step %while3A_302 iter_args(%while3A_311 = %while3A_295) -> (i32)  : i32 {
      %dma_wait3A_312 = arith.constant 1 : i32
      %dma_wait3A_313 = arith.constant 0 : i32
      %dma_wait3A_314 = tpu.memref_slice %arg7[%dma_wait3A_312, %while3A_310, %dma_wait3A_313] : memref<2x64x128xi32, #tpu.memory_space<vmem>> -> memref<1x1x128xi32, #tpu.memory_space<vmem>>
      %dma_wait3A_315 = tpu.memref_squeeze %dma_wait3A_314 : memref<1x1x128xi32, #tpu.memory_space<vmem>> -> memref<128xi32, #tpu.memory_space<vmem>>
      %dma_wait3A_316 = arith.constant 0 : i32
      %dma_wait3A_317 = tpu.memref_slice %arg10[%dma_wait3A_316] : memref<1376256xf32, #tpu.memory_space<vmem_shared>> -> memref<1376256xf32, #tpu.memory_space<vmem_shared>>
      tpu.wait_indirect_dma semaphore(%arg13 : memref<!tpu.dma_semaphore, #tpu.memory_space<semaphore_mem>>) src(%arg8 : memref<128xf32, #tpu.memory_space<vmem>>) dst(%dma_wait3A_317 : memref<1376256xf32, #tpu.memory_space<vmem_shared>>)
      %while3A_318 = arith.constant 0 : i32
      scf.yield %while3A_318 : i32
    }
    %while3A_304 = arith.constant 1 : i32
    %while3A_305 = scf.for %while3A_310 = %while3A_301 to %while3A_297 step %while3A_304 iter_args(%while3A_311 = %while3A_303) -> (i32)  : i32 {
      %dma_wait3A_312 = arith.constant 1 : i32
      %dma_wait3A_313 = arith.constant 0 : i32
      %dma_wait3A_314 = tpu.memref_slice %arg7[%dma_wait3A_312, %while3A_310, %dma_wait3A_313] : memref<2x64x128xi32, #tpu.memory_space<vmem>> -> memref<1x1x128xi32, #tpu.memory_space<vmem>>
      %dma_wait3A_315 = tpu.memref_squeeze %dma_wait3A_314 : memref<1x1x128xi32, #tpu.memory_space<vmem>> -> memref<128xi32, #tpu.memory_space<vmem>>
      %dma_wait3A_316 = arith.constant 0 : i32
      %dma_wait3A_317 = tpu.memref_slice %arg10[%dma_wait3A_316] : memref<1376256xf32, #tpu.memory_space<vmem_shared>> -> memref<1376256xf32, #tpu.memory_space<vmem_shared>>
      tpu.wait_indirect_dma semaphore(%arg13 : memref<!tpu.dma_semaphore, #tpu.memory_space<semaphore_mem>>) src(%arg8 : memref<128xf32, #tpu.memory_space<vmem>>) dst(%dma_wait3A_317 : memref<1376256xf32, #tpu.memory_space<vmem_shared>>)
      %while3A_318 = arith.constant 0 : i32
      scf.yield %while3A_318 : i32
    }
    %barrier3A_306 = arith.constant 0 : index
    tpu.barrier barrier_id(%barrier3A_306)
    %jit3A_307 = arith.constant 65536 : i32
    %jit3A_308 = arith.constant 20480 : i32
    "tpu.trace_stop"() : () -> ()
    "tpu.trace_start"() <{level = 10 : i32, message = "ph_wb"}> : () -> ()
    %select_n3A_309 = arith.select %eq3A_0, %jit3A_307, %jit3A_308 : i32
    "tpu.region"() ({
      %run_scoped3A = tpu.sem_alloc : memref<!tpu.dma_semaphore, #tpu.memory_space<semaphore_mem>>
      %dma_start3A_310 = tpu.memref_slice %arg4[%select_n3A] <%select_n3A_309> : memref<1376256xf32, #tpu.memory_space<hbm>> -> memref<?xf32, #tpu.memory_space<hbm>>
      %dma_start3A_311 = tpu.memref_slice %arg10[%select_n3A] <%select_n3A_309> : memref<1376256xf32, #tpu.memory_space<vmem_shared>> -> memref<?xf32, #tpu.memory_space<vmem_shared>>
      tpu.enqueue_dma source(%dma_start3A_311 : memref<?xf32, #tpu.memory_space<vmem_shared>>) target(%dma_start3A_310 : memref<?xf32, #tpu.memory_space<hbm>>) target_semaphore(%run_scoped3A : memref<!tpu.dma_semaphore, #tpu.memory_space<semaphore_mem>>)
      %dma_wait3A_312 = tpu.memref_slice %arg4[%select_n3A] <%select_n3A_309> : memref<1376256xf32, #tpu.memory_space<hbm>> -> memref<?xf32, #tpu.memory_space<hbm>>
      %dma_wait3A_313 = tpu.memref_slice %arg10[%select_n3A] <%select_n3A_309> : memref<1376256xf32, #tpu.memory_space<vmem_shared>> -> memref<?xf32, #tpu.memory_space<vmem_shared>>
      tpu.wait_dma2 semaphore(%run_scoped3A : memref<!tpu.dma_semaphore, #tpu.memory_space<semaphore_mem>>) src(%dma_wait3A_313 : memref<?xf32, #tpu.memory_space<vmem_shared>>) dst(%dma_wait3A_312 : memref<?xf32, #tpu.memory_space<hbm>>)
      tpu.yield
    }) : () -> ()
    "tpu.trace_stop"() : () -> ()
    return
  }
}

module attributes {stable_mosaic.version = 14 : i64} {
  func.func @_reduce_body(%arg0: i32, %arg1: memref<262144xf32, #tpu.memory_space<vmem>>, %arg2: memref<65536xf32, #tpu.memory_space<vmem>>, %arg3: memref<16384xf32, #tpu.memory_space<vmem>>, %arg4: memref<1x1x32xi32, #tpu.memory_space<vmem>>, %arg5: memref<1x1x16xi32, #tpu.memory_space<vmem>>, %arg6: memref<1x1x8xi32, #tpu.memory_space<vmem>>) attributes {dimension_semantics = [#tpu.dimension_semantics<arbitrary>], iteration_bounds = array<i64: 4>, scalar_prefetch = 0 : i64, scratch_operands = 0 : i64, tpu.core_type = #tpu.core_type<tc>, window_params = [{transform_indices = @transform_0, window_bounds = array<i64: 262144>}, {transform_indices = @transform_1, window_bounds = array<i64: 65536>}, {transform_indices = @transform_2, window_bounds = array<i64: 16384>}, {pipeline_mode = #tpu.pipeline_mode<synchronous>, transform_indices = @transform_3, window_bounds = array<i64: 1, 1, 32>}, {pipeline_mode = #tpu.pipeline_mode<synchronous>, transform_indices = @transform_4, window_bounds = array<i64: 1, 1, 16>}, {pipeline_mode = #tpu.pipeline_mode<synchronous>, transform_indices = @transform_5, window_bounds = array<i64: 1, 1, 8>}]} {
    %get3A = arith.constant 0 : index
    %get3A_0 = vector.load %arg1[%get3A] : memref<262144xf32, #tpu.memory_space<vmem>>, vector<262144xf32>
    %reshape3A = vector.shape_cast %get3A_0 : vector<262144xf32> to vector<256x1024xf32>
    %gt3A = arith.constant 0.000000e+00 : f32
    %gt3A_1 = vector.broadcast %gt3A : f32 to vector<256x1024xf32>
    %gt3A_2 = arith.cmpf ogt, %reshape3A, %gt3A_1 : vector<256x1024xf32>
    %convert_element_type3A = arith.extui %gt3A_2 : vector<256x1024xi1> to vector<256x1024xi32>
    %convert_element_type3A_3 = arith.sitofp %convert_element_type3A : vector<256x1024xi32> to vector<256x1024xf32>
    %mul3A = arith.constant 8 : i32
    %mul3A_4 = arith.muli %mul3A, %arg0 : i32
    %add3A = arith.constant 0 : i32
    %add3A_5 = arith.addi %mul3A_4, %add3A : i32
    %slice3A = vector.extract_strided_slice %convert_element_type3A_3 {offsets = [0, 0], sizes = [32, 1024], strides = [1, 1]} : vector<256x1024xf32> to vector<32x1024xf32>
    %reduce_sum3A = vector.shape_cast %slice3A : vector<32x1024xf32> to vector<1x32x1024xf32>
    %reduce_sum3A_6 = arith.constant dense<0.000000e+00> : vector<1xf32>
    %reduce_sum3A_7 = vector.multi_reduction <add>, %reduce_sum3A, %reduce_sum3A_6 [1, 2] : vector<1x32x1024xf32> to vector<1xf32>
    %reduce_sum3A_8 = vector.shape_cast %reduce_sum3A_7 : vector<1xf32> to vector<1x1x1xf32>
    %reduce_sum3A_9 = vector.extract %reduce_sum3A_8[0, 0, 0] : f32 from vector<1x1x1xf32>
    %iota3A = tpu.iota {dimensions = array<i32: 2>} : vector<1x1x32xi32>
    %eq3A = vector.broadcast %add3A_5 : i32 to vector<1x1x32xi32>
    %eq3A_10 = arith.cmpi eq, %iota3A, %eq3A : vector<1x1x32xi32>
    %convert_element_type3A_11 = arith.fptosi %reduce_sum3A_9 : f32 to i32
    %get3A_12 = arith.constant 0 : index
    %get3A_13 = arith.constant 0 : index
    %get3A_14 = arith.constant 0 : index
    %get3A_15 = vector.load %arg4[%get3A_12, %get3A_13, %get3A_14] : memref<1x1x32xi32, #tpu.memory_space<vmem>>, vector<1x1x32xi32>
    %broadcast_in_dim3A = vector.broadcast %convert_element_type3A_11 : i32 to vector<1x1x32xi32>
    %select_n3A = arith.select %eq3A_10, %broadcast_in_dim3A, %get3A_15 : vector<1x1x32xi1>, vector<1x1x32xi32>
    %swap3A = arith.constant 0 : index
    %swap3A_16 = arith.constant 0 : index
    %swap3A_17 = arith.constant 0 : index
    %swap3A_18 = vector.load %arg4[%swap3A, %swap3A_16, %swap3A_17] : memref<1x1x32xi32, #tpu.memory_space<vmem>>, vector<1x1x32xi32>
    tpu.vector_store %arg4[%swap3A, %swap3A_16, %swap3A_17], %select_n3A {strides = array<i32>} : memref<1x1x32xi32, #tpu.memory_space<vmem>>, vector<1x1x32xi32>,
    %mul3A_19 = arith.constant 8 : i32
    %mul3A_20 = arith.muli %mul3A_19, %arg0 : i32
    %add3A_21 = arith.constant 1 : i32
    %add3A_22 = arith.addi %mul3A_20, %add3A_21 : i32
    %slice3A_23 = vector.extract_strided_slice %convert_element_type3A_3 {offsets = [32, 0], sizes = [32, 1024], strides = [1, 1]} : vector<256x1024xf32> to vector<32x1024xf32>
    %reduce_sum3A_24 = vector.shape_cast %slice3A_23 : vector<32x1024xf32> to vector<1x32x1024xf32>
    %reduce_sum3A_25 = arith.constant dense<0.000000e+00> : vector<1xf32>
    %reduce_sum3A_26 = vector.multi_reduction <add>, %reduce_sum3A_24, %reduce_sum3A_25 [1, 2] : vector<1x32x1024xf32> to vector<1xf32>
    %reduce_sum3A_27 = vector.shape_cast %reduce_sum3A_26 : vector<1xf32> to vector<1x1x1xf32>
    %reduce_sum3A_28 = vector.extract %reduce_sum3A_27[0, 0, 0] : f32 from vector<1x1x1xf32>
    %iota3A_29 = tpu.iota {dimensions = array<i32: 2>} : vector<1x1x32xi32>
    %eq3A_30 = vector.broadcast %add3A_22 : i32 to vector<1x1x32xi32>
    %eq3A_31 = arith.cmpi eq, %iota3A_29, %eq3A_30 : vector<1x1x32xi32>
    %convert_element_type3A_32 = arith.fptosi %reduce_sum3A_28 : f32 to i32
    %get3A_33 = arith.constant 0 : index
    %get3A_34 = arith.constant 0 : index
    %get3A_35 = arith.constant 0 : index
    %get3A_36 = vector.load %arg4[%get3A_33, %get3A_34, %get3A_35] : memref<1x1x32xi32, #tpu.memory_space<vmem>>, vector<1x1x32xi32>
    %broadcast_in_dim3A_37 = vector.broadcast %convert_element_type3A_32 : i32 to vector<1x1x32xi32>
    %select_n3A_38 = arith.select %eq3A_31, %broadcast_in_dim3A_37, %get3A_36 : vector<1x1x32xi1>, vector<1x1x32xi32>
    %swap3A_39 = arith.constant 0 : index
    %swap3A_40 = arith.constant 0 : index
    %swap3A_41 = arith.constant 0 : index
    %swap3A_42 = vector.load %arg4[%swap3A_39, %swap3A_40, %swap3A_41] : memref<1x1x32xi32, #tpu.memory_space<vmem>>, vector<1x1x32xi32>
    tpu.vector_store %arg4[%swap3A_39, %swap3A_40, %swap3A_41], %select_n3A_38 {strides = array<i32>} : memref<1x1x32xi32, #tpu.memory_space<vmem>>, vector<1x1x32xi32>,
    %mul3A_43 = arith.constant 8 : i32
    %mul3A_44 = arith.muli %mul3A_43, %arg0 : i32
    %add3A_45 = arith.constant 2 : i32
    %add3A_46 = arith.addi %mul3A_44, %add3A_45 : i32
    %slice3A_47 = vector.extract_strided_slice %convert_element_type3A_3 {offsets = [64, 0], sizes = [32, 1024], strides = [1, 1]} : vector<256x1024xf32> to vector<32x1024xf32>
    %reduce_sum3A_48 = vector.shape_cast %slice3A_47 : vector<32x1024xf32> to vector<1x32x1024xf32>
    %reduce_sum3A_49 = arith.constant dense<0.000000e+00> : vector<1xf32>
    %reduce_sum3A_50 = vector.multi_reduction <add>, %reduce_sum3A_48, %reduce_sum3A_49 [1, 2] : vector<1x32x1024xf32> to vector<1xf32>
    %reduce_sum3A_51 = vector.shape_cast %reduce_sum3A_50 : vector<1xf32> to vector<1x1x1xf32>
    %reduce_sum3A_52 = vector.extract %reduce_sum3A_51[0, 0, 0] : f32 from vector<1x1x1xf32>
    %iota3A_53 = tpu.iota {dimensions = array<i32: 2>} : vector<1x1x32xi32>
    %eq3A_54 = vector.broadcast %add3A_46 : i32 to vector<1x1x32xi32>
    %eq3A_55 = arith.cmpi eq, %iota3A_53, %eq3A_54 : vector<1x1x32xi32>
    %convert_element_type3A_56 = arith.fptosi %reduce_sum3A_52 : f32 to i32
    %get3A_57 = arith.constant 0 : index
    %get3A_58 = arith.constant 0 : index
    %get3A_59 = arith.constant 0 : index
    %get3A_60 = vector.load %arg4[%get3A_57, %get3A_58, %get3A_59] : memref<1x1x32xi32, #tpu.memory_space<vmem>>, vector<1x1x32xi32>
    %broadcast_in_dim3A_61 = vector.broadcast %convert_element_type3A_56 : i32 to vector<1x1x32xi32>
    %select_n3A_62 = arith.select %eq3A_55, %broadcast_in_dim3A_61, %get3A_60 : vector<1x1x32xi1>, vector<1x1x32xi32>
    %swap3A_63 = arith.constant 0 : index
    %swap3A_64 = arith.constant 0 : index
    %swap3A_65 = arith.constant 0 : index
    %swap3A_66 = vector.load %arg4[%swap3A_63, %swap3A_64, %swap3A_65] : memref<1x1x32xi32, #tpu.memory_space<vmem>>, vector<1x1x32xi32>
    tpu.vector_store %arg4[%swap3A_63, %swap3A_64, %swap3A_65], %select_n3A_62 {strides = array<i32>} : memref<1x1x32xi32, #tpu.memory_space<vmem>>, vector<1x1x32xi32>,
    %mul3A_67 = arith.constant 8 : i32
    %mul3A_68 = arith.muli %mul3A_67, %arg0 : i32
    %add3A_69 = arith.constant 3 : i32
    %add3A_70 = arith.addi %mul3A_68, %add3A_69 : i32
    %slice3A_71 = vector.extract_strided_slice %convert_element_type3A_3 {offsets = [96, 0], sizes = [32, 1024], strides = [1, 1]} : vector<256x1024xf32> to vector<32x1024xf32>
    %reduce_sum3A_72 = vector.shape_cast %slice3A_71 : vector<32x1024xf32> to vector<1x32x1024xf32>
    %reduce_sum3A_73 = arith.constant dense<0.000000e+00> : vector<1xf32>
    %reduce_sum3A_74 = vector.multi_reduction <add>, %reduce_sum3A_72, %reduce_sum3A_73 [1, 2] : vector<1x32x1024xf32> to vector<1xf32>
    %reduce_sum3A_75 = vector.shape_cast %reduce_sum3A_74 : vector<1xf32> to vector<1x1x1xf32>
    %reduce_sum3A_76 = vector.extract %reduce_sum3A_75[0, 0, 0] : f32 from vector<1x1x1xf32>
    %iota3A_77 = tpu.iota {dimensions = array<i32: 2>} : vector<1x1x32xi32>
    %eq3A_78 = vector.broadcast %add3A_70 : i32 to vector<1x1x32xi32>
    %eq3A_79 = arith.cmpi eq, %iota3A_77, %eq3A_78 : vector<1x1x32xi32>
    %convert_element_type3A_80 = arith.fptosi %reduce_sum3A_76 : f32 to i32
    %get3A_81 = arith.constant 0 : index
    %get3A_82 = arith.constant 0 : index
    %get3A_83 = arith.constant 0 : index
    %get3A_84 = vector.load %arg4[%get3A_81, %get3A_82, %get3A_83] : memref<1x1x32xi32, #tpu.memory_space<vmem>>, vector<1x1x32xi32>
    %broadcast_in_dim3A_85 = vector.broadcast %convert_element_type3A_80 : i32 to vector<1x1x32xi32>
    %select_n3A_86 = arith.select %eq3A_79, %broadcast_in_dim3A_85, %get3A_84 : vector<1x1x32xi1>, vector<1x1x32xi32>
    %swap3A_87 = arith.constant 0 : index
    %swap3A_88 = arith.constant 0 : index
    %swap3A_89 = arith.constant 0 : index
    %swap3A_90 = vector.load %arg4[%swap3A_87, %swap3A_88, %swap3A_89] : memref<1x1x32xi32, #tpu.memory_space<vmem>>, vector<1x1x32xi32>
    tpu.vector_store %arg4[%swap3A_87, %swap3A_88, %swap3A_89], %select_n3A_86 {strides = array<i32>} : memref<1x1x32xi32, #tpu.memory_space<vmem>>, vector<1x1x32xi32>,
    %mul3A_91 = arith.constant 8 : i32
    %mul3A_92 = arith.muli %mul3A_91, %arg0 : i32
    %add3A_93 = arith.constant 4 : i32
    %add3A_94 = arith.addi %mul3A_92, %add3A_93 : i32
    %slice3A_95 = vector.extract_strided_slice %convert_element_type3A_3 {offsets = [128, 0], sizes = [32, 1024], strides = [1, 1]} : vector<256x1024xf32> to vector<32x1024xf32>
    %reduce_sum3A_96 = vector.shape_cast %slice3A_95 : vector<32x1024xf32> to vector<1x32x1024xf32>
    %reduce_sum3A_97 = arith.constant dense<0.000000e+00> : vector<1xf32>
    %reduce_sum3A_98 = vector.multi_reduction <add>, %reduce_sum3A_96, %reduce_sum3A_97 [1, 2] : vector<1x32x1024xf32> to vector<1xf32>
    %reduce_sum3A_99 = vector.shape_cast %reduce_sum3A_98 : vector<1xf32> to vector<1x1x1xf32>
    %reduce_sum3A_100 = vector.extract %reduce_sum3A_99[0, 0, 0] : f32 from vector<1x1x1xf32>
    %iota3A_101 = tpu.iota {dimensions = array<i32: 2>} : vector<1x1x32xi32>
    %eq3A_102 = vector.broadcast %add3A_94 : i32 to vector<1x1x32xi32>
    %eq3A_103 = arith.cmpi eq, %iota3A_101, %eq3A_102 : vector<1x1x32xi32>
    %convert_element_type3A_104 = arith.fptosi %reduce_sum3A_100 : f32 to i32
    %get3A_105 = arith.constant 0 : index
    %get3A_106 = arith.constant 0 : index
    %get3A_107 = arith.constant 0 : index
    %get3A_108 = vector.load %arg4[%get3A_105, %get3A_106, %get3A_107] : memref<1x1x32xi32, #tpu.memory_space<vmem>>, vector<1x1x32xi32>
    %broadcast_in_dim3A_109 = vector.broadcast %convert_element_type3A_104 : i32 to vector<1x1x32xi32>
    %select_n3A_110 = arith.select %eq3A_103, %broadcast_in_dim3A_109, %get3A_108 : vector<1x1x32xi1>, vector<1x1x32xi32>
    %swap3A_111 = arith.constant 0 : index
    %swap3A_112 = arith.constant 0 : index
    %swap3A_113 = arith.constant 0 : index
    %swap3A_114 = vector.load %arg4[%swap3A_111, %swap3A_112, %swap3A_113] : memref<1x1x32xi32, #tpu.memory_space<vmem>>, vector<1x1x32xi32>
    tpu.vector_store %arg4[%swap3A_111, %swap3A_112, %swap3A_113], %select_n3A_110 {strides = array<i32>} : memref<1x1x32xi32, #tpu.memory_space<vmem>>, vector<1x1x32xi32>,
    %mul3A_115 = arith.constant 8 : i32
    %mul3A_116 = arith.muli %mul3A_115, %arg0 : i32
    %add3A_117 = arith.constant 5 : i32
    %add3A_118 = arith.addi %mul3A_116, %add3A_117 : i32
    %slice3A_119 = vector.extract_strided_slice %convert_element_type3A_3 {offsets = [160, 0], sizes = [32, 1024], strides = [1, 1]} : vector<256x1024xf32> to vector<32x1024xf32>
    %reduce_sum3A_120 = vector.shape_cast %slice3A_119 : vector<32x1024xf32> to vector<1x32x1024xf32>
    %reduce_sum3A_121 = arith.constant dense<0.000000e+00> : vector<1xf32>
    %reduce_sum3A_122 = vector.multi_reduction <add>, %reduce_sum3A_120, %reduce_sum3A_121 [1, 2] : vector<1x32x1024xf32> to vector<1xf32>
    %reduce_sum3A_123 = vector.shape_cast %reduce_sum3A_122 : vector<1xf32> to vector<1x1x1xf32>
    %reduce_sum3A_124 = vector.extract %reduce_sum3A_123[0, 0, 0] : f32 from vector<1x1x1xf32>
    %iota3A_125 = tpu.iota {dimensions = array<i32: 2>} : vector<1x1x32xi32>
    %eq3A_126 = vector.broadcast %add3A_118 : i32 to vector<1x1x32xi32>
    %eq3A_127 = arith.cmpi eq, %iota3A_125, %eq3A_126 : vector<1x1x32xi32>
    %convert_element_type3A_128 = arith.fptosi %reduce_sum3A_124 : f32 to i32
    %get3A_129 = arith.constant 0 : index
    %get3A_130 = arith.constant 0 : index
    %get3A_131 = arith.constant 0 : index
    %get3A_132 = vector.load %arg4[%get3A_129, %get3A_130, %get3A_131] : memref<1x1x32xi32, #tpu.memory_space<vmem>>, vector<1x1x32xi32>
    %broadcast_in_dim3A_133 = vector.broadcast %convert_element_type3A_128 : i32 to vector<1x1x32xi32>
    %select_n3A_134 = arith.select %eq3A_127, %broadcast_in_dim3A_133, %get3A_132 : vector<1x1x32xi1>, vector<1x1x32xi32>
    %swap3A_135 = arith.constant 0 : index
    %swap3A_136 = arith.constant 0 : index
    %swap3A_137 = arith.constant 0 : index
    %swap3A_138 = vector.load %arg4[%swap3A_135, %swap3A_136, %swap3A_137] : memref<1x1x32xi32, #tpu.memory_space<vmem>>, vector<1x1x32xi32>
    tpu.vector_store %arg4[%swap3A_135, %swap3A_136, %swap3A_137], %select_n3A_134 {strides = array<i32>} : memref<1x1x32xi32, #tpu.memory_space<vmem>>, vector<1x1x32xi32>,
    %mul3A_139 = arith.constant 8 : i32
    %mul3A_140 = arith.muli %mul3A_139, %arg0 : i32
    %add3A_141 = arith.constant 6 : i32
    %add3A_142 = arith.addi %mul3A_140, %add3A_141 : i32
    %slice3A_143 = vector.extract_strided_slice %convert_element_type3A_3 {offsets = [192, 0], sizes = [32, 1024], strides = [1, 1]} : vector<256x1024xf32> to vector<32x1024xf32>
    %reduce_sum3A_144 = vector.shape_cast %slice3A_143 : vector<32x1024xf32> to vector<1x32x1024xf32>
    %reduce_sum3A_145 = arith.constant dense<0.000000e+00> : vector<1xf32>
    %reduce_sum3A_146 = vector.multi_reduction <add>, %reduce_sum3A_144, %reduce_sum3A_145 [1, 2] : vector<1x32x1024xf32> to vector<1xf32>
    %reduce_sum3A_147 = vector.shape_cast %reduce_sum3A_146 : vector<1xf32> to vector<1x1x1xf32>
    %reduce_sum3A_148 = vector.extract %reduce_sum3A_147[0, 0, 0] : f32 from vector<1x1x1xf32>
    %iota3A_149 = tpu.iota {dimensions = array<i32: 2>} : vector<1x1x32xi32>
    %eq3A_150 = vector.broadcast %add3A_142 : i32 to vector<1x1x32xi32>
    %eq3A_151 = arith.cmpi eq, %iota3A_149, %eq3A_150 : vector<1x1x32xi32>
    %convert_element_type3A_152 = arith.fptosi %reduce_sum3A_148 : f32 to i32
    %get3A_153 = arith.constant 0 : index
    %get3A_154 = arith.constant 0 : index
    %get3A_155 = arith.constant 0 : index
    %get3A_156 = vector.load %arg4[%get3A_153, %get3A_154, %get3A_155] : memref<1x1x32xi32, #tpu.memory_space<vmem>>, vector<1x1x32xi32>
    %broadcast_in_dim3A_157 = vector.broadcast %convert_element_type3A_152 : i32 to vector<1x1x32xi32>
    %select_n3A_158 = arith.select %eq3A_151, %broadcast_in_dim3A_157, %get3A_156 : vector<1x1x32xi1>, vector<1x1x32xi32>
    %swap3A_159 = arith.constant 0 : index
    %swap3A_160 = arith.constant 0 : index
    %swap3A_161 = arith.constant 0 : index
    %swap3A_162 = vector.load %arg4[%swap3A_159, %swap3A_160, %swap3A_161] : memref<1x1x32xi32, #tpu.memory_space<vmem>>, vector<1x1x32xi32>
    tpu.vector_store %arg4[%swap3A_159, %swap3A_160, %swap3A_161], %select_n3A_158 {strides = array<i32>} : memref<1x1x32xi32, #tpu.memory_space<vmem>>, vector<1x1x32xi32>,
    %mul3A_163 = arith.constant 8 : i32
    %mul3A_164 = arith.muli %mul3A_163, %arg0 : i32
    %add3A_165 = arith.constant 7 : i32
    %add3A_166 = arith.addi %mul3A_164, %add3A_165 : i32
    %slice3A_167 = vector.extract_strided_slice %convert_element_type3A_3 {offsets = [224, 0], sizes = [32, 1024], strides = [1, 1]} : vector<256x1024xf32> to vector<32x1024xf32>
    %reduce_sum3A_168 = vector.shape_cast %slice3A_167 : vector<32x1024xf32> to vector<1x32x1024xf32>
    %reduce_sum3A_169 = arith.constant dense<0.000000e+00> : vector<1xf32>
    %reduce_sum3A_170 = vector.multi_reduction <add>, %reduce_sum3A_168, %reduce_sum3A_169 [1, 2] : vector<1x32x1024xf32> to vector<1xf32>
    %reduce_sum3A_171 = vector.shape_cast %reduce_sum3A_170 : vector<1xf32> to vector<1x1x1xf32>
    %reduce_sum3A_172 = vector.extract %reduce_sum3A_171[0, 0, 0] : f32 from vector<1x1x1xf32>
    %iota3A_173 = tpu.iota {dimensions = array<i32: 2>} : vector<1x1x32xi32>
    %eq3A_174 = vector.broadcast %add3A_166 : i32 to vector<1x1x32xi32>
    %eq3A_175 = arith.cmpi eq, %iota3A_173, %eq3A_174 : vector<1x1x32xi32>
    %convert_element_type3A_176 = arith.fptosi %reduce_sum3A_172 : f32 to i32
    %get3A_177 = arith.constant 0 : index
    %get3A_178 = arith.constant 0 : index
    %get3A_179 = arith.constant 0 : index
    %get3A_180 = vector.load %arg4[%get3A_177, %get3A_178, %get3A_179] : memref<1x1x32xi32, #tpu.memory_space<vmem>>, vector<1x1x32xi32>
    %broadcast_in_dim3A_181 = vector.broadcast %convert_element_type3A_176 : i32 to vector<1x1x32xi32>
    %select_n3A_182 = arith.select %eq3A_175, %broadcast_in_dim3A_181, %get3A_180 : vector<1x1x32xi1>, vector<1x1x32xi32>
    %swap3A_183 = arith.constant 0 : index
    %swap3A_184 = arith.constant 0 : index
    %swap3A_185 = arith.constant 0 : index
    %swap3A_186 = vector.load %arg4[%swap3A_183, %swap3A_184, %swap3A_185] : memref<1x1x32xi32, #tpu.memory_space<vmem>>, vector<1x1x32xi32>
    tpu.vector_store %arg4[%swap3A_183, %swap3A_184, %swap3A_185], %select_n3A_182 {strides = array<i32>} : memref<1x1x32xi32, #tpu.memory_space<vmem>>, vector<1x1x32xi32>,
    %get3A_187 = arith.constant 0 : index
    %get3A_188 = vector.load %arg2[%get3A_187] : memref<65536xf32, #tpu.memory_space<vmem>>, vector<65536xf32>
    %reshape3A_189 = vector.shape_cast %get3A_188 : vector<65536xf32> to vector<64x1024xf32>
    %gt3A_190 = arith.constant 0.000000e+00 : f32
    %gt3A_191 = vector.broadcast %gt3A_190 : f32 to vector<64x1024xf32>
    %gt3A_192 = arith.cmpf ogt, %reshape3A_189, %gt3A_191 : vector<64x1024xf32>
    %convert_element_type3A_193 = arith.extui %gt3A_192 : vector<64x1024xi1> to vector<64x1024xi32>
    %convert_element_type3A_194 = arith.sitofp %convert_element_type3A_193 : vector<64x1024xi32> to vector<64x1024xf32>
    %mul3A_195 = arith.constant 4 : i32
    %mul3A_196 = arith.muli %mul3A_195, %arg0 : i32
    %add3A_197 = arith.constant 0 : i32
    %add3A_198 = arith.addi %mul3A_196, %add3A_197 : i32
    %slice3A_199 = vector.extract_strided_slice %convert_element_type3A_194 {offsets = [0, 0], sizes = [16, 1024], strides = [1, 1]} : vector<64x1024xf32> to vector<16x1024xf32>
    %reduce_sum3A_200 = vector.shape_cast %slice3A_199 : vector<16x1024xf32> to vector<1x16x1024xf32>
    %reduce_sum3A_201 = arith.constant dense<0.000000e+00> : vector<1xf32>
    %reduce_sum3A_202 = vector.multi_reduction <add>, %reduce_sum3A_200, %reduce_sum3A_201 [1, 2] : vector<1x16x1024xf32> to vector<1xf32>
    %reduce_sum3A_203 = vector.shape_cast %reduce_sum3A_202 : vector<1xf32> to vector<1x1x1xf32>
    %reduce_sum3A_204 = vector.extract %reduce_sum3A_203[0, 0, 0] : f32 from vector<1x1x1xf32>
    %iota3A_205 = tpu.iota {dimensions = array<i32: 2>} : vector<1x1x16xi32>
    %eq3A_206 = vector.broadcast %add3A_198 : i32 to vector<1x1x16xi32>
    %eq3A_207 = arith.cmpi eq, %iota3A_205, %eq3A_206 : vector<1x1x16xi32>
    %convert_element_type3A_208 = arith.fptosi %reduce_sum3A_204 : f32 to i32
    %get3A_209 = arith.constant 0 : index
    %get3A_210 = arith.constant 0 : index
    %get3A_211 = arith.constant 0 : index
    %get3A_212 = vector.load %arg5[%get3A_209, %get3A_210, %get3A_211] : memref<1x1x16xi32, #tpu.memory_space<vmem>>, vector<1x1x16xi32>
    %broadcast_in_dim3A_213 = vector.broadcast %convert_element_type3A_208 : i32 to vector<1x1x16xi32>
    %select_n3A_214 = arith.select %eq3A_207, %broadcast_in_dim3A_213, %get3A_212 : vector<1x1x16xi1>, vector<1x1x16xi32>
    %swap3A_215 = arith.constant 0 : index
    %swap3A_216 = arith.constant 0 : index
    %swap3A_217 = arith.constant 0 : index
    %swap3A_218 = vector.load %arg5[%swap3A_215, %swap3A_216, %swap3A_217] : memref<1x1x16xi32, #tpu.memory_space<vmem>>, vector<1x1x16xi32>
    tpu.vector_store %arg5[%swap3A_215, %swap3A_216, %swap3A_217], %select_n3A_214 {strides = array<i32>} : memref<1x1x16xi32, #tpu.memory_space<vmem>>, vector<1x1x16xi32>,
    %mul3A_219 = arith.constant 4 : i32
    %mul3A_220 = arith.muli %mul3A_219, %arg0 : i32
    %add3A_221 = arith.constant 1 : i32
    %add3A_222 = arith.addi %mul3A_220, %add3A_221 : i32
    %slice3A_223 = vector.extract_strided_slice %convert_element_type3A_194 {offsets = [16, 0], sizes = [16, 1024], strides = [1, 1]} : vector<64x1024xf32> to vector<16x1024xf32>
    %reduce_sum3A_224 = vector.shape_cast %slice3A_223 : vector<16x1024xf32> to vector<1x16x1024xf32>
    %reduce_sum3A_225 = arith.constant dense<0.000000e+00> : vector<1xf32>
    %reduce_sum3A_226 = vector.multi_reduction <add>, %reduce_sum3A_224, %reduce_sum3A_225 [1, 2] : vector<1x16x1024xf32> to vector<1xf32>
    %reduce_sum3A_227 = vector.shape_cast %reduce_sum3A_226 : vector<1xf32> to vector<1x1x1xf32>
    %reduce_sum3A_228 = vector.extract %reduce_sum3A_227[0, 0, 0] : f32 from vector<1x1x1xf32>
    %iota3A_229 = tpu.iota {dimensions = array<i32: 2>} : vector<1x1x16xi32>
    %eq3A_230 = vector.broadcast %add3A_222 : i32 to vector<1x1x16xi32>
    %eq3A_231 = arith.cmpi eq, %iota3A_229, %eq3A_230 : vector<1x1x16xi32>
    %convert_element_type3A_232 = arith.fptosi %reduce_sum3A_228 : f32 to i32
    %get3A_233 = arith.constant 0 : index
    %get3A_234 = arith.constant 0 : index
    %get3A_235 = arith.constant 0 : index
    %get3A_236 = vector.load %arg5[%get3A_233, %get3A_234, %get3A_235] : memref<1x1x16xi32, #tpu.memory_space<vmem>>, vector<1x1x16xi32>
    %broadcast_in_dim3A_237 = vector.broadcast %convert_element_type3A_232 : i32 to vector<1x1x16xi32>
    %select_n3A_238 = arith.select %eq3A_231, %broadcast_in_dim3A_237, %get3A_236 : vector<1x1x16xi1>, vector<1x1x16xi32>
    %swap3A_239 = arith.constant 0 : index
    %swap3A_240 = arith.constant 0 : index
    %swap3A_241 = arith.constant 0 : index
    %swap3A_242 = vector.load %arg5[%swap3A_239, %swap3A_240, %swap3A_241] : memref<1x1x16xi32, #tpu.memory_space<vmem>>, vector<1x1x16xi32>
    tpu.vector_store %arg5[%swap3A_239, %swap3A_240, %swap3A_241], %select_n3A_238 {strides = array<i32>} : memref<1x1x16xi32, #tpu.memory_space<vmem>>, vector<1x1x16xi32>,
    %mul3A_243 = arith.constant 4 : i32
    %mul3A_244 = arith.muli %mul3A_243, %arg0 : i32
    %add3A_245 = arith.constant 2 : i32
    %add3A_246 = arith.addi %mul3A_244, %add3A_245 : i32
    %slice3A_247 = vector.extract_strided_slice %convert_element_type3A_194 {offsets = [32, 0], sizes = [16, 1024], strides = [1, 1]} : vector<64x1024xf32> to vector<16x1024xf32>
    %reduce_sum3A_248 = vector.shape_cast %slice3A_247 : vector<16x1024xf32> to vector<1x16x1024xf32>
    %reduce_sum3A_249 = arith.constant dense<0.000000e+00> : vector<1xf32>
    %reduce_sum3A_250 = vector.multi_reduction <add>, %reduce_sum3A_248, %reduce_sum3A_249 [1, 2] : vector<1x16x1024xf32> to vector<1xf32>
    %reduce_sum3A_251 = vector.shape_cast %reduce_sum3A_250 : vector<1xf32> to vector<1x1x1xf32>
    %reduce_sum3A_252 = vector.extract %reduce_sum3A_251[0, 0, 0] : f32 from vector<1x1x1xf32>
    %iota3A_253 = tpu.iota {dimensions = array<i32: 2>} : vector<1x1x16xi32>
    %eq3A_254 = vector.broadcast %add3A_246 : i32 to vector<1x1x16xi32>
    %eq3A_255 = arith.cmpi eq, %iota3A_253, %eq3A_254 : vector<1x1x16xi32>
    %convert_element_type3A_256 = arith.fptosi %reduce_sum3A_252 : f32 to i32
    %get3A_257 = arith.constant 0 : index
    %get3A_258 = arith.constant 0 : index
    %get3A_259 = arith.constant 0 : index
    %get3A_260 = vector.load %arg5[%get3A_257, %get3A_258, %get3A_259] : memref<1x1x16xi32, #tpu.memory_space<vmem>>, vector<1x1x16xi32>
    %broadcast_in_dim3A_261 = vector.broadcast %convert_element_type3A_256 : i32 to vector<1x1x16xi32>
    %select_n3A_262 = arith.select %eq3A_255, %broadcast_in_dim3A_261, %get3A_260 : vector<1x1x16xi1>, vector<1x1x16xi32>
    %swap3A_263 = arith.constant 0 : index
    %swap3A_264 = arith.constant 0 : index
    %swap3A_265 = arith.constant 0 : index
    %swap3A_266 = vector.load %arg5[%swap3A_263, %swap3A_264, %swap3A_265] : memref<1x1x16xi32, #tpu.memory_space<vmem>>, vector<1x1x16xi32>
    tpu.vector_store %arg5[%swap3A_263, %swap3A_264, %swap3A_265], %select_n3A_262 {strides = array<i32>} : memref<1x1x16xi32, #tpu.memory_space<vmem>>, vector<1x1x16xi32>,
    %mul3A_267 = arith.constant 4 : i32
    %mul3A_268 = arith.muli %mul3A_267, %arg0 : i32
    %add3A_269 = arith.constant 3 : i32
    %add3A_270 = arith.addi %mul3A_268, %add3A_269 : i32
    %slice3A_271 = vector.extract_strided_slice %convert_element_type3A_194 {offsets = [48, 0], sizes = [16, 1024], strides = [1, 1]} : vector<64x1024xf32> to vector<16x1024xf32>
    %reduce_sum3A_272 = vector.shape_cast %slice3A_271 : vector<16x1024xf32> to vector<1x16x1024xf32>
    %reduce_sum3A_273 = arith.constant dense<0.000000e+00> : vector<1xf32>
    %reduce_sum3A_274 = vector.multi_reduction <add>, %reduce_sum3A_272, %reduce_sum3A_273 [1, 2] : vector<1x16x1024xf32> to vector<1xf32>
    %reduce_sum3A_275 = vector.shape_cast %reduce_sum3A_274 : vector<1xf32> to vector<1x1x1xf32>
    %reduce_sum3A_276 = vector.extract %reduce_sum3A_275[0, 0, 0] : f32 from vector<1x1x1xf32>
    %iota3A_277 = tpu.iota {dimensions = array<i32: 2>} : vector<1x1x16xi32>
    %eq3A_278 = vector.broadcast %add3A_270 : i32 to vector<1x1x16xi32>
    %eq3A_279 = arith.cmpi eq, %iota3A_277, %eq3A_278 : vector<1x1x16xi32>
    %convert_element_type3A_280 = arith.fptosi %reduce_sum3A_276 : f32 to i32
    %get3A_281 = arith.constant 0 : index
    %get3A_282 = arith.constant 0 : index
    %get3A_283 = arith.constant 0 : index
    %get3A_284 = vector.load %arg5[%get3A_281, %get3A_282, %get3A_283] : memref<1x1x16xi32, #tpu.memory_space<vmem>>, vector<1x1x16xi32>
    %broadcast_in_dim3A_285 = vector.broadcast %convert_element_type3A_280 : i32 to vector<1x1x16xi32>
    %select_n3A_286 = arith.select %eq3A_279, %broadcast_in_dim3A_285, %get3A_284 : vector<1x1x16xi1>, vector<1x1x16xi32>
    %swap3A_287 = arith.constant 0 : index
    %swap3A_288 = arith.constant 0 : index
    %swap3A_289 = arith.constant 0 : index
    %swap3A_290 = vector.load %arg5[%swap3A_287, %swap3A_288, %swap3A_289] : memref<1x1x16xi32, #tpu.memory_space<vmem>>, vector<1x1x16xi32>
    tpu.vector_store %arg5[%swap3A_287, %swap3A_288, %swap3A_289], %select_n3A_286 {strides = array<i32>} : memref<1x1x16xi32, #tpu.memory_space<vmem>>, vector<1x1x16xi32>,
    %get3A_291 = arith.constant 0 : index
    %get3A_292 = vector.load %arg3[%get3A_291] : memref<16384xf32, #tpu.memory_space<vmem>>, vector<16384xf32>
    %reshape3A_293 = vector.shape_cast %get3A_292 : vector<16384xf32> to vector<16x1024xf32>
    %gt3A_294 = arith.constant 0.000000e+00 : f32
    %gt3A_295 = vector.broadcast %gt3A_294 : f32 to vector<16x1024xf32>
    %gt3A_296 = arith.cmpf ogt, %reshape3A_293, %gt3A_295 : vector<16x1024xf32>
    %convert_element_type3A_297 = arith.extui %gt3A_296 : vector<16x1024xi1> to vector<16x1024xi32>
    %convert_element_type3A_298 = arith.sitofp %convert_element_type3A_297 : vector<16x1024xi32> to vector<16x1024xf32>
    %mul3A_299 = arith.constant 2 : i32
    %mul3A_300 = arith.muli %mul3A_299, %arg0 : i32
    %add3A_301 = arith.constant 0 : i32
    %add3A_302 = arith.addi %mul3A_300, %add3A_301 : i32
    %slice3A_303 = vector.extract_strided_slice %convert_element_type3A_298 {offsets = [0, 0], sizes = [8, 1024], strides = [1, 1]} : vector<16x1024xf32> to vector<8x1024xf32>
    %reduce_sum3A_304 = vector.shape_cast %slice3A_303 : vector<8x1024xf32> to vector<1x8x1024xf32>
    %reduce_sum3A_305 = arith.constant dense<0.000000e+00> : vector<1xf32>
    %reduce_sum3A_306 = vector.multi_reduction <add>, %reduce_sum3A_304, %reduce_sum3A_305 [1, 2] : vector<1x8x1024xf32> to vector<1xf32>
    %reduce_sum3A_307 = vector.shape_cast %reduce_sum3A_306 : vector<1xf32> to vector<1x1x1xf32>
    %reduce_sum3A_308 = vector.extract %reduce_sum3A_307[0, 0, 0] : f32 from vector<1x1x1xf32>
    %iota3A_309 = tpu.iota {dimensions = array<i32: 2>} : vector<1x1x8xi32>
    %eq3A_310 = vector.broadcast %add3A_302 : i32 to vector<1x1x8xi32>
    %eq3A_311 = arith.cmpi eq, %iota3A_309, %eq3A_310 : vector<1x1x8xi32>
    %convert_element_type3A_312 = arith.fptosi %reduce_sum3A_308 : f32 to i32
    %get3A_313 = arith.constant 0 : index
    %get3A_314 = arith.constant 0 : index
    %get3A_315 = arith.constant 0 : index
    %get3A_316 = vector.load %arg6[%get3A_313, %get3A_314, %get3A_315] : memref<1x1x8xi32, #tpu.memory_space<vmem>>, vector<1x1x8xi32>
    %broadcast_in_dim3A_317 = vector.broadcast %convert_element_type3A_312 : i32 to vector<1x1x8xi32>
    %select_n3A_318 = arith.select %eq3A_311, %broadcast_in_dim3A_317, %get3A_316 : vector<1x1x8xi1>, vector<1x1x8xi32>
    %swap3A_319 = arith.constant 0 : index
    %swap3A_320 = arith.constant 0 : index
    %swap3A_321 = arith.constant 0 : index
    %swap3A_322 = vector.load %arg6[%swap3A_319, %swap3A_320, %swap3A_321] : memref<1x1x8xi32, #tpu.memory_space<vmem>>, vector<1x1x8xi32>
    tpu.vector_store %arg6[%swap3A_319, %swap3A_320, %swap3A_321], %select_n3A_318 {strides = array<i32>} : memref<1x1x8xi32, #tpu.memory_space<vmem>>, vector<1x1x8xi32>,
    %mul3A_323 = arith.constant 2 : i32
    %mul3A_324 = arith.muli %mul3A_323, %arg0 : i32
    %add3A_325 = arith.constant 1 : i32
    %add3A_326 = arith.addi %mul3A_324, %add3A_325 : i32
    %slice3A_327 = vector.extract_strided_slice %convert_element_type3A_298 {offsets = [8, 0], sizes = [8, 1024], strides = [1, 1]} : vector<16x1024xf32> to vector<8x1024xf32>
    %reduce_sum3A_328 = vector.shape_cast %slice3A_327 : vector<8x1024xf32> to vector<1x8x1024xf32>
    %reduce_sum3A_329 = arith.constant dense<0.000000e+00> : vector<1xf32>
    %reduce_sum3A_330 = vector.multi_reduction <add>, %reduce_sum3A_328, %reduce_sum3A_329 [1, 2] : vector<1x8x1024xf32> to vector<1xf32>
    %reduce_sum3A_331 = vector.shape_cast %reduce_sum3A_330 : vector<1xf32> to vector<1x1x1xf32>
    %reduce_sum3A_332 = vector.extract %reduce_sum3A_331[0, 0, 0] : f32 from vector<1x1x1xf32>
    %iota3A_333 = tpu.iota {dimensions = array<i32: 2>} : vector<1x1x8xi32>
    %eq3A_334 = vector.broadcast %add3A_326 : i32 to vector<1x1x8xi32>
    %eq3A_335 = arith.cmpi eq, %iota3A_333, %eq3A_334 : vector<1x1x8xi32>
    %convert_element_type3A_336 = arith.fptosi %reduce_sum3A_332 : f32 to i32
    %get3A_337 = arith.constant 0 : index
    %get3A_338 = arith.constant 0 : index
    %get3A_339 = arith.constant 0 : index
    %get3A_340 = vector.load %arg6[%get3A_337, %get3A_338, %get3A_339] : memref<1x1x8xi32, #tpu.memory_space<vmem>>, vector<1x1x8xi32>
    %broadcast_in_dim3A_341 = vector.broadcast %convert_element_type3A_336 : i32 to vector<1x1x8xi32>
    %select_n3A_342 = arith.select %eq3A_335, %broadcast_in_dim3A_341, %get3A_340 : vector<1x1x8xi1>, vector<1x1x8xi32>
    %swap3A_343 = arith.constant 0 : index
    %swap3A_344 = arith.constant 0 : index
    %swap3A_345 = arith.constant 0 : index
    %swap3A_346 = vector.load %arg6[%swap3A_343, %swap3A_344, %swap3A_345] : memref<1x1x8xi32, #tpu.memory_space<vmem>>, vector<1x1x8xi32>
    tpu.vector_store %arg6[%swap3A_343, %swap3A_344, %swap3A_345], %select_n3A_342 {strides = array<i32>} : memref<1x1x8xi32, #tpu.memory_space<vmem>>, vector<1x1x8xi32>,
    return
  }
  func.func @transform_0(%arg0: i32) -> i32 {
    %c0_i32 = arith.constant 0 : i32
    return %arg0 : i32
  }
  func.func @transform_1(%arg0: i32) -> i32 {
    %add3A = arith.constant 16 : i32
    %add3A_0 = arith.addi %add3A, %arg0 : i32
    %c0_i32 = arith.constant 0 : i32
    return %add3A_0 : i32
  }
  func.func @transform_2(%arg0: i32) -> i32 {
    %add3A = arith.constant 80 : i32
    %add3A_0 = arith.addi %add3A, %arg0 : i32
    %c0_i32 = arith.constant 0 : i32
    return %add3A_0 : i32
  }
  func.func @transform_3(%arg0: i32) -> (i32, i32, i32) {
    %c0_i32 = arith.constant 0 : i32
    %c0_i32_0 = arith.constant 0 : i32
    %c0_i32_1 = arith.constant 0 : i32
    %c0_i32_2 = arith.constant 0 : i32
    return %c0_i32, %c0_i32_0, %c0_i32_1 : i32, i32, i32
  }
  func.func @transform_4(%arg0: i32) -> (i32, i32, i32) {
    %c0_i32 = arith.constant 0 : i32
    %c0_i32_0 = arith.constant 0 : i32
    %c0_i32_1 = arith.constant 0 : i32
    %c0_i32_2 = arith.constant 0 : i32
    return %c0_i32, %c0_i32_0, %c0_i32_1 : i32, i32, i32
  }
  func.func @transform_5(%arg0: i32) -> (i32, i32, i32) {
    %c0_i32 = arith.constant 0 : i32
    %c0_i32_0 = arith.constant 0 : i32
    %c0_i32_1 = arith.constant 0 : i32
    %c0_i32_2 = arith.constant 0 : i32
    return %c0_i32, %c0_i32_0, %c0_i32_1 : i32, i32, i32
  }
}

</mosaic_0001>

<sc_bundles>
// kernel: kernel.4.cloned.1.call-start
scs
__scs_entry_jumppad:
0x0: {  	(pc) =	sbr.rel $0x88, $3  }
0x1: {  	(tag) =	ssettag $0x0;
	lr =	simm.s32 $0x1  }
0x2: {  	[smem:$0x3FA0] =	sst lr;
	_ =	strace $0xD0000000  }
0x3: {  	_ = 	snop  }
0x4: {  	_ = 	snop  }
0x5: {  	_ = 	snop  }
0x6: {  	_ = 	snop  }
0x7: {  	_ = 	snop  }
__scs_overlays_trampoline_lowered:
0x8: {  	[smem:$0x3FAF] =	sst s0  }
0x9: {  	[smem:$0x3FB0] =	sst s1  }
0xa: {  	[smem:$0x3FB1] =	sst s2  }
0xb: {  	[smem:$0x3FB2] =	sst s3  }
0xc: {  	[smem:$0x3FB3] =	sst s4  }
0xd: {  	[smem:$0x3FB4] =	sst s5  }
0xe: {  	[smem:$0x3FB5] =	sst s6  }
0xf: {  	[smem:$0x3FB6] =	sst s7  }
0x10: {  	[smem:$0x3FB7] =	sst s8  }
0x11: {  	[smem:$0x3FB8] =	sst s9;
	s0 =	simm.s32 @!p0 $0x0  }
0x12: {  	s1 =	sld [smem:$0x3F9E];
	s0 =	simm.s32 @p0 $0x1  }
0x13: {  	[smem:$0x3FB9] =	sst s0;
	s0 =	simm.s32 @!p1 $0x0  }
0x14: {  	s2 =	sld [smem:$0x3F9D];
	s0 =	simm.s32 @p1 $0x1  }
0x15: {  	[smem:$0x3FBA] =	sst s0;
	s0 =	simm.s32 @!p2 $0x0  }
0x16: {  	s3 =	sld [smem:$0x3FDB];
	s0 =	simm.s32 @p2 $0x1  }
0x17: {  	s4 =	simm.s32 $0x1BF5;
	[smem:$0x3FBC] =	sst s0  }
0x18: {  	s0 =	sld [smem:$0x3F9F];
	_ =	swait.ge [sflag:s4], $0x0  }
0x19: {  	s7 =	sld [smem:$0x3FA0]  }
0x1a: {  	s8 =	sadd.s32 $0xFFFFE003, lr  }
0x1b: {  	s9 =	sadd.s32 $0xFFFFFEF7, lr;
	s5 =	simm.s32 $0xFFFFFFFF;
	p2 =	slt.u32 s8, $0xFFFFF086  }
0x1c: {  	p1 =	slt.u32 s9, $0xF7A;
	s5 =	simm.s32 @!p2 $0x0  }
0x1d: {  	s5 =	simm.s32 @p1 $0x1;
	p0 =	seq.s32 s7, s2  }
0x1e: {  	s7 =	smul.u32 @!p0 $0xF7A, s2;
	p2 =	seq.s32 @!p0 s5, $0x0  }
0x1f: {  	s9 =	smul.u32 $0xF7A, s1;
	s8 =	simm.s32 @!p0 $0x1BF5;
	p2 =	por !p2, p0  }
0x20: {  	[sflag:s8] =	ssyncset.s32 @!p0 $0xFFFFF086;
	s6 =	sadd.s32 @!p0 s3, s7;
	s7 =	simm.s32 @!p0 $0x108  }
0x21: {  	s3 =	sadd.s32 s3, s9;
	s6 =	sadd.s32 @!p0 $0x88, s6;
	s7 =	simm.s32 @p2 $0x1082  }
0x22: {  	[simem:s7], [sflag:s8] =	dma.local @!p0 [hbm:s6], $0xF7A  }
0x23: {  	s9 =	sor.u32 $0xD0000000, s2;
	s6 =	simm.s32 $0x108;
	_ =	swait.ge @!p0 [sflag:s8], $0x0  }
0x24: {  	s3 =	sadd.s32 $0x88, s3;
	s6 =	simm.s32 @!p1 $0x1082;
	[sflag:s4] =	ssyncset.s32 $0xFFFFF086  }
0x25: {  	[simem:s6], [sflag:s4] =	dma.local [hbm:s3], $0xF7A  }
0x26: {  	[smem:$0x3FA0] =	sst s1;
	(tag) =	ssettag s2;
	_ =	strace s9  }
0x27: {  	s1 =	sld [smem:$0x3FB0]  }
0x28: {  	s2 =	sld [smem:$0x3FB1]  }
0x29: {  	s4 =	sld [smem:$0x3FB3]  }
0x2a: {  	p0 =	seq.s32 s5, $0x0;
	s5 =	sld [smem:$0x3FB4]  }
0x2b: {  	s6 =	sld [smem:$0x3FB5]  }
0x2c: {  	s7 =	sld [smem:$0x3FB6]  }
0x2d: {  	s3 =	simm.s32 $0x108;
	s8 =	sld [smem:$0x3FB7]  }
0x2e: {  	s3 =	simm.s32 @!p0 $0x1082;
	s9 =	sld [smem:$0x3FB8]  }
0x2f: {  	lr =	sadd.s32 s0, s3;
	s0 =	sld [smem:$0x3FAF]  }
0x30: {  	s3 =	sld [smem:$0x3FB2]  }
0x31: {  	[smem:$0x3FBB] =	sst s10  }
0x32: {  	s10 =	sld [smem:$0x3FB9];
	_ =	sdelay $0x3  }
0x33: {  	p0 =	seq.s32 s10, $0x1;
	s10 =	sld [smem:$0x3FBB];
	_ =	sdelay $0x3  }
0x34: {  	[smem:$0x3FBB] =	sst s10  }
0x35: {  	s10 =	sld [smem:$0x3FBA];
	_ =	sdelay $0x3  }
0x36: {  	p1 =	seq.s32 s10, $0x1;
	s10 =	sld [smem:$0x3FBB];
	_ =	sdelay $0x3  }
0x37: {  	[smem:$0x3FBB] =	sst s10  }
0x38: {  	s10 =	sld [smem:$0x3FBC]  }
0x39: {  	_ = 	snop;
	(pc) =	sbr.ind lr, $3  }
0x3a: {  	_ = 	snop  }
0x3b: {  	_ = 	snop  }
0x3c: {  	p2 =	seq.s32 s10, $0x1;
	s10 =	sld [smem:$0x3FBB]  }
0x3d: {  	_ =	shalt  }
0x3e: {  	_ =	shalt  }
0x3f: {  	_ =	shalt  }
0x40: {  	_ =	shalt  }
0x41: {  	_ =	shalt  }
0x42: {  	_ =	shalt  }
0x43: {  	_ =	shalt  }
0x44: {  	_ =	shalt  }
0x45: {  	_ =	shalt  }
0x46: {  	_ =	shalt  }
0x47: {  	_ =	shalt  }
0x48: {  	_ =	shalt  }
0x49: {  	_ =	shalt  }
0x4a: {  	_ =	shalt  }
0x4b: {  	_ =	shalt  }
0x4c: {  	_ =	shalt  }
0x4d: {  	_ =	shalt  }
0x4e: {  	_ =	shalt  }
0x4f: {  	_ =	shalt  }
0x50: {  	_ =	shalt  }
0x51: {  	_ =	shalt  }
0x52: {  	_ =	shalt  }
0x53: {  	_ =	shalt  }
0x54: {  	_ =	shalt  }
0x55: {  	_ =	shalt  }
0x56: {  	_ =	shalt  }
0x57: {  	_ =	shalt  }
0x58: {  	_ =	shalt  }
0x59: {  	_ =	shalt  }
0x5a: {  	_ =	shalt  }
0x5b: {  	_ =	shalt  }
0x5c: {  	_ =	shalt  }
0x5d: {  	_ =	shalt  }
0x5e: {  	_ =	shalt  }
0x5f: {  	_ =	shalt  }
0x60: {  	_ =	shalt  }
0x61: {  	_ =	shalt  }
0x62: {  	_ =	shalt  }
0x63: {  	_ =	shalt  }
0x64: {  	_ =	shalt  }
0x65: {  	_ =	shalt  }
0x66: {  	_ =	shalt  }
0x67: {  	_ =	shalt  }
0x68: {  	_ =	shalt  }
0x69: {  	_ =	shalt  }
0x6a: {  	_ =	shalt  }
0x6b: {  	_ =	shalt  }
0x6c: {  	_ =	shalt  }
0x6d: {  	_ =	shalt  }
0x6e: {  	_ =	shalt  }
0x6f: {  	_ =	shalt  }
0x70: {  	_ =	shalt  }
0x71: {  	_ =	shalt  }
0x72: {  	_ =	shalt  }
0x73: {  	_ =	shalt  }
0x74: {  	_ =	shalt  }
0x75: {  	_ =	shalt  }
0x76: {  	_ =	shalt  }
0x77: {  	_ =	shalt  }
0x78: {  	_ =	shalt  }
0x79: {  	_ =	shalt  }
0x7a: {  	_ =	shalt  }
0x7b: {  	_ =	shalt  }
0x7c: {  	_ =	shalt  }
0x7d: {  	_ =	shalt  }
0x7e: {  	_ =	shalt  }
0x7f: {  	_ =	shalt  }
0x80: {  	_ =	shalt  }
0x81: {  	_ =	shalt  }
0x82: {  	_ =	shalt  }
0x83: {  	_ =	shalt  }
0x84: {  	_ =	shalt  }
0x85: {  	_ =	shalt  }
0x86: {  	_ =	shalt  }
0x87: {  	_ =	shalt  }
.Lfunc_end0:
.L_simem_size_0:
called_computation_lowered:
.L_overlay_start_0:
0x88: {  	s2 =	sld [smem:$0x3FD9]  }
0x89: {  	s3 =	sld [smem:$0x3FFE];
	_ =	sdelay $0x1  }
0x8a: {  	s1 =	srdreg.scid  }
0x8b: {  	s0 =	sand.u32 $0x1, s1  }
0x8c: {  	s16 =	sshll.u32 s0, $0xA;
	s2 =	sadd.s32 s3, s2  }
0x8d: {  	s2 =	sadd.s32 s2, s16  }
0x8e: {  	[smem:$0x3FC7] =	sst s2  }
0x8f: {  	_ = 	snop  }
0x90: {  	(tm) =	ssettm $0x1  }
0x91: {  	s17 =	sld [smem:$0x3FFB];
	_ =	sdelay $0x3  }
0x92: {  	_ =	strace s17  }
0x93: {  	s2 =	sld [smem:$0x3FFC];
	_ =	sdelay $0x3  }
0x94: {  	_ =	strace s2  }
0x95: {  	s2 =	sld [smem:$0x3FFD];
	_ =	sdelay $0x3  }
0x96: {  	_ =	strace s2  }
0x97: {  	_ =	strace $0x8FFFFFFF  }
0x98: {  	s18 =	sld [smem:$0x3FDB];
	_ =	sdelay $0x1  }
0x99: {  	s19 =	simm.s32 $_scs_section_size  }
0x9a: {  	s4 =	simm.s32 $_size__tile_overlayer_lowered;
	s5 =	simm.s32 $_tile_overlayer_lowered  }
0x9b: {  	s22 =	simm.s32 $0x1BFF;
	s21 =	sshll.u32 s5, $0x1;
	s2 =	sadd.s32 s19, s18  }
0x9c: {  	s6 =	simm.s32 $0x0;
	s20 =	sshll.u32 s4, $0x1;
	s4 =	sadd.s32 s21, s2  }
0x9d: {  	[timem:s6], [sflag:s22] =	dma.local [hbm:s4], s20  }
0x9e: {  	_ =	swait.ge [sflag:s22], s20  }
0x9f: {  	s3 =	ssub.s32 $0x0, s20;
	[sflag:s22] =	ssyncset.done $0x0  }
0xa0: {  	[sflag:s22] =	ssyncadd.s32 s3;
	_ =	sdelay $0x1  }
0xa1: {  	s23 =	simm.s32 $0x1B8B  }
0xa2: {  	_ =	swait.ge [sflag:s23], $0x1  }
0xa3: {  	[sflag:s23] =	ssyncset.done $0x0  }
0xa4: {  	s25 =	simm.s32 $0x1B8E;
	s24 =	sld [smem:$0x3FFE];
	[sflag:s23] =	ssyncadd.s32 $0xFFFFFFFF  }
0xa5: {  	s26 =	simm.s32 $execute0_lowered;
	[smem:$0x3FD2] =	sst s25  }
0xa6: {  	s4 =	sshll.u32 s26, $0x1;
	_ =	strace $0x80000046;
	[dreg:$0x1] =	wrdreg $0xFFFFFFFF  }
0xa7: {  	s28 =	simm.s32 $_size_execute0_lowered;
	s2 =	sadd.s32 s2, s4;
	[dreg:$0x0] =	wrdreg $0x0  }
0xa8: {  	s4 =	sshll.u32 s28, $0x1;
	[dreg:$0x2] =	wrdreg s2  }
0xa9: {  	[dreg:$0x3] =	wrdreg s4  }
0xaa: {  	[dreg:$0x4] =	wrdreg $0xC0  }
0xab: {  	_ =	task [dreg:s6], $0x5FFFF  }
0xac: {  	[dreg:$0x1] =	wrdreg $0xFFFFFFFF  }
0xad: {  	[dreg:$0x0] =	wrdreg $0x60  }
0xae: {  	[dreg:$0x2] =	wrdreg s24  }
0xaf: {  	[dreg:$0x3] =	wrdreg $0x88800  }
0xb0: {  	[dreg:$0x4] =	wrdreg $0x9  }
0xb1: {  	_ =	task.clear_ibuf [dreg:s6], $0x5FFFF;
	_ =	strace $0x90000046  }
0xb2: {  	s29 =	simm.s32 $0x9;
	_ =	strace $0x8000004F  }
0xb3: {  	_ =	swait.ge [sflag:s29], $0x1  }
0xb4: {  	[sflag:s29] =	ssyncadd.s32 $0xFFFFFFFF  }
0xb5: {  	_ =	strace $0x9000004F  }
0xb6: {  	_ =	sfence  }
0xb7: {  	s30 =	sld [smem:$0x0];
	_ =	sdelay $0x2  }
0xb8: {  	s31 =	sshll.u32 s1, $0xD;
	s1 =	sshrl.u32 s1, $0x2  }
0xb9: {  	s3 =	sand.u32 $0x4000, s31;
	s1 =	sadd.s32 s1, s30  }
0xba: {  	s0 =	sor.u32 s3, s0;
	s1 =	sshll.u32 s1, $0x11  }
0xbb: {  	s0 =	sor.u32 s1, s0  }
0xbc: {  	s0 =	sadd.s32 $0x8F2B, s0  }
0xbd: {  	[sflag:s0] =	ssyncadd.remote.s32 $0x1  }
0xbe: {  	_ =	sfence.sel $0xFFFF  }
0xbf: {  	[dreg:$0x0] =	wrdreg $0xFFFFFFFF;
	(pc) =	sbr.abs _section_cstart, $3  }
0xc0: {  	[dreg:$0x1] =	wrdreg $0xFFFFFFFF  }
0xc1: {  	_ =	task.clear_ibuf [dreg:s6], $0x2FFFF;
	_ =	strace $0x9FFFFFFF  }
0xc2: {  	(tm) =	ssettm $0x7FFFFFFF  }
0xc3: {  	_ =	shalt  }
tec
execute0_lowered:
.L_overlay_start_1:
0x0: {  	(tag) =	ssettag $0x1  }
0x1: {  	s0 =	rddreg [dreg:$0x0]  }
0x2: {  	s2 =	rddreg [dreg:$0x1]  }
0x3: {  	s7 =	stileid.u32;
	s3 =	simm.s32 $0x0;
	s1 =	srdreg.scid  }
0x4: {  	s28 =	simm.s32 $0x20;
	s21 =	simm.s32 $0x4;
	s22 =	simm.s32 $0x80  }
0x5: {  	s4 =	smul.u32 $0x5000, s7;
	[smem:$0x7FF] =	sst s3;
	s1 =	sand.u32 $0x1, s1  }
0x6: {  	s5 =	sshll.u32 s7, $0x10;
	s13 =	sadd.s32 $0x8A00, s0;
	s23 =	sadd.s32 $0xA00, s0  }
0x7: {  	s14 =	sshll.u32 s7, $0xB;
	p0 =	seq.s32 s1, $0x0;
	_ =	strace $0x80000047  }
0x8: {  	s6 =	ssub.s32 $0x2, s1;
	s7 =	sadd.s32 s23, s14;
	s26 =	sor.u32 $0x200, s14  }
0x9: {  	s29 =	sor.u32 $0x400, s14;
	s30 =	sor.u32 $0x600, s14;
	s8 =	sor.u32 $0x100000, s4  }
0xa: {  	s25 =	sshrl.u32 s6, $0x1;
	s4 =	sadd.s32 s13, s14;
	s28 =	simm.s32 @!p0 $0x40  }
0xb: {  	v0 =	vimm.f32 $1.000000010e-01;
	s9 =	sadd.s32 s13, s26;
	s10 =	sadd.s32 s23, s26;
	s11 =	sadd.s32 s13, s29  }
0xc: {  	(erf) = vrcp.f32 v0;
	s12 =	sadd.s32 s23, s29;
	s13 =	sadd.s32 s13, s30;
	s14 =	sadd.s32 s23, s30  }
0xd: {  	s23 =	simm.s32 $0x8000;
	[dreg:$0x4] =	wrdreg s7;
	s8 =	smov.u32 @p0 s5  }
0xe: {  	s15 =	ssub.s32 s6, s25;
	s6 =	simm.s32 $0x20;
	s5 =	simm.s32 $0x2000  }
0xf: {  	s25 =	simm.s32 $0x3;
	[dreg:$0x5] =	wrdreg s28;
	s6 =	simm.s32 @!p0 $0xA  }
0x10: {  	s24 =	sshrl.u32 s8, $0x3;
	s5 =	simm.s32 @!p0 $0xA00;
	[dreg:$0x3] =	wrdreg s6  }
0x11: {  	s31 =	smax.u32 s15, $0x1;
	s0 =	sadd.s32 s24, s0;
	[dreg:$0x7] =	wrdreg s5  }
0x12: {  	s15 =	simm.s32 $0x8080;
	[dreg:$0xa] =	wrdreg s31;
	s0 =	sadd.s32 $0x10A00, s0  }
0x13: {  	s6 =	sadd.s32 s8, s2;
	[dreg:$0x8] =	wrdreg s0;
	s0 =	simm.s32 $0xFFFFE000  }
0x14: {  	s24 =	simm.s32 $0x2;
	[dreg:$0x6] =	wrdreg s6;
	s0 =	simm.s32 @!p0 $0xFFFFF600  }
0x15: {  	v1 =	vimm.f32 $0.0e+00;
	v2 =	vimm.f32 $1.000000000e+00;
	s5 =	simm.s32 $0x0;
	p0 =	sne.s32 s1, $0x0;
	[dreg:$0x9] =	wrdreg s0;
	v0 =	vpop (erf)  }
.LBB2_1:
0x16: {  	[dreg:$0xb] =	wrdreg s5;
	s0 =	simm.s32 $0x10  }
0x17: {  	s8 =	sadd.s32 $0x0, s4;
	s1 =	simm.s32 $0x100;
	s5 =	simm.s32 $0x0  }
.LBB2_2:
0x18: {  	[tilespmem:s5], [sflag:$0x1] =	stream.linear.gather [hbm4b:s8+s3], $0x80, $0x38;
	[tilespmem:$0x1D880] =	vst v63  }
0x19: {  	s8 =	smov.u32 s0;
	s5 =	smov.u32 s1;
	p1 =	sne.s32 s0, $0x1F0  }
.Ltmp0:
0x1a: {  	s0 =	sadd.s32 $0x10, s0;
	(pc) =	sbr.rel @p1 .LBB2_2-.Ltmp0, $2  }
0x1b: {  	_ =	sdelay $0x2  }
0x1c: {  	s1 =	sadd.s32 $0x100, s1;
	s8 =	sadd.s32 s8, s4  }
0x1d: {  	[tilespmem:s5], [sflag:$0x1] =	stream.linear.gather [hbm4b:s8+s3], $0x80, $0x38;
	[tilespmem:$0x1D880] =	vst v63  }
0x1e: {  	s0 =	simm.s32 $0x0;
	s1 =	simm.s32 $0x2000  }
.LBB2_4:
0x1f: {  	p1 =	sne.s32 s0, $0x1F0  }
.Ltmp1:
0x20: {  	_ = 	snop;
	(pc) =	sbr.rel @p1 .LBB2_4-.Ltmp1, $4  }
0x21: {  	_ = 	snop  }
0x22: {  	s5 =	sadd.s32 s0, s7  }
0x23: {  	[tilespmem:s1], [sflag:$0x1] =	stream.linear.gather [hbm4b:s5+s3], $0x80, $0x38;
	[tilespmem:$0x1D880] =	vst v63  }
0x24: {  	s0 =	sadd.s32 $0x10, s0;
	s1 =	sadd.s32 $0x100, s1  }
0x25: {  	s0 =	simm.s32 $0x80C0  }
0x26: {  	[tilespmem:s0+$0xFFFFFFC0] =	vst v1  }
0x27: {  	[tilespmem:s0+$0x30] =	vst v1  }
0x28: {  	[tilespmem:s0+$0x20] =	vst v1  }
0x29: {  	[tilespmem:s0+$0x10] =	vst v1  }
0x2a: {  	[tilespmem:s0+$0x0] =	vst v1  }
0x2b: {  	[tilespmem:s0+$0xFFFFFFF0] =	vst v1  }
0x2c: {  	s1 =	simm.s32 $0x0;
	[tilespmem:s0+$0xFFFFFFE0] =	vst v1  }
.LBB2_6:
0x2d: {  	s1 =	sadd.s32 $0x8, s1;
	[tilespmem:s0+$0xFFFFFFD0] =	vst v1;
	s0 =	sadd.s32 $0x80, s0  }
0x2e: {  	[tilespmem:s0+$0xFFFFFFC0] =	vst v1;
	p1 =	slt.u32 s1, $0x78  }
0x2f: {  	[tilespmem:s0+$0x30] =	vst v1  }
.Ltmp2:
0x30: {  	[tilespmem:s0+$0x20] =	vst v1;
	(pc) =	sbr.rel @p1 .LBB2_6-.Ltmp2, $4  }
0x31: {  	[tilespmem:s0+$0x10] =	vst v1  }
0x32: {  	[tilespmem:s0+$0x0] =	vst v1  }
0x33: {  	[tilespmem:s0+$0xFFFFFFF0] =	vst v1  }
0x34: {  	[tilespmem:s0+$0xFFFFFFE0] =	vst v1  }
0x35: {  	[tilespmem:s0+$0xFFFFFFD0] =	vst v1  }
0x36: {  	[tilespmem:$0x8000] =	vst v2  }
0x37: {  	[tilespmem:$0x8010] =	vst v2  }
0x38: {  	[tilespmem:$0x8020] =	vst v2  }
0x39: {  	[tilespmem:$0x8030] =	vst v2;
	s0 =	rddreg [dreg:$0x3]  }
0x3a: {  	[tilespmem:$0x8040] =	vst v2;
	p1 =	sne.s32 s0, $0x1  }
.Ltmp3:
0x3b: {  	[tilespmem:$0x8050] =	vst v2;
	(pc) =	sbr.rel @!p1 .LBB2_9-.Ltmp3, $4  }
0x3c: {  	[tilespmem:$0x8060] =	vst v2  }
0x3d: {  	[tilespmem:$0x8070] =	vst v2  }
0x3e: {  	[spmem:s6] =	stream.linear.scatter [tilespmem:s15], [sflag:$0x4], $0x800, $0x38;
	[tilespmem:$0x1D880] =	vst v63  }
0x3f: {  	s1 =	smov.u32 s6;
	s0 =	sadd.s32 $0xFFFFFFFF, s0  }
.LBB2_8:
0x40: {  	p2 =	sne.s32 s0, $0x1  }
.Ltmp4:
0x41: {  	_ = 	snop;
	(pc) =	sbr.rel @p2 .LBB2_8-.Ltmp4, $3  }
0x42: {  	_ = 	snop  }
0x43: {  	s0 =	sadd.s32 $0xFFFFFFFF, s0;
	s1 =	sadd.s32 $0x800, s1;
	_ =	sdelay $0x1  }
0x44: {  	[spmem:s1] =	stream.linear.scatter [tilespmem:s15], [sflag:$0x4], $0x800, $0x38;
	[tilespmem:$0x1D880] =	vst v63  }
.LBB2_9:
0x45: {  	s0 =	simm.s32 $0x1  }
0x46: {  	_ =	swait.ge [sflag:s0], $0x1000  }
0x47: {  	[sflag:s0] =	ssyncset.done $0x0  }
0x48: {  	[sflag:s0] =	ssyncadd.s32 $0xFFFFF000  }
0x49: {  	_ =	swait.ge [sflag:s0], $0x1000  }
0x4a: {  	s1 =	simm.s32 $0x10;
	s8 =	sadd.s32 $0x0, s9;
	[sflag:s0] =	ssyncset.done $0x0  }
0x4b: {  	s5 =	simm.s32 $0x180;
	[sflag:s0] =	ssyncadd.s32 $0xFFFFF000;
	s0 =	simm.s32 $0x80  }
.LBB2_10:
0x4c: {  	[tilespmem:s0], [sflag:$0x1] =	stream.linear.gather [hbm4b:s8+s3], $0x80, $0x38;
	[tilespmem:$0x1D880] =	vst v63  }
0x4d: {  	s8 =	smov.u32 s1;
	s0 =	smov.u32 s5;
	p2 =	sne.s32 s1, $0x1F0  }
.Ltmp5:
0x4e: {  	s1 =	sadd.s32 $0x10, s1;
	(pc) =	sbr.rel @p2 .LBB2_10-.Ltmp5, $2  }
0x4f: {  	_ =	sdelay $0x2  }
0x50: {  	s5 =	sadd.s32 $0x100, s5;
	s8 =	sadd.s32 s8, s9  }
0x51: {  	[tilespmem:s0], [sflag:$0x1] =	stream.linear.gather [hbm4b:s8+s3], $0x80, $0x38;
	[tilespmem:$0x1D880] =	vst v63  }
0x52: {  	s0 =	simm.s32 $0x2080  }
0x53: {  	s1 =	simm.s32 $0x10;
	s8 =	sadd.s32 $0x0, s10;
	s5 =	simm.s32 $0x2180  }
.LBB2_12:
0x54: {  	[tilespmem:s0], [sflag:$0x1] =	stream.linear.gather [hbm4b:s8+s3], $0x80, $0x38;
	[tilespmem:$0x1D880] =	vst v63  }
0x55: {  	s8 =	smov.u32 s1;
	s0 =	smov.u32 s5;
	p2 =	sne.s32 s1, $0x1F0  }
.Ltmp6:
0x56: {  	s1 =	sadd.s32 $0x10, s1;
	(pc) =	sbr.rel @p2 .LBB2_12-.Ltmp6, $2  }
0x57: {  	_ =	sdelay $0x2  }
0x58: {  	s5 =	sadd.s32 $0x100, s5;
	s8 =	sadd.s32 s8, s10  }
0x59: {  	[tilespmem:s0], [sflag:$0x1] =	stream.linear.gather [hbm4b:s8+s3], $0x80, $0x38;
	[tilespmem:$0x1D880] =	vst v63  }
0x5a: {  	s29 =	simm.s32 $0x0  }
0x5b: {  	s1 =	sand.u32 $0x40, s29  }
0x5c: {  	s15 =	sand.u32 $0x1F00, s29;
	s0 =	sor.u32 $0x30, s1  }
0x5d: {  	_ =	strace $0x80000048;
	s16 =	sor.u32 s15, s0  }
0x5e: {  	s8 =	sor.u32 $0x10, s1;
	v3 =	vld [tilespmem:s16+$0x0]  }
0x5f: {  	s5 =	sor.u32 $0x20, s1;
	s17 =	sor.u32 s15, s8;
	v4 =	vld [tilespmem:s16+$0x2000]  }
0x60: {  	s19 =	sor.u32 s15, s5;
	v5 =	vld [tilespmem:s17+$0x2000]  }
0x61: {  	s15 =	sor.u32 s1, s15;
	v6 =	vld [tilespmem:s19+$0x2000]  }
0x62: {  	v7 =	vld [tilespmem:s15+$0x2000]  }
0x63: {  	v8 =	vld [tilespmem:s17+$0x0]  }
0x64: {  	v9 =	vld [tilespmem:s19+$0x0];
	_ =	sdelay $0x1  }
0x65: {  	v4 =	vadd.f32 $5.120000080e+01, v4;
	v3 =	vadd.f32 $5.120000080e+01, v3  }
0x66: {  	v10 =	vld [tilespmem:s15+$0x0];
	v5 =	vadd.f32 $5.120000080e+01, v5;
	v6 =	vadd.f32 $5.120000080e+01, v6  }
0x67: {  	v7 =	vadd.f32 $5.120000080e+01, v7;
	v8 =	vadd.f32 $5.120000080e+01, v8;
	v4 =	vmul.f32 v4, v0  }
0x68: {  	v9 =	vadd.f32 $5.120000080e+01, v9;
	v3 =	vmul.f32 v3, v0;
	v5 =	vmul.f32 v5, v0  }
0x69: {  	v7 =	vmul.f32 v7, v0;
	v6 =	vmul.f32 v6, v0  }
0x6a: {  	v8 =	vmul.f32 v8, v0;
	v9 =	vmul.f32 v9, v0  }
0x6b: {  	v10 =	vadd.f32 $5.120000080e+01, v10;
	v4 =	vtrunc.f32 v4;
	v3 =	vtrunc.f32 v3  }
0x6c: {  	v4 =	vcvt.f32.s32 v4;
	v3 =	vcvt.f32.s32 v3  }
0x6d: {  	v10 =	vmul.f32 v10, v0;
	v5 =	vtrunc.f32 v5  }
0x6e: {  	v5 =	vcvt.f32.s32 v5;
	vm0 =	vgt.s32 v4, $0x0;
	vm1 =	vgt.s32 v3, $0x0  }
0x6f: {  	v6 =	vtrunc.f32 v6;
	v4 =	vnsel vm0, $0x0, v4;
	v3 =	vnsel vm1, $0x0, v3  }
0x70: {  	vm11 =	vgt.s32 v5, $0x0;
	v4 =	vmin.u32 v4, $0x3FF;
	v3 =	vmin.u32 v3, $0x3FF  }
0x71: {  	v11 =	vshll.u32 @p0 v4, $0x8;
	v12 =	vshrl.u32 @p0 v3, $0x1;
	v13 =	vshll.u32 @p0 v4, $0x6  }
0x72: {  	v14 =	vshrl.u32 @p0 v3, $0x2;
	v4 =	vshll.u32 @!p0 v4, $0xA;
	v11 =	vand.u32 @p0 $0x3FE00, v11  }
0x73: {  	v13 =	vand.u32 @p0 $0xFF00, v13;
	v3 =	vor.u32 @!p0 v3, v4;
	v4 =	vtrunc.f32 v7  }
0x74: {  	v7 =	vtrunc.f32 v9;
	v11 =	vor.u32 @p0 v11, v12;
	v12 =	vor.u32 @p0 v13, v14  }
0x75: {  	v5 =	vnsel vm11, $0x0, v5;
	v7 =	vcvt.f32.s32 v7;
	v12 =	vor.u32 @p0 $0x140000, v12  }
0x76: {  	v12 =	vpsel p0, v12, v3;
	v3 =	vcvt.f32.s32 v4;
	v4 =	vcvt.f32.s32 v6  }
0x77: {  	v11 =	vor.u32 @p0 $0x100000, v11;
	v6 =	vtrunc.f32 v8;
	v8 =	vtrunc.f32 v10  }
0x78: {  	vm15 =	vgt.s32 v7, $0x0;
	v9 =	vcvt.f32.s32 v6;
	v8 =	vcvt.f32.s32 v8  }
0x79: {  	v6 =	vmin.u32 v5, $0x3FF;
	v7 =	vnsel vm15, $0x0, v7;
	vm12 =	vgt.s32 v4, $0x0  }
0x7a: {  	s15 =	simm.s32 @p0 $0x0;
	s17 =	simm.s32 @!p0 $0x0;
	vm2 =	vgt.s32 v3, $0x0;
	v10 =	vshll.u32 @p0 v6, $0x6;
	v7 =	vmin.u32 v7, $0x3FF  }
0x7b: {  	s16 =	simm.s32 $0x0;
	s15 =	sand.u32 @p0 $0x3FFFFF80, s15;
	s17 =	sand.u32 @!p0 $0x3FFFFF80, s17;
	v3 =	vnsel vm2, $0x0, v3;
	v4 =	vnsel vm12, $0x0, v4;
	vm13 =	vgt.s32 v8, $0x0  }
0x7c: {  	s30 =	sor.u32 @p0 s1, s15;
	s18 =	sadd.s32 @p0 $0x5000, s15;
	s28 =	sadd.s32 @!p0 $0x4000, s17;
	vm14 =	vgt.s32 v9, $0x0;
	v10 =	vand.u32 @p0 $0xFF00, v10;
	v3 =	vmin.u32 v3, $0x3FF  }
0x7d: {  	s17 =	sor.u32 @p0 s8, s15;
	s28 =	smov.u32 @p0 s18;
	s18 =	sor.u32 @p0 s0, s15;
	v4 =	vmin.u32 v4, $0x3FF;
	v5 =	vnsel vm13, $0x0, v8;
	v8 =	vnsel vm14, $0x0, v9  }
0x7e: {  	s31 =	sadd.s32 s1, s28;
	s26 =	sadd.s32 s8, s28;
	s20 =	sadd.s32 s0, s28;
	[tilespmem:s18+$0x4000] =	vst @p0 v11;
	v9 =	vshll.u32 @p0 v3, $0x6;
	v13 =	vshll.u32 @p0 v4, $0x6;
	v5 =	vmin.u32 v5, $0x3FF  }
0x7f: {  	s1 =	sor.u32 @p0 s5, s15;
	s0 =	sadd.s32 s5, s28;
	s18 =	simm.s32 $0x40;
	[tilespmem:s20+$0x0] =	vst v12;
	v8 =	vmin.u32 v8, $0x3FF;
	v9 =	vand.u32 @p0 $0xFF00, v9;
	v11 =	vand.u32 @p0 $0xFF00, v13  }
.LBB2_14:
0x80: {  	s15 =	sand.u32 $0x40, s18;
	v12 =	vshll.u32 @p0 v6, $0x8;
	v13 =	vshrl.u32 @p0 v8, $0x2;
	v14 =	vshll.u32 @p0 v4, $0x8;
	s29 =	sadd.s32 $0x80, s29  }
0x81: {  	v15 =	vshll.u32 @p0 v3, $0x8;
	v16 =	vshrl.u32 @p0 v5, $0x2;
	v17 =	vshrl.u32 @p0 v7, $0x2;
	s7 =	sand.u32 $0x1F00, s29;
	s28 =	sor.u32 $0x10, s15;
	s8 =	sor.u32 $0x30, s15  }
0x82: {  	s5 =	sor.u32 $0x20, s15;
	v9 =	vor.u32 @p0 v9, v16;
	v10 =	vor.u32 @p0 v10, v13;
	v11 =	vor.u32 @p0 v11, v17;
	s20 =	sor.u32 s7, s28;
	s6 =	sor.u32 s7, s8  }
0x83: {  	v15 =	vand.u32 @p0 $0x3FE00, v15;
	v12 =	vand.u32 @p0 $0x3FE00, v12;
	v14 =	vand.u32 @p0 $0x3FE00, v14;
	s19 =	sor.u32 s15, s7;
	s7 =	sor.u32 s7, s5;
	v13 =	vld [tilespmem:s6+$0x0]  }
0x84: {  	v6 =	vshll.u32 @!p0 v6, $0xA;
	v18 =	vshrl.u32 @p0 v7, $0x1;
	v17 =	vshrl.u32 @p0 v8, $0x1;
	v16 =	vld [tilespmem:s6+$0x2000]  }
0x85: {  	v20 =	vshrl.u32 @p0 v5, $0x1;
	v3 =	vshll.u32 @!p0 v3, $0xA;
	v4 =	vshll.u32 @!p0 v4, $0xA;
	v19 =	vld [tilespmem:s20+$0x2000]  }
0x86: {  	v9 =	vor.u32 @p0 $0x140000, v9;
	v10 =	vor.u32 @p0 $0x140000, v10;
	v11 =	vor.u32 @p0 $0x140000, v11;
	v21 =	vld [tilespmem:s7+$0x2000]  }
0x87: {  	v15 =	vor.u32 @p0 v15, v20;
	v12 =	vor.u32 @p0 v12, v17;
	v14 =	vor.u32 @p0 v14, v18;
	v22 =	vld [tilespmem:s19+$0x2000]  }
0x88: {  	v3 =	vor.u32 @!p0 v5, v3;
	v5 =	vor.u32 @!p0 v8, v6;
	v4 =	vor.u32 @!p0 v7, v4;
	v17 =	vld [tilespmem:s20+$0x0]  }
0x89: {  	v5 =	vpsel p0, v10, v5;
	v7 =	vadd.f32 $5.120000080e+01, v13;
	v6 =	vld [tilespmem:s7+$0x0];
	v8 =	vadd.f32 $5.120000080e+01, v16  }
0x8a: {  	v3 =	vpsel p0, v9, v3;
	v4 =	vpsel p0, v11, v4;
	v10 =	vld [tilespmem:s19+$0x0];
	v13 =	vadd.f32 $5.120000080e+01, v19  }
0x8b: {  	v7 =	vmul.f32 v7, v0;
	v9 =	vadd.f32 $5.120000080e+01, v21;
	v8 =	vmul.f32 v8, v0  }
0x8c: {  	v12 =	vor.u32 @p0 $0x100000, v12;
	v11 =	vadd.f32 $5.120000080e+01, v22;
	v13 =	vmul.f32 v13, v0  }
0x8d: {  	v7 =	vtrunc.f32 v7;
	v16 =	vadd.f32 $5.120000080e+01, v17;
	v8 =	vtrunc.f32 v8;
	[tilespmem:s17+$0x4000] =	vst @p0 v12  }
0x8e: {  	v7 =	vcvt.f32.s32 v7;
	v6 =	vadd.f32 $5.120000080e+01, v6;
	v8 =	vcvt.f32.s32 v8;
	[tilespmem:s26+$0x0] =	vst v5  }
0x8f: {  	v9 =	vmul.f32 v9, v0;
	v5 =	vadd.f32 $5.120000080e+01, v10;
	v10 =	vmul.f32 v11, v0  }
0x90: {  	v11 =	vmul.f32 v16, v0;
	vm0 =	vgt.s32 v7, $0x0;
	vm1 =	vgt.s32 v8, $0x0  }
0x91: {  	s16 =	sadd.s32 $0x4, s16;
	v6 =	vmul.f32 v6, v0;
	v7 =	vnsel vm0, $0x0, v7;
	v8 =	vnsel vm1, $0x0, v8  }
0x92: {  	p2 =	slt.u32 s16, $0xFC;
	s6 =	sshrl.u32 s16, $0x3;
	v5 =	vmul.f32 v5, v0;
	v7 =	vmin.u32 v7, $0x3FF;
	v8 =	vmin.u32 v8, $0x3FF  }
0x93: {  	s7 =	sshll.u32 @p0 s6, $0x7;
	s6 =	sshll.u32 @!p0 s6, $0x7;
	v16 =	vshrl.u32 @p0 v7, $0x1;
	v12 =	vshll.u32 @p0 v8, $0x8;
	v17 =	vshll.u32 @p0 v8, $0x6  }
0x94: {  	s7 =	sand.u32 @p0 $0x3FFFFF80, s7;
	s6 =	sand.u32 @!p0 $0x3FFFFF80, s6;
	v18 =	vshrl.u32 @p0 v7, $0x2;
	v12 =	vand.u32 @p0 $0x3FE00, v12;
	v17 =	vand.u32 @p0 $0xFF00, v17  }
0x95: {  	s19 =	sor.u32 @p0 s15, s7;
	s6 =	sadd.s32 @!p0 $0x4000, s6;
	s17 =	sadd.s32 @p0 $0x5000, s7;
	v8 =	vshll.u32 @!p0 v8, $0xA;
	v12 =	vor.u32 @p0 v12, v16;
	v16 =	vor.u32 @p0 v17, v18  }
0x96: {  	s20 =	sor.u32 @p0 s8, s7;
	s6 =	smov.u32 @p0 s17;
	s17 =	sor.u32 @p0 s28, s7;
	v7 =	vor.u32 @!p0 v7, v8;
	v12 =	vor.u32 @p0 $0x100000, v12;
	v16 =	vor.u32 @p0 $0x140000, v16  }
0x97: {  	s15 =	sadd.s32 s15, s6;
	s26 =	sadd.s32 s28, s6;
	v9 =	vtrunc.f32 v9;
	s8 =	sadd.s32 s8, s6;
	v8 =	vtrunc.f32 v13;
	[tilespmem:s20+$0x4000] =	vst @p0 v12;
	v7 =	vpsel p0, v16, v7  }
0x98: {  	s7 =	sor.u32 @p0 s5, s7;
	s5 =	sadd.s32 s5, s6;
	v10 =	vtrunc.f32 v10;
	v8 =	vcvt.f32.s32 v8;
	[tilespmem:s8+$0x0] =	vst v7;
	v7 =	vor.u32 @p0 $0x100000, v14  }
0x99: {  	v9 =	vcvt.f32.s32 v9;
	v10 =	vcvt.f32.s32 v10;
	v12 =	vor.u32 @p0 $0x100000, v15;
	[tilespmem:s1+$0x4000] =	vst @p0 v7;
	s1 =	smov.u32 s7  }
0x9a: {  	v6 =	vtrunc.f32 v6;
	vm0 =	vgt.s32 v8, $0x0;
	v7 =	vtrunc.f32 v11;
	[tilespmem:s0+$0x0] =	vst v4;
	s0 =	smov.u32 s5  }
0x9b: {  	vm1 =	vgt.s32 v9, $0x0;
	v4 =	vtrunc.f32 v5;
	v5 =	vcvt.f32.s32 v7;
	[tilespmem:s30+$0x4000] =	vst @p0 v12;
	s30 =	smov.u32 s19  }
0x9c: {  	vm2 =	vgt.s32 v10, $0x0;
	v11 =	vcvt.f32.s32 v6;
	v7 =	vcvt.f32.s32 v4;
	[tilespmem:s31+$0x0] =	vst v3;
	s31 =	smov.u32 s15  }
0x9d: {  	v4 =	vnsel vm0, $0x0, v8;
	v8 =	vnsel vm1, $0x0, v9;
	v3 =	vnsel vm2, $0x0, v10  }
0x9e: {  	vm1 =	vgt.s32 v5, $0x0;
	vm2 =	vgt.s32 v11, $0x0;
	vm0 =	vgt.s32 v7, $0x0  }
.Ltmp7:
0x9f: {  	v6 =	vmin.u32 v4, $0x3FF;
	v4 =	vmin.u32 v8, $0x3FF;
	v3 =	vmin.u32 v3, $0x3FF;
	(pc) =	sbr.rel @p2 .LBB2_14-.Ltmp7, $4  }
0xa0: {  	v8 =	vnsel vm1, $0x0, v5;
	v9 =	vnsel vm2, $0x0, v11;
	v7 =	vnsel vm0, $0x0, v7  }
0xa1: {  	v11 =	vshll.u32 @p0 v6, $0x6;
	v12 =	vshll.u32 @p0 v4, $0x6;
	v10 =	vshll.u32 @p0 v3, $0x6  }
0xa2: {  	v8 =	vmin.u32 v8, $0x3FF;
	v5 =	vmin.u32 v7, $0x3FF;
	v7 =	vmin.u32 v9, $0x3FF  }
0xa3: {  	s18 =	sadd.s32 $0x40, s18;
	v9 =	vand.u32 @p0 $0xFF00, v10;
	v10 =	vand.u32 @p0 $0xFF00, v11;
	v11 =	vand.u32 @p0 $0xFF00, v12  }
0xa4: {  	v12 =	vshll.u32 @p0 v6, $0x8;
	v13 =	vshrl.u32 @p0 v8, $0x2  }
0xa5: {  	v14 =	vshll.u32 @p0 v4, $0x8;
	v15 =	vshll.u32 @p0 v3, $0x8;
	v16 =	vshrl.u32 @p0 v5, $0x2  }
0xa6: {  	v17 =	vshrl.u32 @p0 v7, $0x2;
	v6 =	vshll.u32 @!p0 v6, $0xA;
	v4 =	vshll.u32 @!p0 v4, $0xA  }
0xa7: {  	v3 =	vshll.u32 @!p0 v3, $0xA;
	v9 =	vor.u32 @p0 v9, v16;
	v10 =	vor.u32 @p0 v10, v13  }
0xa8: {  	v11 =	vor.u32 @p0 v11, v17;
	v13 =	vand.u32 @p0 $0x3FE00, v15;
	v12 =	vand.u32 @p0 $0x3FE00, v12  }
0xa9: {  	v14 =	vand.u32 @p0 $0x3FE00, v14;
	v15 =	vshrl.u32 @p0 v8, $0x1;
	v16 =	vshrl.u32 @p0 v7, $0x1  }
0xaa: {  	v17 =	vshrl.u32 @p0 v5, $0x1;
	v6 =	vor.u32 @!p0 v8, v6;
	v12 =	vor.u32 @p0 v12, v15  }
0xab: {  	v4 =	vor.u32 @!p0 v7, v4;
	v7 =	vor.u32 @p0 v13, v17;
	v8 =	vor.u32 @p0 $0x100000, v12  }
0xac: {  	v3 =	vor.u32 @!p0 v5, v3;
	v10 =	vor.u32 @p0 $0x140000, v10;
	v5 =	vor.u32 @p0 $0x100000, v7;
	[tilespmem:s17+$0x4000] =	vst @p0 v8  }
0xad: {  	v12 =	vor.u32 @p0 v14, v16;
	v6 =	vpsel p0, v10, v6;
	[tilespmem:s30+$0x4000] =	vst @p0 v5  }
0xae: {  	v8 =	vor.u32 @p0 $0x140000, v11;
	[tilespmem:s26+$0x0] =	vst v6;
	v6 =	vor.u32 @p0 $0x100000, v12  }
0xaf: {  	v4 =	vpsel p0, v8, v4;
	[tilespmem:s1+$0x4000] =	vst @p0 v6;
	v6 =	vor.u32 @p0 $0x140000, v9  }
0xb0: {  	[tilespmem:s0+$0x0] =	vst v4;
	v3 =	vpsel p0, v6, v3  }
0xb1: {  	[tilespmem:s31+$0x0] =	vst v3  }
.Ltmp8:
0xb2: {  	_ =	strace $0x90000048;
	(pc) =	sbr.rel @!p1 .LBB2_17-.Ltmp8, $4  }
0xb3: {  	_ =	strace $0x80000049  }
0xb4: {  	_ =	swait.ge [sflag:s21], $0x800  }
0xb5: {  	s31 =	rddreg [dreg:$0x3]  }
0xb6: {  	[sflag:s21] =	ssyncset.done $0x0;
	s0 =	sadd.s32 $0xFFFFFFFF, s31  }
.LBB2_16:
0xb7: {  	p1 =	sne.s32 s0, $0x1;
	s0 =	sadd.s32 $0xFFFFFFFF, s0;
	[sflag:s21] =	ssyncadd.s32 $0xFFFFF800  }
.Ltmp9:
0xb8: {  	(pc) =	sbr.rel @p1 .LBB2_16-.Ltmp9, $3  }
0xb9: {  	_ =	sdelay $0x1  }
0xba: {  	_ =	swait.ge [sflag:s21], $0x800  }
0xbb: {  	[sflag:s21] =	ssyncset.done $0x0  }
.LBB2_17:
0xbc: {  	[sflag:s21] =	ssyncadd.s32 $0xFFFFF800  }
0xbd: {  	[bflag:$0x0] =	sbarrier.arrive $0xFFFF  }
0xbe: {  	_ =	strace $0x90000049  }
0xbf: {  	s28 =	rddreg [dreg:$0x5]  }
0xc0: {  	p1 =	sne.s32 s28, $0x1  }
.Ltmp10:
0xc1: {  	_ = 	snop;
	(pc) =	sbr.rel @!p1 .LBB2_19-.Ltmp10, $4  }
0xc2: {  	_ = 	snop  }
0xc3: {  	s0 =	simm.s32 $0x4000  }
0xc4: {  	[spmem:s2] =	stream.indirect.scatter [tilespmem:s23], [sflag:$0x2], $0x1, s0, s22, $0xb8;
	[tilespmem:$0x1D880] =	vst v63  }
0xc5: {  	s1 =	sadd.s32 $0xFFFFFFFF, s28  }
.LBB2_18:
0xc6: {  	p2 =	sne.s32 s1, $0x1  }
.Ltmp11:
0xc7: {  	_ = 	snop;
	(pc) =	sbr.rel @p2 .LBB2_18-.Ltmp11, $3  }
0xc8: {  	_ = 	snop  }
0xc9: {  	s1 =	sadd.s32 $0xFFFFFFFF, s1;
	s0 =	sadd.s32 $0x80, s0;
	_ =	sdelay $0x1  }
0xca: {  	[spmem:s2] =	stream.indirect.scatter [tilespmem:s23], [sflag:$0x2], $0x1, s0, s22, $0xb8;
	[tilespmem:$0x1D880] =	vst v63  }
.LBB2_19:
0xcb: {  	s0 =	simm.s32 $0x1  }
0xcc: {  	_ =	swait.ge [sflag:s0], $0x1000  }
0xcd: {  	[sflag:s0] =	ssyncset.done $0x0  }
0xce: {  	[sflag:s0] =	ssyncadd.s32 $0xFFFFF000  }
0xcf: {  	_ =	swait.ge [sflag:s0], $0x1000  }
0xd0: {  	s1 =	simm.s32 $0x10;
	s8 =	sadd.s32 $0x0, s11;
	[sflag:s0] =	ssyncset.done $0x0  }
0xd1: {  	s5 =	simm.s32 $0x100;
	[sflag:s0] =	ssyncadd.s32 $0xFFFFF000;
	s0 =	simm.s32 $0x0  }
.LBB2_20:
0xd2: {  	[tilespmem:s0], [sflag:$0x1] =	stream.linear.gather [hbm4b:s8+s3], $0x80, $0x38;
	[tilespmem:$0x1D880] =	vst v63  }
0xd3: {  	s6 =	smov.u32 s1;
	s0 =	smov.u32 s5;
	p2 =	sne.s32 s1, $0x1F0  }
.Ltmp12:
0xd4: {  	s1 =	sadd.s32 $0x10, s1;
	(pc) =	sbr.rel @p2 .LBB2_20-.Ltmp12, $2  }
0xd5: {  	_ =	sdelay $0x2  }
0xd6: {  	s5 =	sadd.s32 $0x100, s5;
	s8 =	sadd.s32 s6, s11  }
0xd7: {  	[tilespmem:s0], [sflag:$0x1] =	stream.linear.gather [hbm4b:s8+s3], $0x80, $0x38;
	[tilespmem:$0x1D880] =	vst v63  }
0xd8: {  	s0 =	simm.s32 $0x2000  }
0xd9: {  	s1 =	simm.s32 $0x10;
	s8 =	sadd.s32 $0x0, s12;
	s5 =	simm.s32 $0x2100  }
.LBB2_22:
0xda: {  	[tilespmem:s0], [sflag:$0x1] =	stream.linear.gather [hbm4b:s8+s3], $0x80, $0x38;
	[tilespmem:$0x1D880] =	vst v63  }
0xdb: {  	s6 =	smov.u32 s1;
	s0 =	smov.u32 s5;
	p2 =	sne.s32 s1, $0x1F0  }
.Ltmp13:
0xdc: {  	s1 =	sadd.s32 $0x10, s1;
	(pc) =	sbr.rel @p2 .LBB2_22-.Ltmp13, $2  }
0xdd: {  	_ =	sdelay $0x2  }
0xde: {  	s5 =	sadd.s32 $0x100, s5;
	s8 =	sadd.s32 s6, s12  }
0xdf: {  	[tilespmem:s0], [sflag:$0x1] =	stream.linear.gather [hbm4b:s8+s3], $0x80, $0x38;
	[tilespmem:$0x1D880] =	vst v63  }
0xe0: {  	p2 =	por $0x0, $0x0;
	s0 =	simm.s32 $0x1  }
0xe1: {  	s0 =	simm.s32 @!p2 $0x0  }
0xe2: {  	s0 =	sshll.u32 s0, $0x6  }
0xe3: {  	s0 =	sadd.s32 $0x0, s0  }
0xe4: {  	_ =	strace $0x8000004A;
	s1 =	sadd.s32 $0x30, s0  }
0xe5: {  	s5 =	sadd.s32 $0x10, s0;
	s6 =	sadd.s32 $0x20, s0;
	s0 =	sor.u32 $0x80, s0  }
0xe6: {  	v7 =	vld [tilespmem:s0+$0x2000]  }
0xe7: {  	s1 =	sor.u32 $0x80, s1;
	v10 =	vld [tilespmem:s0+$0x0]  }
0xe8: {  	v3 =	vld [tilespmem:s1+$0x0]  }
0xe9: {  	s5 =	sor.u32 $0x80, s5;
	v4 =	vld [tilespmem:s1+$0x2000]  }
0xea: {  	s26 =	sor.u32 $0x80, s6;
	v5 =	vld [tilespmem:s5+$0x2000]  }
0xeb: {  	v6 =	vld [tilespmem:s26+$0x2000]  }
0xec: {  	v8 =	vld [tilespmem:s5+$0x0];
	_ =	sdelay $0x1  }
0xed: {  	v7 =	vadd.f32 $5.120000080e+01, v7;
	v10 =	vadd.f32 $5.120000080e+01, v10  }
0xee: {  	v4 =	vadd.f32 $5.120000080e+01, v4;
	v3 =	vadd.f32 $5.120000080e+01, v3  }
0xef: {  	v9 =	vld [tilespmem:s26+$0x0];
	v5 =	vadd.f32 $5.120000080e+01, v5;
	v6 =	vadd.f32 $5.120000080e+01, v6;
	v7 =	vmul.f32 v7, v0  }
0xf0: {  	v8 =	vadd.f32 $5.120000080e+01, v8;
	v10 =	vmul.f32 v10, v0;
	v4 =	vmul.f32 v4, v0  }
0xf1: {  	v3 =	vmul.f32 v3, v0;
	v5 =	vmul.f32 v5, v0  }
0xf2: {  	v6 =	vmul.f32 v6, v0;
	v8 =	vmul.f32 v8, v0  }
0xf3: {  	v4 =	vtrunc.f32 v4;
	v3 =	vtrunc.f32 v3  }
0xf4: {  	v9 =	vadd.f32 $5.120000080e+01, v9;
	v5 =	vtrunc.f32 v5;
	v4 =	vcvt.f32.s32 v4  }
0xf5: {  	v3 =	vcvt.f32.s32 v3;
	v5 =	vcvt.f32.s32 v5  }
0xf6: {  	v9 =	vmul.f32 v9, v0;
	v6 =	vtrunc.f32 v6;
	vm0 =	vgt.s32 v4, $0x0  }
0xf7: {  	vm1 =	vgt.s32 v3, $0x0;
	vm11 =	vgt.s32 v5, $0x0;
	v4 =	vnsel vm0, $0x0, v4  }
0xf8: {  	v3 =	vnsel vm1, $0x0, v3;
	v5 =	vnsel vm11, $0x0, v5;
	v4 =	vmin.u32 v4, $0x3FF  }
0xf9: {  	v3 =	vmin.u32 v3, $0x3FF;
	v5 =	vmin.u32 v5, $0x3FF;
	v11 =	vshll.u32 @p0 v4, $0x8  }
0xfa: {  	v12 =	vshrl.u32 @p0 v3, $0x1;
	v13 =	vshll.u32 @p0 v4, $0x6;
	v14 =	vshrl.u32 @p0 v3, $0x2  }
0xfb: {  	v4 =	vshll.u32 @!p0 v4, $0xA;
	v11 =	vand.u32 @p0 $0x3FE00, v11;
	v13 =	vand.u32 @p0 $0xFF00, v13  }
0xfc: {  	v3 =	vor.u32 @!p0 v3, v4;
	v11 =	vor.u32 @p0 v11, v12;
	v12 =	vor.u32 @p0 v13, v14  }
0xfd: {  	v4 =	vtrunc.f32 v7;
	v7 =	vtrunc.f32 v9;
	v12 =	vor.u32 @p0 $0x140000, v12  }
0xfe: {  	s16 =	simm.s32 $0x0;
	p2 =	por !p2, !p2;
	v12 =	vpsel p0, v12, v3;
	v3 =	vcvt.f32.s32 v4;
	v4 =	vcvt.f32.s32 v6  }
0xff: {  	s0 =	simm.s32 $0x0;
	s1 =	simm.s32 @p0 $0x0;
	s5 =	simm.s32 @!p0 $0x0;
	v11 =	vor.u32 @p0 $0x100000, v11;
	v6 =	vtrunc.f32 v8;
	v8 =	vtrunc.f32 v10  }
0x100: {  	s6 =	sand.u32 $0x40, s0;
	s1 =	sand.u32 @p0 $0x3FFFFF80, s1;
	s5 =	sand.u32 @!p0 $0x3FFFFF80, s5;
	v10 =	vshll.u32 @p0 v5, $0x6;
	v9 =	vcvt.f32.s32 v6;
	v6 =	vcvt.f32.s32 v8  }
0x101: {  	s8 =	sor.u32 $0x30, s6;
	s7 =	sadd.s32 @p0 $0x7000, s1;
	s5 =	sadd.s32 @!p0 $0x6000, s5;
	v8 =	vcvt.f32.s32 v7;
	vm12 =	vgt.s32 v4, $0x0;
	vm2 =	vgt.s32 v3, $0x0  }
0x102: {  	s18 =	sor.u32 $0x20, s6;
	s15 =	sor.u32 @p0 s8, s1;
	s5 =	smov.u32 @p0 s7;
	v3 =	vnsel vm2, $0x0, v3;
	v4 =	vnsel vm12, $0x0, v4;
	vm13 =	vgt.s32 v6, $0x0  }
0x103: {  	s30 =	sor.u32 @p0 s6, s1;
	s7 =	sor.u32 $0x10, s6;
	s29 =	sadd.s32 s6, s5;
	vm14 =	vgt.s32 v9, $0x0;
	vm15 =	vgt.s32 v8, $0x0;
	v3 =	vmin.u32 v3, $0x3FF  }
0x104: {  	s8 =	sadd.s32 s8, s5;
	s17 =	sadd.s32 s7, s5;
	s31 =	sadd.s32 s18, s5;
	[tilespmem:s15+$0x6000] =	vst @p0 v11;
	v4 =	vmin.u32 v4, $0x3FF;
	v6 =	vnsel vm13, $0x0, v6;
	v7 =	vnsel vm14, $0x0, v9  }
0x105: {  	s26 =	sor.u32 @p0 s7, s1;
	s1 =	sor.u32 @p0 s18, s1;
	s18 =	simm.s32 $0x0;
	[tilespmem:s8+$0x0] =	vst v12;
	v8 =	vnsel vm15, $0x0, v8;
	v9 =	vshll.u32 @p0 v3, $0x6;
	v11 =	vshll.u32 @p0 v4, $0x6  }
.LBB2_24:
0x106: {  	s5 =	simm.s32 $0x1  }
0x107: {  	v6 =	vmin.u32 v6, $0x3FF;
	v7 =	vmin.u32 v7, $0x3FF;
	v8 =	vmin.u32 v8, $0x3FF;
	s5 =	simm.s32 @!p2 $0x0  }
0x108: {  	v9 =	vand.u32 @p0 $0xFF00, v9;
	v10 =	vand.u32 @p0 $0xFF00, v10;
	v11 =	vand.u32 @p0 $0xFF00, v11;
	s0 =	sadd.s32 $0x80, s0;
	s5 =	sshll.u32 s5, $0x6  }
0x109: {  	v12 =	vshll.u32 @p0 v5, $0x8;
	v14 =	vshll.u32 @p0 v4, $0x8;
	v13 =	vshrl.u32 @p0 v7, $0x2;
	s5 =	sadd.s32 s5, s0  }
0x10a: {  	v15 =	vshll.u32 @p0 v3, $0x8;
	v16 =	vshrl.u32 @p0 v6, $0x2;
	v17 =	vshrl.u32 @p0 v8, $0x2;
	s6 =	sadd.s32 $0x10, s5;
	s7 =	sadd.s32 $0x20, s5;
	s8 =	sadd.s32 $0x30, s5  }
0x10b: {  	v9 =	vor.u32 @p0 v9, v16;
	v10 =	vor.u32 @p0 v10, v13;
	v11 =	vor.u32 @p0 v11, v17;
	s6 =	sor.u32 $0x80, s6;
	s7 =	sor.u32 $0x80, s7;
	s8 =	sor.u32 $0x80, s8  }
0x10c: {  	v15 =	vand.u32 @p0 $0x3FE00, v15;
	v12 =	vand.u32 @p0 $0x3FE00, v12;
	v14 =	vand.u32 @p0 $0x3FE00, v14;
	s5 =	sor.u32 $0x80, s5;
	v13 =	vld [tilespmem:s8+$0x0]  }
0x10d: {  	v5 =	vshll.u32 @!p0 v5, $0xA;
	v18 =	vshrl.u32 @p0 v8, $0x1;
	v17 =	vshrl.u32 @p0 v7, $0x1;
	v16 =	vld [tilespmem:s8+$0x2000]  }
0x10e: {  	v3 =	vshll.u32 @!p0 v3, $0xA;
	v4 =	vshll.u32 @!p0 v4, $0xA;
	v20 =	vshrl.u32 @p0 v6, $0x1;
	v19 =	vld [tilespmem:s6+$0x2000]  }
0x10f: {  	v9 =	vor.u32 @p0 $0x140000, v9;
	v10 =	vor.u32 @p0 $0x140000, v10;
	v11 =	vor.u32 @p0 $0x140000, v11;
	v21 =	vld [tilespmem:s7+$0x2000]  }
0x110: {  	v15 =	vor.u32 @p0 v15, v20;
	v14 =	vor.u32 @p0 v14, v18;
	v12 =	vor.u32 @p0 v12, v17;
	v22 =	vld [tilespmem:s5+$0x2000]  }
0x111: {  	v3 =	vor.u32 @!p0 v6, v3;
	v5 =	vor.u32 @!p0 v7, v5;
	v4 =	vor.u32 @!p0 v8, v4;
	v17 =	vld [tilespmem:s6+$0x0]  }
0x112: {  	v5 =	vpsel p0, v10, v5;
	v7 =	vadd.f32 $5.120000080e+01, v13;
	v6 =	vld [tilespmem:s7+$0x0];
	v8 =	vadd.f32 $5.120000080e+01, v16  }
0x113: {  	v3 =	vpsel p0, v9, v3;
	v4 =	vpsel p0, v11, v4;
	v10 =	vld [tilespmem:s5+$0x0];
	v13 =	vadd.f32 $5.120000080e+01, v19  }
0x114: {  	v7 =	vmul.f32 v7, v0;
	v9 =	vadd.f32 $5.120000080e+01, v21;
	v8 =	vmul.f32 v8, v0  }
0x115: {  	v12 =	vor.u32 @p0 $0x100000, v12;
	v11 =	vadd.f32 $5.120000080e+01, v22;
	v13 =	vmul.f32 v13, v0  }
0x116: {  	v7 =	vtrunc.f32 v7;
	v16 =	vadd.f32 $5.120000080e+01, v17;
	v8 =	vtrunc.f32 v8;
	[tilespmem:s26+$0x6000] =	vst @p0 v12  }
0x117: {  	v7 =	vcvt.f32.s32 v7;
	v6 =	vadd.f32 $5.120000080e+01, v6;
	v8 =	vcvt.f32.s32 v8;
	[tilespmem:s17+$0x0] =	vst v5  }
0x118: {  	v9 =	vmul.f32 v9, v0;
	v5 =	vadd.f32 $5.120000080e+01, v10;
	v10 =	vmul.f32 v11, v0  }
0x119: {  	v11 =	vmul.f32 v16, v0;
	vm0 =	vgt.s32 v7, $0x0;
	vm1 =	vgt.s32 v8, $0x0  }
0x11a: {  	s16 =	sadd.s32 $0x4, s16;
	v6 =	vmul.f32 v6, v0;
	v7 =	vnsel vm0, $0x0, v7;
	v8 =	vnsel vm1, $0x0, v8  }
0x11b: {  	p3 =	slt.u32 s16, $0xFC;
	s5 =	sshrl.u32 s16, $0x3;
	v5 =	vmul.f32 v5, v0;
	v7 =	vmin.u32 v7, $0x3FF;
	v8 =	vmin.u32 v8, $0x3FF  }
0x11c: {  	s18 =	sadd.s32 $0x40, s18;
	s6 =	sshll.u32 @p0 s5, $0x7;
	s5 =	sshll.u32 @!p0 s5, $0x7;
	v16 =	vshrl.u32 @p0 v7, $0x1;
	v12 =	vshll.u32 @p0 v8, $0x8;
	v17 =	vshll.u32 @p0 v8, $0x6  }
0x11d: {  	s7 =	sand.u32 $0x40, s18;
	s6 =	sand.u32 @p0 $0x3FFFFF80, s6;
	s5 =	sand.u32 @!p0 $0x3FFFFF80, s5;
	v18 =	vshrl.u32 @p0 v7, $0x2;
	v12 =	vand.u32 @p0 $0x3FE00, v12;
	v17 =	vand.u32 @p0 $0xFF00, v17  }
0x11e: {  	s15 =	sor.u32 $0x30, s7;
	s8 =	sadd.s32 @p0 $0x7000, s6;
	s5 =	sadd.s32 @!p0 $0x6000, s5;
	v8 =	vshll.u32 @!p0 v8, $0xA;
	v12 =	vor.u32 @p0 v12, v16;
	v16 =	vor.u32 @p0 v17, v18  }
0x11f: {  	s5 =	smov.u32 @p0 s8;
	s8 =	sor.u32 $0x10, s7;
	s17 =	sor.u32 @p0 s15, s6;
	v7 =	vor.u32 @!p0 v7, v8;
	v12 =	vor.u32 @p0 $0x100000, v12;
	v16 =	vor.u32 @p0 $0x140000, v16  }
0x120: {  	s20 =	sor.u32 $0x20, s7;
	s19 =	sadd.s32 s7, s5;
	v9 =	vtrunc.f32 v9;
	s15 =	sadd.s32 s15, s5;
	v8 =	vtrunc.f32 v13;
	[tilespmem:s17+$0x6000] =	vst @p0 v12;
	v7 =	vpsel p0, v16, v7  }
0x121: {  	s7 =	sor.u32 @p0 s7, s6;
	v10 =	vtrunc.f32 v10;
	v8 =	vcvt.f32.s32 v8;
	s17 =	sadd.s32 s8, s5;
	s5 =	sadd.s32 s20, s5;
	[tilespmem:s15+$0x0] =	vst v7;
	v7 =	vor.u32 @p0 $0x100000, v14  }
0x122: {  	s26 =	sor.u32 @p0 s8, s6;
	v9 =	vcvt.f32.s32 v9;
	v10 =	vcvt.f32.s32 v10;
	v12 =	vor.u32 @p0 $0x100000, v15;
	[tilespmem:s1+$0x6000] =	vst @p0 v7;
	s1 =	sor.u32 @p0 s20, s6  }
0x123: {  	v6 =	vtrunc.f32 v6;
	vm0 =	vgt.s32 v8, $0x0;
	v7 =	vtrunc.f32 v11;
	[tilespmem:s31+$0x0] =	vst v4;
	s31 =	smov.u32 s5  }
0x124: {  	vm1 =	vgt.s32 v9, $0x0;
	v4 =	vtrunc.f32 v5;
	v7 =	vcvt.f32.s32 v7;
	[tilespmem:s30+$0x6000] =	vst @p0 v12;
	s30 =	smov.u32 s7  }
0x125: {  	vm2 =	vgt.s32 v10, $0x0;
	v11 =	vcvt.f32.s32 v4;
	v12 =	vcvt.f32.s32 v6;
	[tilespmem:s29+$0x0] =	vst v3;
	s29 =	smov.u32 s19  }
.Ltmp14:
0x126: {  	v4 =	vnsel vm0, $0x0, v8;
	v6 =	vnsel vm1, $0x0, v9;
	v3 =	vnsel vm2, $0x0, v10;
	(pc) =	sbr.rel @p3 .LBB2_24-.Ltmp14, $4  }
0x127: {  	vm1 =	vgt.s32 v7, $0x0;
	vm0 =	vgt.s32 v11, $0x0;
	vm2 =	vgt.s32 v12, $0x0  }
0x128: {  	v5 =	vmin.u32 v4, $0x3FF;
	v4 =	vmin.u32 v6, $0x3FF;
	v3 =	vmin.u32 v3, $0x3FF  }
0x129: {  	v7 =	vnsel vm1, $0x0, v7;
	v6 =	vnsel vm0, $0x0, v11;
	v8 =	vnsel vm2, $0x0, v12  }
0x12a: {  	p2 =	por !p2, !p2;
	v10 =	vshll.u32 @p0 v5, $0x6;
	v9 =	vshll.u32 @p0 v3, $0x6;
	v11 =	vshll.u32 @p0 v4, $0x6  }
0x12b: {  	v6 =	vmin.u32 v6, $0x3FF;
	v7 =	vmin.u32 v7, $0x3FF  }
0x12c: {  	v8 =	vmin.u32 v8, $0x3FF;
	v9 =	vand.u32 @p0 $0xFF00, v9;
	v10 =	vand.u32 @p0 $0xFF00, v10  }
0x12d: {  	v11 =	vand.u32 @p0 $0xFF00, v11;
	v12 =	vshll.u32 @p0 v5, $0x8;
	v14 =	vshll.u32 @p0 v4, $0x8  }
0x12e: {  	v15 =	vshll.u32 @p0 v3, $0x8;
	v5 =	vshll.u32 @!p0 v5, $0xA;
	v4 =	vshll.u32 @!p0 v4, $0xA  }
0x12f: {  	v3 =	vshll.u32 @!p0 v3, $0xA;
	v13 =	vshrl.u32 @p0 v7, $0x2;
	v16 =	vshrl.u32 @p0 v6, $0x2  }
0x130: {  	v17 =	vshrl.u32 @p0 v8, $0x2;
	v12 =	vand.u32 @p0 $0x3FE00, v12;
	v14 =	vand.u32 @p0 $0x3FE00, v14  }
0x131: {  	v5 =	vor.u32 @!p0 v7, v5;
	v4 =	vor.u32 @!p0 v8, v4;
	v9 =	vor.u32 @p0 v9, v16  }
0x132: {  	v10 =	vor.u32 @p0 v10, v13;
	v13 =	vand.u32 @p0 $0x3FE00, v15;
	v15 =	vshrl.u32 @p0 v7, $0x1  }
0x133: {  	v11 =	vor.u32 @p0 v11, v17;
	v17 =	vshrl.u32 @p0 v6, $0x1;
	v12 =	vor.u32 @p0 v12, v15  }
0x134: {  	v16 =	vshrl.u32 @p0 v8, $0x1;
	v8 =	vor.u32 @p0 v13, v17;
	v7 =	vor.u32 @p0 $0x100000, v12  }
0x135: {  	v3 =	vor.u32 @!p0 v6, v3;
	v10 =	vor.u32 @p0 $0x140000, v10;
	v6 =	vor.u32 @p0 $0x100000, v8;
	[tilespmem:s26+$0x6000] =	vst @p0 v7  }
0x136: {  	v12 =	vor.u32 @p0 v14, v16;
	v5 =	vpsel p0, v10, v5;
	[tilespmem:s30+$0x6000] =	vst @p0 v6  }
0x137: {  	v7 =	vor.u32 @p0 $0x140000, v11;
	[tilespmem:s17+$0x0] =	vst v5;
	v5 =	vor.u32 @p0 $0x100000, v12  }
.Ltmp15:
0x138: {  	v4 =	vpsel p0, v7, v4;
	[tilespmem:s1+$0x6000] =	vst @p0 v5;
	v5 =	vor.u32 @p0 $0x140000, v9;
	(pc) =	sbr.rel @!p1 .LBB2_27-.Ltmp15, $4  }
0x139: {  	[tilespmem:s31+$0x0] =	vst v4;
	v3 =	vpsel p0, v5, v3  }
0x13a: {  	[tilespmem:s29+$0x0] =	vst v3  }
0x13b: {  	s0 =	simm.s32 $0x6000;
	s1 =	sadd.s32 $0xFFFFFFFF, s28;
	_ =	strace $0x9000004A  }
0x13c: {  	[spmem:s2] =	stream.indirect.scatter [tilespmem:s23], [sflag:$0x3], $0x1, s0, s22, $0xb8;
	[tilespmem:$0x1D880] =	vst v63  }
.LBB2_26:
0x13d: {  	p2 =	sne.s32 s1, $0x1  }
.Ltmp16:
0x13e: {  	_ = 	snop;
	(pc) =	sbr.rel @p2 .LBB2_26-.Ltmp16, $3  }
0x13f: {  	_ = 	snop  }
0x140: {  	s1 =	sadd.s32 $0xFFFFFFFF, s1;
	s0 =	sadd.s32 $0x80, s0;
	_ =	sdelay $0x1  }
0x141: {  	[spmem:s2] =	stream.indirect.scatter [tilespmem:s23], [sflag:$0x3], $0x1, s0, s22, $0xb8;
	[tilespmem:$0x1D880] =	vst v63  }
.LBB2_27:
.Ltmp17:
0x142: {  	(pc) =	sbr.rel @!p1 .LBB2_29-.Ltmp17, $3  }
0x143: {  	_ =	sdelay $0x1  }
0x144: {  	_ =	swait.ge [sflag:s24], $0x80  }
0x145: {  	s0 =	sadd.s32 $0xFFFFFFFF, s28;
	[sflag:s24] =	ssyncset.done $0x0  }
.LBB2_28:
0x146: {  	p2 =	sne.s32 s0, $0x1;
	s0 =	sadd.s32 $0xFFFFFFFF, s0;
	[sflag:s24] =	ssyncadd.s32 $0xFFFFFF80  }
.Ltmp18:
0x147: {  	(pc) =	sbr.rel @p2 .LBB2_28-.Ltmp18, $3  }
0x148: {  	_ =	sdelay $0x1  }
0x149: {  	_ =	swait.ge [sflag:s24], $0x80  }
0x14a: {  	[sflag:s24] =	ssyncset.done $0x0  }
.LBB2_29:
0x14b: {  	[sflag:s24] =	ssyncadd.s32 $0xFFFFFF80;
	s0 =	simm.s32 $0x1  }
0x14c: {  	_ =	swait.ge [sflag:s0], $0x1000  }
0x14d: {  	[sflag:s0] =	ssyncset.done $0x0  }
0x14e: {  	[sflag:s0] =	ssyncadd.s32 $0xFFFFF000  }
0x14f: {  	_ =	swait.ge [sflag:s0], $0x1000  }
0x150: {  	s1 =	simm.s32 $0x10;
	s8 =	sadd.s32 $0x0, s13;
	[sflag:s0] =	ssyncset.done $0x0  }
0x151: {  	s5 =	simm.s32 $0x180;
	[sflag:s0] =	ssyncadd.s32 $0xFFFFF000;
	s0 =	simm.s32 $0x80  }
.LBB2_30:
0x152: {  	[tilespmem:s0], [sflag:$0x1] =	stream.linear.gather [hbm4b:s8+s3], $0x80, $0x38;
	[tilespmem:$0x1D880] =	vst v63  }
0x153: {  	s6 =	smov.u32 s1;
	s0 =	smov.u32 s5;
	p2 =	sne.s32 s1, $0x1F0  }
.Ltmp19:
0x154: {  	s1 =	sadd.s32 $0x10, s1;
	(pc) =	sbr.rel @p2 .LBB2_30-.Ltmp19, $2  }
0x155: {  	_ =	sdelay $0x2  }
0x156: {  	s5 =	sadd.s32 $0x100, s5;
	s8 =	sadd.s32 s6, s13  }
0x157: {  	[tilespmem:s0], [sflag:$0x1] =	stream.linear.gather [hbm4b:s8+s3], $0x80, $0x38;
	[tilespmem:$0x1D880] =	vst v63  }
0x158: {  	s0 =	simm.s32 $0x2080  }
0x159: {  	s1 =	simm.s32 $0x10;
	s8 =	sadd.s32 $0x0, s14;
	s5 =	simm.s32 $0x2180  }
.LBB2_32:
0x15a: {  	[tilespmem:s0], [sflag:$0x1] =	stream.linear.gather [hbm4b:s8+s3], $0x80, $0x38;
	[tilespmem:$0x1D880] =	vst v63  }
0x15b: {  	s6 =	smov.u32 s1;
	s0 =	smov.u32 s5;
	p2 =	sne.s32 s1, $0x1F0  }
.Ltmp20:
0x15c: {  	s1 =	sadd.s32 $0x10, s1;
	(pc) =	sbr.rel @p2 .LBB2_32-.Ltmp20, $2  }
0x15d: {  	_ =	sdelay $0x2  }
0x15e: {  	s5 =	sadd.s32 $0x100, s5;
	s8 =	sadd.s32 s6, s14  }
0x15f: {  	[tilespmem:s0], [sflag:$0x1] =	stream.linear.gather [hbm4b:s8+s3], $0x80, $0x38;
	[tilespmem:$0x1D880] =	vst v63  }
0x160: {  	s29 =	simm.s32 $0x0  }
0x161: {  	s1 =	sand.u32 $0x40, s29  }
0x162: {  	s6 =	sand.u32 $0x1F00, s29;
	s0 =	sor.u32 $0x30, s1  }
0x163: {  	_ =	strace $0x8000004B;
	s7 =	sor.u32 s6, s0  }
0x164: {  	s8 =	sor.u32 $0x10, s1;
	v3 =	vld [tilespmem:s7+$0x0]  }
0x165: {  	s5 =	sor.u32 $0x20, s1;
	s15 =	sor.u32 s6, s8;
	v4 =	vld [tilespmem:s7+$0x2000]  }
0x166: {  	s26 =	sor.u32 s6, s5;
	v5 =	vld [tilespmem:s15+$0x2000]  }
0x167: {  	s6 =	sor.u32 s1, s6;
	v6 =	vld [tilespmem:s26+$0x2000]  }
0x168: {  	v7 =	vld [tilespmem:s6+$0x2000]  }
0x169: {  	v8 =	vld [tilespmem:s15+$0x0]  }
0x16a: {  	v9 =	vld [tilespmem:s26+$0x0];
	_ =	sdelay $0x1  }
0x16b: {  	v4 =	vadd.f32 $5.120000080e+01, v4;
	v3 =	vadd.f32 $5.120000080e+01, v3  }
0x16c: {  	v10 =	vld [tilespmem:s6+$0x0];
	v5 =	vadd.f32 $5.120000080e+01, v5;
	v6 =	vadd.f32 $5.120000080e+01, v6  }
0x16d: {  	v7 =	vadd.f32 $5.120000080e+01, v7;
	v8 =	vadd.f32 $5.120000080e+01, v8;
	v4 =	vmul.f32 v4, v0  }
0x16e: {  	v9 =	vadd.f32 $5.120000080e+01, v9;
	v3 =	vmul.f32 v3, v0;
	v5 =	vmul.f32 v5, v0  }
0x16f: {  	v7 =	vmul.f32 v7, v0;
	v6 =	vmul.f32 v6, v0  }
0x170: {  	v8 =	vmul.f32 v8, v0;
	v9 =	vmul.f32 v9, v0  }
0x171: {  	v10 =	vadd.f32 $5.120000080e+01, v10;
	v4 =	vtrunc.f32 v4;
	v3 =	vtrunc.f32 v3  }
0x172: {  	v4 =	vcvt.f32.s32 v4;
	v3 =	vcvt.f32.s32 v3  }
0x173: {  	v10 =	vmul.f32 v10, v0;
	v5 =	vtrunc.f32 v5  }
0x174: {  	v5 =	vcvt.f32.s32 v5;
	vm0 =	vgt.s32 v4, $0x0;
	vm1 =	vgt.s32 v3, $0x0  }
0x175: {  	v6 =	vtrunc.f32 v6;
	v4 =	vnsel vm0, $0x0, v4;
	v3 =	vnsel vm1, $0x0, v3  }
0x176: {  	vm11 =	vgt.s32 v5, $0x0;
	v4 =	vmin.u32 v4, $0x3FF;
	v3 =	vmin.u32 v3, $0x3FF  }
0x177: {  	v11 =	vshll.u32 @p0 v4, $0x8;
	v12 =	vshrl.u32 @p0 v3, $0x1;
	v13 =	vshll.u32 @p0 v4, $0x6  }
0x178: {  	v14 =	vshrl.u32 @p0 v3, $0x2;
	v4 =	vshll.u32 @!p0 v4, $0xA;
	v11 =	vand.u32 @p0 $0x3FE00, v11  }
0x179: {  	v13 =	vand.u32 @p0 $0xFF00, v13;
	v3 =	vor.u32 @!p0 v3, v4;
	v4 =	vtrunc.f32 v7  }
0x17a: {  	v7 =	vtrunc.f32 v9;
	v11 =	vor.u32 @p0 v11, v12;
	v12 =	vor.u32 @p0 v13, v14  }
0x17b: {  	v5 =	vnsel vm11, $0x0, v5;
	v7 =	vcvt.f32.s32 v7;
	v12 =	vor.u32 @p0 $0x140000, v12  }
0x17c: {  	v12 =	vpsel p0, v12, v3;
	v3 =	vcvt.f32.s32 v4;
	v4 =	vcvt.f32.s32 v6  }
0x17d: {  	v11 =	vor.u32 @p0 $0x100000, v11;
	v6 =	vtrunc.f32 v8;
	v8 =	vtrunc.f32 v10  }
0x17e: {  	vm15 =	vgt.s32 v7, $0x0;
	v9 =	vcvt.f32.s32 v6;
	v8 =	vcvt.f32.s32 v8  }
0x17f: {  	v6 =	vmin.u32 v5, $0x3FF;
	v7 =	vnsel vm15, $0x0, v7;
	vm12 =	vgt.s32 v4, $0x0  }
0x180: {  	s6 =	simm.s32 @p0 $0x0;
	s7 =	simm.s32 @!p0 $0x0;
	vm2 =	vgt.s32 v3, $0x0;
	v10 =	vshll.u32 @p0 v6, $0x6;
	v7 =	vmin.u32 v7, $0x3FF  }
0x181: {  	s16 =	simm.s32 $0x0;
	s6 =	sand.u32 @p0 $0x3FFFFF80, s6;
	s7 =	sand.u32 @!p0 $0x3FFFFF80, s7;
	v3 =	vnsel vm2, $0x0, v3;
	v4 =	vnsel vm12, $0x0, v4;
	vm13 =	vgt.s32 v8, $0x0  }
0x182: {  	s18 =	simm.s32 $0x40;
	s15 =	sadd.s32 @p0 $0x5000, s6;
	s7 =	sadd.s32 @!p0 $0x4000, s7;
	vm14 =	vgt.s32 v9, $0x0;
	v10 =	vand.u32 @p0 $0xFF00, v10;
	v3 =	vmin.u32 v3, $0x3FF  }
0x183: {  	s30 =	sor.u32 @p0 s1, s6;
	s7 =	smov.u32 @p0 s15;
	s15 =	sor.u32 @p0 s0, s6;
	v4 =	vmin.u32 v4, $0x3FF;
	v5 =	vnsel vm13, $0x0, v8;
	v8 =	vnsel vm14, $0x0, v9  }
0x184: {  	s17 =	sor.u32 @p0 s8, s6;
	s31 =	sadd.s32 s1, s7;
	s28 =	sadd.s32 s0, s7;
	[tilespmem:s15+$0x4000] =	vst @p0 v11;
	v9 =	vshll.u32 @p0 v3, $0x6;
	v13 =	vshll.u32 @p0 v4, $0x6;
	v5 =	vmin.u32 v5, $0x3FF  }
0x185: {  	s26 =	sadd.s32 s8, s7;
	s1 =	sor.u32 @p0 s5, s6;
	s0 =	sadd.s32 s5, s7;
	[tilespmem:s28+$0x0] =	vst v12;
	v8 =	vmin.u32 v8, $0x3FF;
	v9 =	vand.u32 @p0 $0xFF00, v9;
	v11 =	vand.u32 @p0 $0xFF00, v13  }
.LBB2_34:
0x186: {  	s15 =	sand.u32 $0x40, s18;
	v12 =	vshll.u32 @p0 v6, $0x8;
	v13 =	vshrl.u32 @p0 v8, $0x2;
	v14 =	vshll.u32 @p0 v4, $0x8;
	s29 =	sadd.s32 $0x80, s29  }
0x187: {  	v15 =	vshll.u32 @p0 v3, $0x8;
	v16 =	vshrl.u32 @p0 v5, $0x2;
	v17 =	vshrl.u32 @p0 v7, $0x2;
	s6 =	sand.u32 $0x1F00, s29;
	s28 =	sor.u32 $0x10, s15;
	s8 =	sor.u32 $0x30, s15  }
0x188: {  	s5 =	sor.u32 $0x20, s15;
	v9 =	vor.u32 @p0 v9, v16;
	v10 =	vor.u32 @p0 v10, v13;
	v11 =	vor.u32 @p0 v11, v17;
	s7 =	sor.u32 s6, s28;
	s19 =	sor.u32 s6, s8  }
0x189: {  	v15 =	vand.u32 @p0 $0x3FE00, v15;
	v12 =	vand.u32 @p0 $0x3FE00, v12;
	v14 =	vand.u32 @p0 $0x3FE00, v14;
	s20 =	sor.u32 s15, s6;
	s6 =	sor.u32 s6, s5;
	v13 =	vld [tilespmem:s19+$0x0]  }
0x18a: {  	v6 =	vshll.u32 @!p0 v6, $0xA;
	v18 =	vshrl.u32 @p0 v7, $0x1;
	v17 =	vshrl.u32 @p0 v8, $0x1;
	v16 =	vld [tilespmem:s19+$0x2000]  }
0x18b: {  	v20 =	vshrl.u32 @p0 v5, $0x1;
	v3 =	vshll.u32 @!p0 v3, $0xA;
	v4 =	vshll.u32 @!p0 v4, $0xA;
	v19 =	vld [tilespmem:s7+$0x2000]  }
0x18c: {  	v9 =	vor.u32 @p0 $0x140000, v9;
	v10 =	vor.u32 @p0 $0x140000, v10;
	v11 =	vor.u32 @p0 $0x140000, v11;
	v21 =	vld [tilespmem:s6+$0x2000]  }
0x18d: {  	v15 =	vor.u32 @p0 v15, v20;
	v12 =	vor.u32 @p0 v12, v17;
	v14 =	vor.u32 @p0 v14, v18;
	v22 =	vld [tilespmem:s20+$0x2000]  }
0x18e: {  	v3 =	vor.u32 @!p0 v5, v3;
	v5 =	vor.u32 @!p0 v8, v6;
	v4 =	vor.u32 @!p0 v7, v4;
	v17 =	vld [tilespmem:s7+$0x0]  }
0x18f: {  	v5 =	vpsel p0, v10, v5;
	v7 =	vadd.f32 $5.120000080e+01, v13;
	v6 =	vld [tilespmem:s6+$0x0];
	v8 =	vadd.f32 $5.120000080e+01, v16  }
0x190: {  	v3 =	vpsel p0, v9, v3;
	v4 =	vpsel p0, v11, v4;
	v10 =	vld [tilespmem:s20+$0x0];
	v13 =	vadd.f32 $5.120000080e+01, v19  }
0x191: {  	v7 =	vmul.f32 v7, v0;
	v9 =	vadd.f32 $5.120000080e+01, v21;
	v8 =	vmul.f32 v8, v0  }
0x192: {  	v12 =	vor.u32 @p0 $0x100000, v12;
	v11 =	vadd.f32 $5.120000080e+01, v22;
	v13 =	vmul.f32 v13, v0  }
0x193: {  	v7 =	vtrunc.f32 v7;
	v16 =	vadd.f32 $5.120000080e+01, v17;
	v8 =	vtrunc.f32 v8;
	[tilespmem:s17+$0x4000] =	vst @p0 v12  }
0x194: {  	v7 =	vcvt.f32.s32 v7;
	v6 =	vadd.f32 $5.120000080e+01, v6;
	v8 =	vcvt.f32.s32 v8;
	[tilespmem:s26+$0x0] =	vst v5  }
0x195: {  	v9 =	vmul.f32 v9, v0;
	v5 =	vadd.f32 $5.120000080e+01, v10;
	v10 =	vmul.f32 v11, v0  }
0x196: {  	v11 =	vmul.f32 v16, v0;
	vm0 =	vgt.s32 v7, $0x0;
	vm1 =	vgt.s32 v8, $0x0  }
0x197: {  	s16 =	sadd.s32 $0x4, s16;
	v6 =	vmul.f32 v6, v0;
	v7 =	vnsel vm0, $0x0, v7;
	v8 =	vnsel vm1, $0x0, v8  }
0x198: {  	p2 =	slt.u32 s16, $0xFC;
	s6 =	sshrl.u32 s16, $0x3;
	v5 =	vmul.f32 v5, v0;
	v7 =	vmin.u32 v7, $0x3FF;
	v8 =	vmin.u32 v8, $0x3FF  }
0x199: {  	s7 =	sshll.u32 @p0 s6, $0x7;
	s6 =	sshll.u32 @!p0 s6, $0x7;
	v16 =	vshrl.u32 @p0 v7, $0x1;
	v12 =	vshll.u32 @p0 v8, $0x8;
	v17 =	vshll.u32 @p0 v8, $0x6  }
0x19a: {  	s7 =	sand.u32 @p0 $0x3FFFFF80, s7;
	s6 =	sand.u32 @!p0 $0x3FFFFF80, s6;
	v18 =	vshrl.u32 @p0 v7, $0x2;
	v12 =	vand.u32 @p0 $0x3FE00, v12;
	v17 =	vand.u32 @p0 $0xFF00, v17  }
0x19b: {  	s19 =	sor.u32 @p0 s15, s7;
	s6 =	sadd.s32 @!p0 $0x4000, s6;
	s17 =	sadd.s32 @p0 $0x5000, s7;
	v8 =	vshll.u32 @!p0 v8, $0xA;
	v12 =	vor.u32 @p0 v12, v16;
	v16 =	vor.u32 @p0 v17, v18  }
0x19c: {  	s20 =	sor.u32 @p0 s8, s7;
	s6 =	smov.u32 @p0 s17;
	s17 =	sor.u32 @p0 s28, s7;
	v7 =	vor.u32 @!p0 v7, v8;
	v12 =	vor.u32 @p0 $0x100000, v12;
	v16 =	vor.u32 @p0 $0x140000, v16  }
0x19d: {  	s15 =	sadd.s32 s15, s6;
	s26 =	sadd.s32 s28, s6;
	v9 =	vtrunc.f32 v9;
	s8 =	sadd.s32 s8, s6;
	v8 =	vtrunc.f32 v13;
	[tilespmem:s20+$0x4000] =	vst @p0 v12;
	v7 =	vpsel p0, v16, v7  }
0x19e: {  	s7 =	sor.u32 @p0 s5, s7;
	s5 =	sadd.s32 s5, s6;
	v10 =	vtrunc.f32 v10;
	v8 =	vcvt.f32.s32 v8;
	[tilespmem:s8+$0x0] =	vst v7;
	v7 =	vor.u32 @p0 $0x100000, v14  }
0x19f: {  	v9 =	vcvt.f32.s32 v9;
	v10 =	vcvt.f32.s32 v10;
	v12 =	vor.u32 @p0 $0x100000, v15;
	[tilespmem:s1+$0x4000] =	vst @p0 v7;
	s1 =	smov.u32 s7  }
0x1a0: {  	v6 =	vtrunc.f32 v6;
	vm0 =	vgt.s32 v8, $0x0;
	v7 =	vtrunc.f32 v11;
	[tilespmem:s0+$0x0] =	vst v4;
	s0 =	smov.u32 s5  }
0x1a1: {  	vm1 =	vgt.s32 v9, $0x0;
	v4 =	vtrunc.f32 v5;
	v5 =	vcvt.f32.s32 v7;
	[tilespmem:s30+$0x4000] =	vst @p0 v12;
	s30 =	smov.u32 s19  }
0x1a2: {  	vm2 =	vgt.s32 v10, $0x0;
	v11 =	vcvt.f32.s32 v6;
	v7 =	vcvt.f32.s32 v4;
	[tilespmem:s31+$0x0] =	vst v3;
	s31 =	smov.u32 s15  }
0x1a3: {  	v4 =	vnsel vm0, $0x0, v8;
	v8 =	vnsel vm1, $0x0, v9;
	v3 =	vnsel vm2, $0x0, v10  }
0x1a4: {  	vm1 =	vgt.s32 v5, $0x0;
	vm2 =	vgt.s32 v11, $0x0;
	vm0 =	vgt.s32 v7, $0x0  }
.Ltmp21:
0x1a5: {  	v6 =	vmin.u32 v4, $0x3FF;
	v4 =	vmin.u32 v8, $0x3FF;
	v3 =	vmin.u32 v3, $0x3FF;
	(pc) =	sbr.rel @p2 .LBB2_34-.Ltmp21, $4  }
0x1a6: {  	v8 =	vnsel vm1, $0x0, v5;
	v9 =	vnsel vm2, $0x0, v11;
	v7 =	vnsel vm0, $0x0, v7  }
0x1a7: {  	v11 =	vshll.u32 @p0 v6, $0x6;
	v12 =	vshll.u32 @p0 v4, $0x6;
	v10 =	vshll.u32 @p0 v3, $0x6  }
0x1a8: {  	v8 =	vmin.u32 v8, $0x3FF;
	v5 =	vmin.u32 v7, $0x3FF;
	v7 =	vmin.u32 v9, $0x3FF  }
0x1a9: {  	s18 =	sadd.s32 $0x40, s18;
	v9 =	vand.u32 @p0 $0xFF00, v10;
	v10 =	vand.u32 @p0 $0xFF00, v11;
	v11 =	vand.u32 @p0 $0xFF00, v12  }
0x1aa: {  	v12 =	vshll.u32 @p0 v6, $0x8;
	v13 =	vshrl.u32 @p0 v8, $0x2  }
0x1ab: {  	v14 =	vshll.u32 @p0 v4, $0x8;
	v15 =	vshll.u32 @p0 v3, $0x8;
	v16 =	vshrl.u32 @p0 v5, $0x2  }
0x1ac: {  	v17 =	vshrl.u32 @p0 v7, $0x2;
	v6 =	vshll.u32 @!p0 v6, $0xA;
	v4 =	vshll.u32 @!p0 v4, $0xA  }
0x1ad: {  	v3 =	vshll.u32 @!p0 v3, $0xA;
	v9 =	vor.u32 @p0 v9, v16;
	v10 =	vor.u32 @p0 v10, v13  }
0x1ae: {  	v11 =	vor.u32 @p0 v11, v17;
	v13 =	vand.u32 @p0 $0x3FE00, v15;
	v12 =	vand.u32 @p0 $0x3FE00, v12  }
0x1af: {  	v14 =	vand.u32 @p0 $0x3FE00, v14;
	v15 =	vshrl.u32 @p0 v8, $0x1;
	v16 =	vshrl.u32 @p0 v7, $0x1  }
0x1b0: {  	v17 =	vshrl.u32 @p0 v5, $0x1;
	v6 =	vor.u32 @!p0 v8, v6;
	v12 =	vor.u32 @p0 v12, v15  }
0x1b1: {  	v4 =	vor.u32 @!p0 v7, v4;
	v7 =	vor.u32 @p0 v13, v17;
	v8 =	vor.u32 @p0 $0x100000, v12  }
0x1b2: {  	v3 =	vor.u32 @!p0 v5, v3;
	v10 =	vor.u32 @p0 $0x140000, v10;
	v5 =	vor.u32 @p0 $0x100000, v7;
	[tilespmem:s17+$0x4000] =	vst @p0 v8  }
0x1b3: {  	v12 =	vor.u32 @p0 v14, v16;
	v6 =	vpsel p0, v10, v6;
	[tilespmem:s30+$0x4000] =	vst @p0 v5  }
0x1b4: {  	v8 =	vor.u32 @p0 $0x140000, v11;
	[tilespmem:s26+$0x0] =	vst v6;
	v6 =	vor.u32 @p0 $0x100000, v12  }
0x1b5: {  	v4 =	vpsel p0, v8, v4;
	[tilespmem:s1+$0x4000] =	vst @p0 v6;
	v6 =	vor.u32 @p0 $0x140000, v9  }
0x1b6: {  	[tilespmem:s0+$0x0] =	vst v4;
	v3 =	vpsel p0, v6, v3  }
.Ltmp22:
0x1b7: {  	[tilespmem:s31+$0x0] =	vst v3;
	(pc) =	sbr.rel @!p1 .LBB2_37-.Ltmp22, $4  }
0x1b8: {  	s0 =	simm.s32 $0x4000;
	_ =	strace $0x9000004B  }
0x1b9: {  	[spmem:s2] =	stream.indirect.scatter [tilespmem:s23], [sflag:$0x2], $0x1, s0, s22, $0xb8;
	[tilespmem:$0x1D880] =	vst v63  }
0x1ba: {  	s28 =	rddreg [dreg:$0x5]  }
0x1bb: {  	s1 =	sadd.s32 $0xFFFFFFFF, s28  }
.LBB2_36:
0x1bc: {  	p2 =	sne.s32 s1, $0x1  }
.Ltmp23:
0x1bd: {  	_ = 	snop;
	(pc) =	sbr.rel @p2 .LBB2_36-.Ltmp23, $3  }
0x1be: {  	_ = 	snop  }
0x1bf: {  	s1 =	sadd.s32 $0xFFFFFFFF, s1;
	s0 =	sadd.s32 $0x80, s0;
	_ =	sdelay $0x1  }
0x1c0: {  	[spmem:s2] =	stream.indirect.scatter [tilespmem:s23], [sflag:$0x2], $0x1, s0, s22, $0xb8;
	[tilespmem:$0x1D880] =	vst v63  }
.LBB2_37:
.Ltmp24:
0x1c1: {  	(pc) =	sbr.rel @!p1 .LBB2_39-.Ltmp24, $3  }
0x1c2: {  	_ =	sdelay $0x1  }
0x1c3: {  	_ =	swait.ge [sflag:s25], $0x80  }
0x1c4: {  	s0 =	sadd.s32 $0xFFFFFFFF, s28;
	[sflag:s25] =	ssyncset.done $0x0  }
.LBB2_38:
0x1c5: {  	p2 =	sne.s32 s0, $0x1;
	s0 =	sadd.s32 $0xFFFFFFFF, s0;
	[sflag:s25] =	ssyncadd.s32 $0xFFFFFF80  }
.Ltmp25:
0x1c6: {  	(pc) =	sbr.rel @p2 .LBB2_38-.Ltmp25, $3  }
0x1c7: {  	_ =	sdelay $0x1  }
0x1c8: {  	_ =	swait.ge [sflag:s25], $0x80  }
0x1c9: {  	[sflag:s25] =	ssyncset.done $0x0  }
.LBB2_39:
0x1ca: {  	[sflag:s25] =	ssyncadd.s32 $0xFFFFFF80;
	s1 =	simm.s32 $0x1  }
0x1cb: {  	_ =	swait.ge [sflag:s1], $0x1000  }
0x1cc: {  	p2 =	por $0x0, $0x0;
	s0 =	simm.s32 $0x1;
	[sflag:s1] =	ssyncset.done $0x0  }
0x1cd: {  	s0 =	simm.s32 @!p2 $0x0;
	[sflag:s1] =	ssyncadd.s32 $0xFFFFF000  }
0x1ce: {  	s0 =	sshll.u32 s0, $0x6;
	_ =	swait.ge [sflag:s1], $0x1000  }
0x1cf: {  	s0 =	sadd.s32 $0x0, s0;
	[sflag:s1] =	ssyncset.done $0x0  }
0x1d0: {  	s20 =	sadd.s32 $0x30, s0;
	[sflag:s1] =	ssyncadd.s32 $0xFFFFF000  }
0x1d1: {  	s1 =	sor.u32 $0x80, s20;
	_ =	strace $0x8000004C  }
0x1d2: {  	s5 =	sadd.s32 $0x10, s0;
	v3 =	vld [tilespmem:s1+$0x0]  }
0x1d3: {  	s6 =	sadd.s32 $0x20, s0;
	s5 =	sor.u32 $0x80, s5;
	v4 =	vld [tilespmem:s1+$0x2000]  }
0x1d4: {  	s26 =	sor.u32 $0x80, s6;
	v5 =	vld [tilespmem:s5+$0x2000]  }
0x1d5: {  	s0 =	sor.u32 $0x80, s0;
	v6 =	vld [tilespmem:s26+$0x2000]  }
0x1d6: {  	v7 =	vld [tilespmem:s0+$0x2000]  }
0x1d7: {  	v8 =	vld [tilespmem:s5+$0x0]  }
0x1d8: {  	v9 =	vld [tilespmem:s26+$0x0];
	_ =	sdelay $0x1  }
0x1d9: {  	v4 =	vadd.f32 $5.120000080e+01, v4;
	v3 =	vadd.f32 $5.120000080e+01, v3  }
0x1da: {  	v5 =	vadd.f32 $5.120000080e+01, v5;
	v6 =	vadd.f32 $5.120000080e+01, v6  }
0x1db: {  	v10 =	vld [tilespmem:s0+$0x0];
	v7 =	vadd.f32 $5.120000080e+01, v7;
	v8 =	vadd.f32 $5.120000080e+01, v8;
	v4 =	vmul.f32 v4, v0  }
0x1dc: {  	v9 =	vadd.f32 $5.120000080e+01, v9;
	v3 =	vmul.f32 v3, v0;
	v5 =	vmul.f32 v5, v0  }
0x1dd: {  	v7 =	vmul.f32 v7, v0;
	v6 =	vmul.f32 v6, v0  }
0x1de: {  	v8 =	vmul.f32 v8, v0;
	v9 =	vmul.f32 v9, v0  }
0x1df: {  	v4 =	vtrunc.f32 v4;
	v3 =	vtrunc.f32 v3  }
0x1e0: {  	v10 =	vadd.f32 $5.120000080e+01, v10;
	v5 =	vtrunc.f32 v5;
	v4 =	vcvt.f32.s32 v4  }
0x1e1: {  	v3 =	vcvt.f32.s32 v3;
	v5 =	vcvt.f32.s32 v5  }
0x1e2: {  	v10 =	vmul.f32 v10, v0;
	v6 =	vtrunc.f32 v6;
	vm0 =	vgt.s32 v4, $0x0  }
0x1e3: {  	vm1 =	vgt.s32 v3, $0x0;
	vm11 =	vgt.s32 v5, $0x0;
	v4 =	vnsel vm0, $0x0, v4  }
0x1e4: {  	v3 =	vnsel vm1, $0x0, v3;
	v5 =	vnsel vm11, $0x0, v5;
	v4 =	vmin.u32 v4, $0x3FF  }
0x1e5: {  	v3 =	vmin.u32 v3, $0x3FF;
	v5 =	vmin.u32 v5, $0x3FF;
	v11 =	vshll.u32 @p0 v4, $0x8  }
0x1e6: {  	v12 =	vshrl.u32 @p0 v3, $0x1;
	v13 =	vshll.u32 @p0 v4, $0x6;
	v14 =	vshrl.u32 @p0 v3, $0x2  }
0x1e7: {  	v4 =	vshll.u32 @!p0 v4, $0xA;
	v11 =	vand.u32 @p0 $0x3FE00, v11;
	v13 =	vand.u32 @p0 $0xFF00, v13  }
0x1e8: {  	v3 =	vor.u32 @!p0 v3, v4;
	v11 =	vor.u32 @p0 v11, v12;
	v12 =	vor.u32 @p0 v13, v14  }
0x1e9: {  	v4 =	vtrunc.f32 v7;
	v7 =	vtrunc.f32 v9;
	v12 =	vor.u32 @p0 $0x140000, v12  }
0x1ea: {  	s16 =	simm.s32 $0x0;
	p2 =	por !p2, !p2;
	v12 =	vpsel p0, v12, v3;
	v3 =	vcvt.f32.s32 v4;
	v4 =	vcvt.f32.s32 v6  }
0x1eb: {  	s1 =	simm.s32 @p0 $0x0;
	s5 =	simm.s32 @!p0 $0x0;
	s0 =	simm.s32 $0x0;
	v11 =	vor.u32 @p0 $0x100000, v11;
	v6 =	vtrunc.f32 v8;
	v8 =	vtrunc.f32 v10  }
0x1ec: {  	s1 =	sand.u32 @p0 $0x3FFFFF80, s1;
	s5 =	sand.u32 @!p0 $0x3FFFFF80, s5;
	s6 =	sand.u32 $0x40, s0;
	v10 =	vshll.u32 @p0 v5, $0x6;
	v9 =	vcvt.f32.s32 v6;
	v6 =	vcvt.f32.s32 v8  }
0x1ed: {  	s7 =	sadd.s32 @p0 $0x7000, s1;
	s5 =	sadd.s32 @!p0 $0x6000, s5;
	s8 =	sor.u32 $0x30, s6;
	v8 =	vcvt.f32.s32 v7;
	vm12 =	vgt.s32 v4, $0x0;
	vm2 =	vgt.s32 v3, $0x0  }
0x1ee: {  	s18 =	sor.u32 $0x20, s6;
	s30 =	sor.u32 @p0 s6, s1;
	s5 =	smov.u32 @p0 s7;
	v3 =	vnsel vm2, $0x0, v3;
	v4 =	vnsel vm12, $0x0, v4;
	vm13 =	vgt.s32 v6, $0x0  }
0x1ef: {  	s7 =	sor.u32 $0x10, s6;
	s15 =	sor.u32 @p0 s8, s1;
	s29 =	sadd.s32 s6, s5;
	vm14 =	vgt.s32 v9, $0x0;
	vm15 =	vgt.s32 v8, $0x0;
	v3 =	vmin.u32 v3, $0x3FF  }
0x1f0: {  	s8 =	sadd.s32 s8, s5;
	s17 =	sadd.s32 s7, s5;
	s31 =	sadd.s32 s18, s5;
	[tilespmem:s15+$0x6000] =	vst @p0 v11;
	v4 =	vmin.u32 v4, $0x3FF;
	v6 =	vnsel vm13, $0x0, v6;
	v7 =	vnsel vm14, $0x0, v9  }
0x1f1: {  	s26 =	sor.u32 @p0 s7, s1;
	s1 =	sor.u32 @p0 s18, s1;
	s18 =	simm.s32 $0x0;
	[tilespmem:s8+$0x0] =	vst v12;
	v8 =	vnsel vm15, $0x0, v8;
	v9 =	vshll.u32 @p0 v3, $0x6;
	v11 =	vshll.u32 @p0 v4, $0x6  }
.LBB2_40:
0x1f2: {  	s5 =	simm.s32 $0x1  }
0x1f3: {  	v6 =	vmin.u32 v6, $0x3FF;
	v7 =	vmin.u32 v7, $0x3FF;
	v8 =	vmin.u32 v8, $0x3FF;
	s5 =	simm.s32 @!p2 $0x0  }
0x1f4: {  	v9 =	vand.u32 @p0 $0xFF00, v9;
	v10 =	vand.u32 @p0 $0xFF00, v10;
	v11 =	vand.u32 @p0 $0xFF00, v11;
	s0 =	sadd.s32 $0x80, s0;
	s5 =	sshll.u32 s5, $0x6  }
0x1f5: {  	v12 =	vshll.u32 @p0 v5, $0x8;
	v14 =	vshll.u32 @p0 v4, $0x8;
	v13 =	vshrl.u32 @p0 v7, $0x2;
	s5 =	sadd.s32 s5, s0  }
0x1f6: {  	v15 =	vshll.u32 @p0 v3, $0x8;
	v16 =	vshrl.u32 @p0 v6, $0x2;
	v17 =	vshrl.u32 @p0 v8, $0x2;
	s6 =	sadd.s32 $0x10, s5;
	s7 =	sadd.s32 $0x20, s5;
	s8 =	sadd.s32 $0x30, s5  }
0x1f7: {  	v9 =	vor.u32 @p0 v9, v16;
	v10 =	vor.u32 @p0 v10, v13;
	v11 =	vor.u32 @p0 v11, v17;
	s6 =	sor.u32 $0x80, s6;
	s7 =	sor.u32 $0x80, s7;
	s8 =	sor.u32 $0x80, s8  }
0x1f8: {  	v15 =	vand.u32 @p0 $0x3FE00, v15;
	v12 =	vand.u32 @p0 $0x3FE00, v12;
	v14 =	vand.u32 @p0 $0x3FE00, v14;
	s5 =	sor.u32 $0x80, s5;
	v13 =	vld [tilespmem:s8+$0x0]  }
0x1f9: {  	v5 =	vshll.u32 @!p0 v5, $0xA;
	v18 =	vshrl.u32 @p0 v8, $0x1;
	v17 =	vshrl.u32 @p0 v7, $0x1;
	v16 =	vld [tilespmem:s8+$0x2000]  }
0x1fa: {  	v3 =	vshll.u32 @!p0 v3, $0xA;
	v4 =	vshll.u32 @!p0 v4, $0xA;
	v20 =	vshrl.u32 @p0 v6, $0x1;
	v19 =	vld [tilespmem:s6+$0x2000]  }
0x1fb: {  	v9 =	vor.u32 @p0 $0x140000, v9;
	v10 =	vor.u32 @p0 $0x140000, v10;
	v11 =	vor.u32 @p0 $0x140000, v11;
	v21 =	vld [tilespmem:s7+$0x2000]  }
0x1fc: {  	v15 =	vor.u32 @p0 v15, v20;
	v14 =	vor.u32 @p0 v14, v18;
	v12 =	vor.u32 @p0 v12, v17;
	v22 =	vld [tilespmem:s5+$0x2000]  }
0x1fd: {  	v3 =	vor.u32 @!p0 v6, v3;
	v5 =	vor.u32 @!p0 v7, v5;
	v4 =	vor.u32 @!p0 v8, v4;
	v17 =	vld [tilespmem:s6+$0x0]  }
0x1fe: {  	v5 =	vpsel p0, v10, v5;
	v7 =	vadd.f32 $5.120000080e+01, v13;
	v6 =	vld [tilespmem:s7+$0x0];
	v8 =	vadd.f32 $5.120000080e+01, v16  }
0x1ff: {  	v3 =	vpsel p0, v9, v3;
	v4 =	vpsel p0, v11, v4;
	v10 =	vld [tilespmem:s5+$0x0];
	v13 =	vadd.f32 $5.120000080e+01, v19  }
0x200: {  	v7 =	vmul.f32 v7, v0;
	v9 =	vadd.f32 $5.120000080e+01, v21;
	v8 =	vmul.f32 v8, v0  }
0x201: {  	v12 =	vor.u32 @p0 $0x100000, v12;
	v11 =	vadd.f32 $5.120000080e+01, v22;
	v13 =	vmul.f32 v13, v0  }
0x202: {  	v7 =	vtrunc.f32 v7;
	v16 =	vadd.f32 $5.120000080e+01, v17;
	v8 =	vtrunc.f32 v8;
	[tilespmem:s26+$0x6000] =	vst @p0 v12  }
0x203: {  	v7 =	vcvt.f32.s32 v7;
	v6 =	vadd.f32 $5.120000080e+01, v6;
	v8 =	vcvt.f32.s32 v8;
	[tilespmem:s17+$0x0] =	vst v5  }
0x204: {  	v9 =	vmul.f32 v9, v0;
	v5 =	vadd.f32 $5.120000080e+01, v10;
	v10 =	vmul.f32 v11, v0  }
0x205: {  	v11 =	vmul.f32 v16, v0;
	vm0 =	vgt.s32 v7, $0x0;
	vm1 =	vgt.s32 v8, $0x0  }
0x206: {  	s16 =	sadd.s32 $0x4, s16;
	v6 =	vmul.f32 v6, v0;
	v7 =	vnsel vm0, $0x0, v7;
	v8 =	vnsel vm1, $0x0, v8  }
0x207: {  	p3 =	slt.u32 s16, $0xFC;
	s5 =	sshrl.u32 s16, $0x3;
	v5 =	vmul.f32 v5, v0;
	v7 =	vmin.u32 v7, $0x3FF;
	v8 =	vmin.u32 v8, $0x3FF  }
0x208: {  	s18 =	sadd.s32 $0x40, s18;
	s6 =	sshll.u32 @p0 s5, $0x7;
	s5 =	sshll.u32 @!p0 s5, $0x7;
	v16 =	vshrl.u32 @p0 v7, $0x1;
	v12 =	vshll.u32 @p0 v8, $0x8;
	v17 =	vshll.u32 @p0 v8, $0x6  }
0x209: {  	s7 =	sand.u32 $0x40, s18;
	s6 =	sand.u32 @p0 $0x3FFFFF80, s6;
	s5 =	sand.u32 @!p0 $0x3FFFFF80, s5;
	v18 =	vshrl.u32 @p0 v7, $0x2;
	v12 =	vand.u32 @p0 $0x3FE00, v12;
	v17 =	vand.u32 @p0 $0xFF00, v17  }
0x20a: {  	s15 =	sor.u32 $0x30, s7;
	s8 =	sadd.s32 @p0 $0x7000, s6;
	s5 =	sadd.s32 @!p0 $0x6000, s5;
	v8 =	vshll.u32 @!p0 v8, $0xA;
	v12 =	vor.u32 @p0 v12, v16;
	v16 =	vor.u32 @p0 v17, v18  }
0x20b: {  	s5 =	smov.u32 @p0 s8;
	s8 =	sor.u32 $0x10, s7;
	s17 =	sor.u32 @p0 s15, s6;
	v7 =	vor.u32 @!p0 v7, v8;
	v12 =	vor.u32 @p0 $0x100000, v12;
	v16 =	vor.u32 @p0 $0x140000, v16  }
0x20c: {  	s20 =	sor.u32 $0x20, s7;
	s19 =	sadd.s32 s7, s5;
	v9 =	vtrunc.f32 v9;
	s15 =	sadd.s32 s15, s5;
	v8 =	vtrunc.f32 v13;
	[tilespmem:s17+$0x6000] =	vst @p0 v12;
	v7 =	vpsel p0, v16, v7  }
0x20d: {  	s7 =	sor.u32 @p0 s7, s6;
	v10 =	vtrunc.f32 v10;
	v8 =	vcvt.f32.s32 v8;
	s17 =	sadd.s32 s8, s5;
	s5 =	sadd.s32 s20, s5;
	[tilespmem:s15+$0x0] =	vst v7;
	v7 =	vor.u32 @p0 $0x100000, v14  }
0x20e: {  	s26 =	sor.u32 @p0 s8, s6;
	v9 =	vcvt.f32.s32 v9;
	v10 =	vcvt.f32.s32 v10;
	v12 =	vor.u32 @p0 $0x100000, v15;
	[tilespmem:s1+$0x6000] =	vst @p0 v7;
	s1 =	sor.u32 @p0 s20, s6  }
0x20f: {  	v6 =	vtrunc.f32 v6;
	vm0 =	vgt.s32 v8, $0x0;
	v7 =	vtrunc.f32 v11;
	[tilespmem:s31+$0x0] =	vst v4;
	s31 =	smov.u32 s5  }
0x210: {  	vm1 =	vgt.s32 v9, $0x0;
	v4 =	vtrunc.f32 v5;
	v7 =	vcvt.f32.s32 v7;
	[tilespmem:s30+$0x6000] =	vst @p0 v12;
	s30 =	smov.u32 s7  }
0x211: {  	vm2 =	vgt.s32 v10, $0x0;
	v11 =	vcvt.f32.s32 v4;
	v12 =	vcvt.f32.s32 v6;
	[tilespmem:s29+$0x0] =	vst v3;
	s29 =	smov.u32 s19  }
.Ltmp26:
0x212: {  	v4 =	vnsel vm0, $0x0, v8;
	v6 =	vnsel vm1, $0x0, v9;
	v3 =	vnsel vm2, $0x0, v10;
	(pc) =	sbr.rel @p3 .LBB2_40-.Ltmp26, $4  }
0x213: {  	vm1 =	vgt.s32 v7, $0x0;
	vm0 =	vgt.s32 v11, $0x0;
	vm2 =	vgt.s32 v12, $0x0  }
0x214: {  	v5 =	vmin.u32 v4, $0x3FF;
	v4 =	vmin.u32 v6, $0x3FF;
	v3 =	vmin.u32 v3, $0x3FF  }
0x215: {  	v7 =	vnsel vm1, $0x0, v7;
	v6 =	vnsel vm0, $0x0, v11;
	v8 =	vnsel vm2, $0x0, v12  }
0x216: {  	p2 =	por !p2, !p2;
	v10 =	vshll.u32 @p0 v5, $0x6;
	v9 =	vshll.u32 @p0 v3, $0x6;
	v11 =	vshll.u32 @p0 v4, $0x6  }
0x217: {  	v6 =	vmin.u32 v6, $0x3FF;
	v7 =	vmin.u32 v7, $0x3FF  }
0x218: {  	v8 =	vmin.u32 v8, $0x3FF;
	v9 =	vand.u32 @p0 $0xFF00, v9;
	v10 =	vand.u32 @p0 $0xFF00, v10  }
0x219: {  	v11 =	vand.u32 @p0 $0xFF00, v11;
	v12 =	vshll.u32 @p0 v5, $0x8;
	v14 =	vshll.u32 @p0 v4, $0x8  }
0x21a: {  	v15 =	vshll.u32 @p0 v3, $0x8;
	v5 =	vshll.u32 @!p0 v5, $0xA;
	v4 =	vshll.u32 @!p0 v4, $0xA  }
0x21b: {  	v3 =	vshll.u32 @!p0 v3, $0xA;
	v13 =	vshrl.u32 @p0 v7, $0x2;
	v16 =	vshrl.u32 @p0 v6, $0x2  }
0x21c: {  	v17 =	vshrl.u32 @p0 v8, $0x2;
	v12 =	vand.u32 @p0 $0x3FE00, v12;
	v14 =	vand.u32 @p0 $0x3FE00, v14  }
0x21d: {  	v5 =	vor.u32 @!p0 v7, v5;
	v4 =	vor.u32 @!p0 v8, v4;
	v9 =	vor.u32 @p0 v9, v16  }
0x21e: {  	v10 =	vor.u32 @p0 v10, v13;
	v13 =	vand.u32 @p0 $0x3FE00, v15;
	v15 =	vshrl.u32 @p0 v7, $0x1  }
0x21f: {  	v11 =	vor.u32 @p0 v11, v17;
	v17 =	vshrl.u32 @p0 v6, $0x1;
	v12 =	vor.u32 @p0 v12, v15  }
0x220: {  	v16 =	vshrl.u32 @p0 v8, $0x1;
	v8 =	vor.u32 @p0 v13, v17;
	v7 =	vor.u32 @p0 $0x100000, v12  }
0x221: {  	v3 =	vor.u32 @!p0 v6, v3;
	v10 =	vor.u32 @p0 $0x140000, v10;
	v6 =	vor.u32 @p0 $0x100000, v8;
	[tilespmem:s26+$0x6000] =	vst @p0 v7  }
0x222: {  	v12 =	vor.u32 @p0 v14, v16;
	v5 =	vpsel p0, v10, v5;
	[tilespmem:s30+$0x6000] =	vst @p0 v6  }
0x223: {  	v7 =	vor.u32 @p0 $0x140000, v11;
	[tilespmem:s17+$0x0] =	vst v5;
	v5 =	vor.u32 @p0 $0x100000, v12  }
.Ltmp27:
0x224: {  	v4 =	vpsel p0, v7, v4;
	[tilespmem:s1+$0x6000] =	vst @p0 v5;
	v5 =	vor.u32 @p0 $0x140000, v9;
	(pc) =	sbr.rel @!p1 .LBB2_43-.Ltmp27, $4  }
0x225: {  	[tilespmem:s31+$0x0] =	vst v4;
	v3 =	vpsel p0, v5, v3  }
0x226: {  	[tilespmem:s29+$0x0] =	vst v3  }
0x227: {  	s0 =	simm.s32 $0x6000;
	s1 =	sadd.s32 $0xFFFFFFFF, s28;
	_ =	strace $0x9000004C  }
0x228: {  	[spmem:s2] =	stream.indirect.scatter [tilespmem:s23], [sflag:$0x3], $0x1, s0, s22, $0xb8;
	[tilespmem:$0x1D880] =	vst v63  }
.LBB2_42:
0x229: {  	p2 =	sne.s32 s1, $0x1  }
.Ltmp28:
0x22a: {  	_ = 	snop;
	(pc) =	sbr.rel @p2 .LBB2_42-.Ltmp28, $3  }
0x22b: {  	_ = 	snop  }
0x22c: {  	s1 =	sadd.s32 $0xFFFFFFFF, s1;
	s0 =	sadd.s32 $0x80, s0;
	_ =	sdelay $0x1  }
0x22d: {  	[spmem:s2] =	stream.indirect.scatter [tilespmem:s23], [sflag:$0x3], $0x1, s0, s22, $0xb8;
	[tilespmem:$0x1D880] =	vst v63  }
.LBB2_43:
.Ltmp29:
0x22e: {  	(pc) =	sbr.rel @!p1 .LBB2_45-.Ltmp29, $4  }
0x22f: {  	_ =	strace $0x8000004D  }
0x230: {  	_ =	swait.ge [sflag:s24], $0x80  }
0x231: {  	s0 =	sadd.s32 $0xFFFFFFFF, s28;
	s7 =	rddreg [dreg:$0x4]  }
0x232: {  	s15 =	simm.s32 $0x8080;
	[sflag:s24] =	ssyncset.done $0x0;
	s6 =	rddreg [dreg:$0x6]  }
.LBB2_44:
0x233: {  	p2 =	sne.s32 s0, $0x1;
	s0 =	sadd.s32 $0xFFFFFFFF, s0;
	[sflag:s24] =	ssyncadd.s32 $0xFFFFFF80  }
.Ltmp30:
0x234: {  	(pc) =	sbr.rel @p2 .LBB2_44-.Ltmp30, $3  }
0x235: {  	_ =	sdelay $0x1  }
0x236: {  	_ =	swait.ge [sflag:s24], $0x80  }
0x237: {  	[sflag:s24] =	ssyncset.done $0x0  }
.LBB2_45:
.Ltmp31:
0x238: {  	(pc) =	sbr.rel @!p1 .LBB2_47-.Ltmp31, $4  }
0x239: {  	_ = 	snop  }
0x23a: {  	[sflag:s24] =	ssyncadd.s32 $0xFFFFFF80  }
0x23b: {  	_ =	swait.ge [sflag:s25], $0x80  }
0x23c: {  	s0 =	sadd.s32 $0xFFFFFFFF, s28;
	[sflag:s25] =	ssyncset.done $0x0  }
.LBB2_46:
0x23d: {  	p1 =	sne.s32 s0, $0x1;
	s0 =	sadd.s32 $0xFFFFFFFF, s0;
	[sflag:s25] =	ssyncadd.s32 $0xFFFFFF80  }
.Ltmp32:
0x23e: {  	(pc) =	sbr.rel @p1 .LBB2_46-.Ltmp32, $3  }
0x23f: {  	_ =	sdelay $0x1  }
0x240: {  	_ =	swait.ge [sflag:s25], $0x80  }
0x241: {  	[sflag:s25] =	ssyncset.done $0x0  }
.LBB2_47:
0x242: {  	[sflag:s25] =	ssyncadd.s32 $0xFFFFFF80  }
0x243: {  	[bflag:$0x0] =	sbarrier.arrive $0xFFFF  }
0x244: {  	_ =	strace $0x9000004D  }
0x245: {  	s0 =	stileid.u32;
	_ =	strace $0x8000004E  }
0x246: {  	s1 =	sshrl.u32 s6, $0x3;
	s0 =	sshll.u32 s0, $0x6;
	s5 =	rddreg [dreg:$0x7]  }
0x247: {  	s29 =	simm.s32 $0x5;
	s0 =	sor.u32 $0x1C05, s0;
	s8 =	rddreg [dreg:$0x8]  }
0x248: {  	[hbm:s8], [sflag:s0] =	dma.local [spmem:s1], s5  }
0x249: {  	_ =	swait.ge [sflag:s29], s5  }
0x24a: {  	s5 =	rddreg [dreg:$0xb]  }
0x24b: {  	s31 =	rddreg [dreg:$0xa];
	s5 =	sadd.s32 $0x1, s5  }
0x24c: {  	p1 =	sne.s32 s5, s31  }
.Ltmp33:
0x24d: {  	_ = 	snop;
	(pc) =	sbr.rel @p1 .LBB2_1-.Ltmp33, $4  }
0x24e: {  	_ = 	snop  }
0x24f: {  	[sflag:s29] =	ssyncset.done $0x0;
	s30 =	rddreg [dreg:$0x9]  }
0x250: {  	[sflag:s29] =	ssyncadd.s32 s30  }
0x251: {  	_ =	strace $0x9000004E  }
0x252: {  	_ =	sfence.sel $0x180000  }
0x253: {  	[bflag:$0x0] =	sbarrier.arrive $0xFFFF  }
0x254: {  	_ =	strace $0x90000047  }
0x255: {  	s0 =	stileid.u32;
	[bflag:$0x2] =	sbarrier.arrive $0xFFFF  }
0x256: {  	p0 =	sne.s32 s0, $0x0;
	s0 =	rddreg [dreg:$0x2]  }
0x257: {  	s0 =	sadd.s32 @!p0 $0x100000, s0  }
0x258: {  	[sflag:s0] =	ssyncadd.tile.s32 @!p0 $0x1;
	_ =	shalt  }
.Lfunc_end2:
_tile_overlayer_lowered:
.L_overlay_start_2:
0x259: {  	(tag) =	ssettag $0x2  }
0x25a: {  	s0 =	rddreg [dreg:$0x0];
	s2 =	stileid.u32  }
0x25b: {  	s1 =	rddreg [dreg:$0x1];
	p0 =	sne.s32 s2, $0x0  }
0x25c: {  	s3 =	rddreg [dreg:$0x2];
	[bflag:$0x3] =	sbarrier.arrive $0xFFFF;
	s2 =	simm.s32 @!p0 $0x1C05  }
0x25d: {  	[timem:s3], [sflag:s2] =	dma.local @!p0 [hbm:s0], s1  }
0x25e: {  	s0 =	simm.s32 @!p0 $0x5  }
0x25f: {  	_ =	swait.ge @!p0 [sflag:s0], s1  }
0x260: {  	s1 =	ssub.s32 @!p0 $0x0, s1;
	[sflag:s0] =	ssyncset.done @!p0 $0x0  }
0x261: {  	[sflag:s0] =	ssyncadd.s32 @!p0 s1  }
0x262: {  	[bflag:$0x3] =	sbarrier.arrive $0xFFFF  }
0x263: {  	_ =	shalt  }

</sc_bundles>
